<compile_context>
chip_gen: v7x
topology: tpu7x:2x2x1
jax: 0.10.2.dev20260603
libtpu: 0.0.44.dev20260713+nightly
codegen_flags: <defaults>
</compile_context>

<pallas_src>
import jax
import jax.numpy as jnp
from jax import lax
from jax.experimental import pallas as pl
from jax.experimental.pallas import tpu as pltpu
from jax.experimental.pallas import tpu_sc as plsc

N, K, M = 4096, 64, 512
L = 16
NC, NS = 2, 16
NW = NC * NS
ROWS_PER_W = N // NW
R_BLK = 128

C = 8
NCH = ROWS_PER_W // C
TILE_W = C * K * K
AB_W = C * M


def _adj_body(sa_ref, sba_ref, out_ref):
    sba = sba_ref[...]
    lse_ba = jnp.log(jnp.sum(jnp.exp(sba), axis=-1))
    sa = sa_ref[...]
    lse_a = jnp.log(jnp.sum(jnp.exp(sa), axis=-1, keepdims=True))
    out_ref[...] = sa - lse_a - lse_ba


def _compute_adj(sa, sba):
    return pl.pallas_call(
        _adj_body,
        grid=(N // R_BLK,),
        in_specs=[
            pl.BlockSpec((R_BLK, K), lambda i: (i, 0)),
            pl.BlockSpec((R_BLK, K, K), lambda i: (i, 0, 0)),
        ],
        out_specs=pl.BlockSpec((R_BLK, K), lambda i: (i, 0)),
        out_shape=jax.ShapeDtypeStruct((N, K), jnp.float32),
    )(sa, sba)


def _sc_gather_body(sba_hbm, adj_hbm, a_hbm, b_hbm, out_hbm,
                    tile0, tile1, a0, a1, b0, b1, o0, o1, adj_all,
                    sin0, sin1, sout0, sout1):
    wid = lax.axis_index("s") * NC + lax.axis_index("c")
    rbase = wid * ROWS_PER_W
    tiles = (tile0, tile1)
    avs = (a0, a1)
    bvs = (b0, b1)
    ovs = (o0, o1)
    sins = (sin0, sin1)
    souts = (sout0, sout1)

    pltpu.sync_copy(adj_hbm.at[pl.ds(rbase * K, ROWS_PER_W * K)], adj_all)

    def start_in(c, buf):
        row0 = rbase + c * C
        pltpu.async_copy(sba_hbm.at[pl.ds(row0 * K * K, TILE_W)],
                         tiles[buf], sins[buf])
        pltpu.async_copy(a_hbm.at[pl.ds(row0 * M, AB_W)], avs[buf], sins[buf])
        pltpu.async_copy(b_hbm.at[pl.ds(row0 * M, AB_W)], bvs[buf], sins[buf])

    def wait_in(buf):
        pltpu.make_async_copy(sba_hbm.at[pl.ds(0, TILE_W)],
                              tiles[buf], sins[buf]).wait()
        pltpu.make_async_copy(a_hbm.at[pl.ds(0, AB_W)], avs[buf], sins[buf]).wait()
        pltpu.make_async_copy(b_hbm.at[pl.ds(0, AB_W)], bvs[buf], sins[buf]).wait()

    start_in(0, 0)
    start_in(1, 1)

    def chunk_body(c, buf):
        wait_in(buf)

        @pl.when(c >= 2)
        def _():
            pltpu.make_async_copy(ovs[buf], out_hbm.at[pl.ds(0, AB_W)],
                                  souts[buf]).wait()

        for r in range(C):
            t_base = r * K * K
            o_base = r * M
            adj_off = (c * C + r) * K

            def j_fn(j, carry, _t=t_base, _o=o_base, _a=adj_off, _b=buf):
                off = _o + j * L
                av = avs[_b][pl.ds(off, L)]
                bv = bvs[_b][pl.ds(off, L)]
                val = plsc.load_gather(tiles[_b], [av * K + bv + _t])
                adjv = plsc.load_gather(adj_all, [av + _a])
                ovs[_b][pl.ds(off, L)] = val + adjv
                return carry

            lax.fori_loop(0, M // L, j_fn, 0, unroll=4)

        row0 = rbase + c * C
        pltpu.async_copy(ovs[buf], out_hbm.at[pl.ds(row0 * M, AB_W)],
                         souts[buf])

        @pl.when(c + 2 < NCH)
        def _():
            start_in(c + 2, buf)

    def outer(i, carry):
        chunk_body(i * 2, 0)
        chunk_body(i * 2 + 1, 1)
        return carry

    lax.fori_loop(0, NCH // 2, outer, 0)
    pltpu.make_async_copy(ovs[0], out_hbm.at[pl.ds(0, AB_W)], souts[0]).wait()
    pltpu.make_async_copy(ovs[1], out_hbm.at[pl.ds(0, AB_W)], souts[1]).wait()


@jax.jit
def _sc_gather(sba_flat, adj, a_flat, b_flat):
    mesh = plsc.VectorSubcoreMesh(core_axis_name="c", subcore_axis_name="s")
    fn = pl.kernel(
        _sc_gather_body,
        out_type=jax.ShapeDtypeStruct((N * M,), jnp.float32),
        mesh=mesh,
        scratch_types=[
            pltpu.VMEM((TILE_W,), jnp.float32),
            pltpu.VMEM((TILE_W,), jnp.float32),
            pltpu.VMEM((AB_W,), jnp.int32),
            pltpu.VMEM((AB_W,), jnp.int32),
            pltpu.VMEM((AB_W,), jnp.int32),
            pltpu.VMEM((AB_W,), jnp.int32),
            pltpu.VMEM((AB_W,), jnp.float32),
            pltpu.VMEM((AB_W,), jnp.float32),
            pltpu.VMEM((ROWS_PER_W * K,), jnp.float32),
            pltpu.SemaphoreType.DMA,
            pltpu.SemaphoreType.DMA,
            pltpu.SemaphoreType.DMA,
            pltpu.SemaphoreType.DMA,
        ],
        compiler_params=pltpu.CompilerParams(needs_layout_passes=False),
    )
    return fn(sba_flat, adj.reshape(N * K), a_flat, b_flat)


def kernel(sa, sba, a, b):
    adj = _compute_adj(sa, sba)
    return _sc_gather(sba.reshape(N * K * K), adj,
                      a.reshape(N * M), b.reshape(N * M))

# --- scband reference (transcript-rebuilt; emitter-appended) ---
"""Pipeline reference for scband-categorical-module-3375844294778 (READ-ONLY COPY).

The authoritative reference and input builder live on the scoring server;
editing this copy changes nothing except your own understanding.
"""

import jax, jax.numpy as jnp
import numpy as np

N, K, M = 4096, 64, 512


def setup_inputs(seed: int = 0) -> dict:
    key = jax.random.key(seed)
    k1, k2, k3, k4 = jax.random.split(key, 4)
    sa = jax.random.normal(k1, (N, K), dtype=jnp.float32)
    sba = jax.random.normal(k2, (N, K, K), dtype=jnp.float32)
    a = jax.random.randint(k3, (N, M), 0, K)
    b = jax.random.randint(k4, (N, M), 0, K)
    return {"sa": sa, "sba": sba, "a": a, "b": b}


def reference(sa, sba, a, b):
    # CategoricalModule.to_joint():
    #   joint[i, j, l] = log_softmax(sba, dim=2)[i, j, l] + log_softmax(sa, dim=1)[i, j]
    log_cond = jax.nn.log_softmax(sba, axis=2)
    log_marg = jax.nn.log_softmax(sa, axis=1)
    joint = log_cond + log_marg[:, :, None]
    # CategoricalModule.forward(a, b) with BtoA=False:
    #   rows = arange(n) repeated m times; gather joint[rows, a.flat, b.flat]
    n, m = a.shape
    rows = jnp.repeat(jnp.arange(n), m)
    out = joint[rows, a.reshape(-1), b.reshape(-1)]
    return out

if __name__ == "__main__":
    import jax
    _d = setup_inputs()
    print(jax.jit(kernel)(*tuple(_d.values())))

</pallas_src>

<mosaic_0001>
#map = affine_map<(d0, d1) -> (0)>
module attributes {stable_mosaic.version = 14 : i64} {
  func.func @_sc_gather_body(%arg0: i32, %arg1: i32, %arg2: memref<16777216xf32, #tpu.memory_space<hbm>>, %arg3: memref<262144xf32, #tpu.memory_space<hbm>>, %arg4: memref<2097152xi32, #tpu.memory_space<hbm>>, %arg5: memref<2097152xi32, #tpu.memory_space<hbm>>, %arg6: memref<2097152xf32, #tpu.memory_space<hbm>>, %arg7: memref<32768xf32, #tpu.memory_space<vmem>>, %arg8: memref<32768xf32, #tpu.memory_space<vmem>>, %arg9: memref<4096xi32, #tpu.memory_space<vmem>>, %arg10: memref<4096xi32, #tpu.memory_space<vmem>>, %arg11: memref<4096xi32, #tpu.memory_space<vmem>>, %arg12: memref<4096xi32, #tpu.memory_space<vmem>>, %arg13: memref<4096xf32, #tpu.memory_space<vmem>>, %arg14: memref<4096xf32, #tpu.memory_space<vmem>>, %arg15: memref<8192xf32, #tpu.memory_space<vmem>>, %arg16: memref<!tpu.dma_semaphore, #tpu.memory_space<semaphore_mem>>, %arg17: memref<!tpu.dma_semaphore, #tpu.memory_space<semaphore_mem>>, %arg18: memref<!tpu.dma_semaphore, #tpu.memory_space<semaphore_mem>>, %arg19: memref<!tpu.dma_semaphore, #tpu.memory_space<semaphore_mem>>) attributes {dimension_semantics = [#tpu.dimension_semantics<core_parallel>, #tpu.dimension_semantics<subcore_parallel>], iteration_bounds = array<i64: 2, 16>, scalar_prefetch = 0 : i64, scratch_operands = 13 : i64, tpu.core_type = #tpu.core_type<sc_vector_subcore>, window_params = [{transform_indices = #map}, {transform_indices = #map}, {transform_indices = #map}, {transform_indices = #map}, {transform_indices = #map}]} {
    %mul3A = arith.constant 2 : i32
    %mul3A_0 = arith.muli %arg1, %mul3A : i32
    %add3A = arith.addi %mul3A_0, %arg0 : i32
    %mul3A_1 = arith.constant 128 : i32
    %mul3A_2 = arith.muli %add3A, %mul3A_1 : i32
    %mul3A_3 = arith.constant 64 : i32
    %mul3A_4 = arith.muli %mul3A_2, %mul3A_3 : i32
    "tpu.region"() ({
      %run_scoped3A = tpu.sem_alloc : memref<!tpu.dma_semaphore, #tpu.memory_space<semaphore_mem>>
      %dma_start3A_48 = tpu.memref_slice %arg3[%mul3A_4] : memref<262144xf32, #tpu.memory_space<hbm>> -> memref<8192xf32, #tpu.memory_space<hbm>>
      %dma_start3A_49 = tpu.memref_slice %arg3[%mul3A_4] : memref<262144xf32, #tpu.memory_space<hbm>> -> memref<8192xf32, #tpu.memory_space<hbm>>
      tpu.enqueue_dma source(%dma_start3A_49 : memref<8192xf32, #tpu.memory_space<hbm>>) target(%arg15 : memref<8192xf32, #tpu.memory_space<vmem>>) target_semaphore(%run_scoped3A : memref<!tpu.dma_semaphore, #tpu.memory_space<semaphore_mem>>)
      %dma_wait3A_50 = tpu.memref_slice %arg3[%mul3A_4] : memref<262144xf32, #tpu.memory_space<hbm>> -> memref<8192xf32, #tpu.memory_space<hbm>>
      %dma_wait3A_51 = tpu.memref_slice %arg3[%mul3A_4] : memref<262144xf32, #tpu.memory_space<hbm>> -> memref<8192xf32, #tpu.memory_space<hbm>>
      tpu.wait_dma2 semaphore(%run_scoped3A : memref<!tpu.dma_semaphore, #tpu.memory_space<semaphore_mem>>) src(%dma_wait3A_51 : memref<8192xf32, #tpu.memory_space<hbm>>) dst(%arg15 : memref<8192xf32, #tpu.memory_space<vmem>>)
      tpu.yield
    }) : () -> ()
    %add3A_5 = arith.constant 0 : i32
    %add3A_6 = arith.addi %mul3A_2, %add3A_5 : i32
    %mul3A_7 = arith.constant 64 : i32
    %mul3A_8 = arith.muli %add3A_6, %mul3A_7 : i32
    %mul3A_9 = arith.constant 64 : i32
    %mul3A_10 = arith.muli %mul3A_8, %mul3A_9 : i32
    %dma_start3A = tpu.memref_slice %arg2[%mul3A_10] : memref<16777216xf32, #tpu.memory_space<hbm>> -> memref<32768xf32, #tpu.memory_space<hbm>>
    %dma_start3A_11 = tpu.memref_slice %arg2[%mul3A_10] : memref<16777216xf32, #tpu.memory_space<hbm>> -> memref<32768xf32, #tpu.memory_space<hbm>>
    tpu.enqueue_dma source(%dma_start3A_11 : memref<32768xf32, #tpu.memory_space<hbm>>) target(%arg7 : memref<32768xf32, #tpu.memory_space<vmem>>) target_semaphore(%arg16 : memref<!tpu.dma_semaphore, #tpu.memory_space<semaphore_mem>>)
    %mul3A_12 = arith.constant 512 : i32
    %mul3A_13 = arith.muli %add3A_6, %mul3A_12 : i32
    %dma_start3A_14 = tpu.memref_slice %arg4[%mul3A_13] : memref<2097152xi32, #tpu.memory_space<hbm>> -> memref<4096xi32, #tpu.memory_space<hbm>>
    %dma_start3A_15 = tpu.memref_slice %arg4[%mul3A_13] : memref<2097152xi32, #tpu.memory_space<hbm>> -> memref<4096xi32, #tpu.memory_space<hbm>>
    tpu.enqueue_dma source(%dma_start3A_15 : memref<4096xi32, #tpu.memory_space<hbm>>) target(%arg9 : memref<4096xi32, #tpu.memory_space<vmem>>) target_semaphore(%arg16 : memref<!tpu.dma_semaphore, #tpu.memory_space<semaphore_mem>>)
    %mul3A_16 = arith.constant 512 : i32
    %mul3A_17 = arith.muli %add3A_6, %mul3A_16 : i32
    %dma_start3A_18 = tpu.memref_slice %arg5[%mul3A_17] : memref<2097152xi32, #tpu.memory_space<hbm>> -> memref<4096xi32, #tpu.memory_space<hbm>>
    %dma_start3A_19 = tpu.memref_slice %arg5[%mul3A_17] : memref<2097152xi32, #tpu.memory_space<hbm>> -> memref<4096xi32, #tpu.memory_space<hbm>>
    tpu.enqueue_dma source(%dma_start3A_19 : memref<4096xi32, #tpu.memory_space<hbm>>) target(%arg11 : memref<4096xi32, #tpu.memory_space<vmem>>) target_semaphore(%arg16 : memref<!tpu.dma_semaphore, #tpu.memory_space<semaphore_mem>>)
    %add3A_20 = arith.constant 8 : i32
    %add3A_21 = arith.addi %mul3A_2, %add3A_20 : i32
    %mul3A_22 = arith.constant 64 : i32
    %mul3A_23 = arith.muli %add3A_21, %mul3A_22 : i32
    %mul3A_24 = arith.constant 64 : i32
    %mul3A_25 = arith.muli %mul3A_23, %mul3A_24 : i32
    %dma_start3A_26 = tpu.memref_slice %arg2[%mul3A_25] : memref<16777216xf32, #tpu.memory_space<hbm>> -> memref<32768xf32, #tpu.memory_space<hbm>>
    %dma_start3A_27 = tpu.memref_slice %arg2[%mul3A_25] : memref<16777216xf32, #tpu.memory_space<hbm>> -> memref<32768xf32, #tpu.memory_space<hbm>>
    tpu.enqueue_dma source(%dma_start3A_27 : memref<32768xf32, #tpu.memory_space<hbm>>) target(%arg8 : memref<32768xf32, #tpu.memory_space<vmem>>) target_semaphore(%arg17 : memref<!tpu.dma_semaphore, #tpu.memory_space<semaphore_mem>>)
    %mul3A_28 = arith.constant 512 : i32
    %mul3A_29 = arith.muli %add3A_21, %mul3A_28 : i32
    %dma_start3A_30 = tpu.memref_slice %arg4[%mul3A_29] : memref<2097152xi32, #tpu.memory_space<hbm>> -> memref<4096xi32, #tpu.memory_space<hbm>>
    %dma_start3A_31 = tpu.memref_slice %arg4[%mul3A_29] : memref<2097152xi32, #tpu.memory_space<hbm>> -> memref<4096xi32, #tpu.memory_space<hbm>>
    tpu.enqueue_dma source(%dma_start3A_31 : memref<4096xi32, #tpu.memory_space<hbm>>) target(%arg10 : memref<4096xi32, #tpu.memory_space<vmem>>) target_semaphore(%arg17 : memref<!tpu.dma_semaphore, #tpu.memory_space<semaphore_mem>>)
    %mul3A_32 = arith.constant 512 : i32
    %mul3A_33 = arith.muli %add3A_21, %mul3A_32 : i32
    %dma_start3A_34 = tpu.memref_slice %arg5[%mul3A_33] : memref<2097152xi32, #tpu.memory_space<hbm>> -> memref<4096xi32, #tpu.memory_space<hbm>>
    %dma_start3A_35 = tpu.memref_slice %arg5[%mul3A_33] : memref<2097152xi32, #tpu.memory_space<hbm>> -> memref<4096xi32, #tpu.memory_space<hbm>>
    tpu.enqueue_dma source(%dma_start3A_35 : memref<4096xi32, #tpu.memory_space<hbm>>) target(%arg12 : memref<4096xi32, #tpu.memory_space<vmem>>) target_semaphore(%arg17 : memref<!tpu.dma_semaphore, #tpu.memory_space<semaphore_mem>>)
    %scan3A = arith.constant 0 : i32
    %scan3A_36 = arith.constant 0 : i32
    %scan3A_37 = arith.constant 8 : i32
    %scan3A_38 = arith.addi %scan3A_36, %scan3A_37 : i32
    %scan3A_39 = arith.constant 1 : i32
    scf.for %scan3A_48 = %scan3A_36 to %scan3A_38 step %scan3A_39  : i32 {
      %mul3A_49 = arith.constant 2 : i32
      %mul3A_50 = arith.muli %scan3A_48, %mul3A_49 : i32
      %dma_wait3A_51 = arith.constant 0 : i32
      %dma_wait3A_52 = tpu.memref_slice %arg2[%dma_wait3A_51] : memref<16777216xf32, #tpu.memory_space<hbm>> -> memref<32768xf32, #tpu.memory_space<hbm>>
      %dma_wait3A_53 = arith.constant 0 : i32
      %dma_wait3A_54 = tpu.memref_slice %arg2[%dma_wait3A_53] : memref<16777216xf32, #tpu.memory_space<hbm>> -> memref<32768xf32, #tpu.memory_space<hbm>>
      tpu.wait_dma2 semaphore(%arg16 : memref<!tpu.dma_semaphore, #tpu.memory_space<semaphore_mem>>) src(%dma_wait3A_54 : memref<32768xf32, #tpu.memory_space<hbm>>) dst(%arg7 : memref<32768xf32, #tpu.memory_space<vmem>>)
      %dma_wait3A_55 = arith.constant 0 : i32
      %dma_wait3A_56 = tpu.memref_slice %arg4[%dma_wait3A_55] : memref<2097152xi32, #tpu.memory_space<hbm>> -> memref<4096xi32, #tpu.memory_space<hbm>>
      %dma_wait3A_57 = arith.constant 0 : i32
      %dma_wait3A_58 = tpu.memref_slice %arg4[%dma_wait3A_57] : memref<2097152xi32, #tpu.memory_space<hbm>> -> memref<4096xi32, #tpu.memory_space<hbm>>
      tpu.wait_dma2 semaphore(%arg16 : memref<!tpu.dma_semaphore, #tpu.memory_space<semaphore_mem>>) src(%dma_wait3A_58 : memref<4096xi32, #tpu.memory_space<hbm>>) dst(%arg9 : memref<4096xi32, #tpu.memory_space<vmem>>)
      %dma_wait3A_59 = arith.constant 0 : i32
      %dma_wait3A_60 = tpu.memref_slice %arg5[%dma_wait3A_59] : memref<2097152xi32, #tpu.memory_space<hbm>> -> memref<4096xi32, #tpu.memory_space<hbm>>
      %dma_wait3A_61 = arith.constant 0 : i32
      %dma_wait3A_62 = tpu.memref_slice %arg5[%dma_wait3A_61] : memref<2097152xi32, #tpu.memory_space<hbm>> -> memref<4096xi32, #tpu.memory_space<hbm>>
      tpu.wait_dma2 semaphore(%arg16 : memref<!tpu.dma_semaphore, #tpu.memory_space<semaphore_mem>>) src(%dma_wait3A_62 : memref<4096xi32, #tpu.memory_space<hbm>>) dst(%arg11 : memref<4096xi32, #tpu.memory_space<vmem>>)
      %ge3A = arith.constant 2 : i32
      %ge3A_63 = arith.cmpi sge, %mul3A_50, %ge3A : i32
      %convert_element_type3A = arith.extui %ge3A_63 : i1 to i32
      %cond3A = arith.constant 0 : i32
      %cond3A_64 = arith.cmpi ne, %convert_element_type3A, %cond3A : i32
      scf.if %cond3A_64 {
        %dma_wait3A_305 = arith.constant 0 : i32
        %dma_wait3A_306 = tpu.memref_slice %arg6[%dma_wait3A_305] : memref<2097152xf32, #tpu.memory_space<hbm>> -> memref<4096xf32, #tpu.memory_space<hbm>>
        %dma_wait3A_307 = arith.constant 0 : i32
        %dma_wait3A_308 = tpu.memref_slice %arg6[%dma_wait3A_307] : memref<2097152xf32, #tpu.memory_space<hbm>> -> memref<4096xf32, #tpu.memory_space<hbm>>
        tpu.wait_dma2 semaphore(%arg18 : memref<!tpu.dma_semaphore, #tpu.memory_space<semaphore_mem>>) src(%arg13 : memref<4096xf32, #tpu.memory_space<vmem>>) dst(%dma_wait3A_308 : memref<4096xf32, #tpu.memory_space<hbm>>)
      } else {
      }
      %mul3A_65 = arith.constant 8 : i32
      %mul3A_66 = arith.muli %mul3A_50, %mul3A_65 : i32
      %add3A_67 = arith.constant 0 : i32
      %add3A_68 = arith.addi %mul3A_66, %add3A_67 : i32
      %mul3A_69 = arith.constant 64 : i32
      %mul3A_70 = arith.muli %add3A_68, %mul3A_69 : i32
      %scan3A_71 = arith.constant 0 : i32
      %scan3A_72 = arith.constant 0 : i32
      %scan3A_73 = arith.constant 32 : i32
      %scan3A_74 = arith.addi %scan3A_72, %scan3A_73 : i32
      %scan3A_75 = arith.constant 4 : i32
      scf.for %scan3A_305 = %scan3A_72 to %scan3A_74 step %scan3A_75  : i32 {
        %mul3A_306 = arith.constant 16 : i32
        %mul3A_307 = arith.muli %scan3A_305, %mul3A_306 : i32
        %add3A_308 = arith.constant 0 : i32
        %add3A_309 = arith.addi %add3A_308, %mul3A_307 : i32
        %get3A = arith.index_cast %add3A_309 : i32 to index
        %get3A_310 = tpu.vector_load %arg9[%get3A] {strides = array<i32>} : memref<4096xi32, #tpu.memory_space<vmem>>, vector<16xi32>,
        %get3A_311 = arith.index_cast %add3A_309 : i32 to index
        %get3A_312 = tpu.vector_load %arg11[%get3A_311] {strides = array<i32>} : memref<4096xi32, #tpu.memory_space<vmem>>, vector<16xi32>,
        %mul3A_313 = arith.constant 64 : i32
        %mul3A_314 = vector.broadcast %mul3A_313 : i32 to vector<16xi32>
        %mul3A_315 = arith.muli %get3A_310, %mul3A_314 : vector<16xi32>
        %add3A_316 = arith.addi %mul3A_315, %get3A_312 : vector<16xi32>
        %add3A_317 = arith.constant 0 : i32
        %add3A_318 = vector.broadcast %add3A_317 : i32 to vector<16xi32>
        %add3A_319 = arith.addi %add3A_316, %add3A_318 : vector<16xi32>
        %gather3A = tpu.vector_load_idx %arg7[%add3A_319] : memref<32768xf32, #tpu.memory_space<vmem>>[vector<16xi32>], vector<16xf32>,
        %add3A_320 = vector.broadcast %mul3A_70 : i32 to vector<16xi32>
        %add3A_321 = arith.addi %get3A_310, %add3A_320 : vector<16xi32>
        %gather3A_322 = tpu.vector_load_idx %arg15[%add3A_321] : memref<8192xf32, #tpu.memory_space<vmem>>[vector<16xi32>], vector<16xf32>,
        %add3A_323 = arith.addf %gather3A, %gather3A_322 : vector<16xf32>
        %swap3A = arith.index_cast %add3A_309 : i32 to index
        %swap3A_324 = tpu.vector_load %arg13[%swap3A] {strides = array<i32>} : memref<4096xf32, #tpu.memory_space<vmem>>, vector<16xf32>,
        tpu.vector_store %arg13[%swap3A], %add3A_323 {strides = array<i32>} : memref<4096xf32, #tpu.memory_space<vmem>>, vector<16xf32>,
        %scan3A_325 = arith.constant 1 : i32
        %scan3A_326 = arith.addi %scan3A_305, %scan3A_325 : i32
        %mul3A_327 = arith.constant 16 : i32
        %mul3A_328 = arith.muli %scan3A_326, %mul3A_327 : i32
        %add3A_329 = arith.constant 0 : i32
        %add3A_330 = arith.addi %add3A_329, %mul3A_328 : i32
        %get3A_331 = arith.index_cast %add3A_330 : i32 to index
        %get3A_332 = tpu.vector_load %arg9[%get3A_331] {strides = array<i32>} : memref<4096xi32, #tpu.memory_space<vmem>>, vector<16xi32>,
        %get3A_333 = arith.index_cast %add3A_330 : i32 to index
        %get3A_334 = tpu.vector_load %arg11[%get3A_333] {strides = array<i32>} : memref<4096xi32, #tpu.memory_space<vmem>>, vector<16xi32>,
        %mul3A_335 = arith.constant 64 : i32
        %mul3A_336 = vector.broadcast %mul3A_335 : i32 to vector<16xi32>
        %mul3A_337 = arith.muli %get3A_332, %mul3A_336 : vector<16xi32>
        %add3A_338 = arith.addi %mul3A_337, %get3A_334 : vector<16xi32>
        %add3A_339 = arith.constant 0 : i32
        %add3A_340 = vector.broadcast %add3A_339 : i32 to vector<16xi32>
        %add3A_341 = arith.addi %add3A_338, %add3A_340 : vector<16xi32>
        %gather3A_342 = tpu.vector_load_idx %arg7[%add3A_341] : memref<32768xf32, #tpu.memory_space<vmem>>[vector<16xi32>], vector<16xf32>,
        %add3A_343 = vector.broadcast %mul3A_70 : i32 to vector<16xi32>
        %add3A_344 = arith.addi %get3A_332, %add3A_343 : vector<16xi32>
        %gather3A_345 = tpu.vector_load_idx %arg15[%add3A_344] : memref<8192xf32, #tpu.memory_space<vmem>>[vector<16xi32>], vector<16xf32>,
        %add3A_346 = arith.addf %gather3A_342, %gather3A_345 : vector<16xf32>
        %swap3A_347 = arith.index_cast %add3A_330 : i32 to index
        %swap3A_348 = tpu.vector_load %arg13[%swap3A_347] {strides = array<i32>} : memref<4096xf32, #tpu.memory_space<vmem>>, vector<16xf32>,
        tpu.vector_store %arg13[%swap3A_347], %add3A_346 {strides = array<i32>} : memref<4096xf32, #tpu.memory_space<vmem>>, vector<16xf32>,
        %scan3A_349 = arith.constant 2 : i32
        %scan3A_350 = arith.addi %scan3A_305, %scan3A_349 : i32
        %mul3A_351 = arith.constant 16 : i32
        %mul3A_352 = arith.muli %scan3A_350, %mul3A_351 : i32
        %add3A_353 = arith.constant 0 : i32
        %add3A_354 = arith.addi %add3A_353, %mul3A_352 : i32
        %get3A_355 = arith.index_cast %add3A_354 : i32 to index
        %get3A_356 = tpu.vector_load %arg9[%get3A_355] {strides = array<i32>} : memref<4096xi32, #tpu.memory_space<vmem>>, vector<16xi32>,
        %get3A_357 = arith.index_cast %add3A_354 : i32 to index
        %get3A_358 = tpu.vector_load %arg11[%get3A_357] {strides = array<i32>} : memref<4096xi32, #tpu.memory_space<vmem>>, vector<16xi32>,
        %mul3A_359 = arith.constant 64 : i32
        %mul3A_360 = vector.broadcast %mul3A_359 : i32 to vector<16xi32>
        %mul3A_361 = arith.muli %get3A_356, %mul3A_360 : vector<16xi32>
        %add3A_362 = arith.addi %mul3A_361, %get3A_358 : vector<16xi32>
        %add3A_363 = arith.constant 0 : i32
        %add3A_364 = vector.broadcast %add3A_363 : i32 to vector<16xi32>
        %add3A_365 = arith.addi %add3A_362, %add3A_364 : vector<16xi32>
        %gather3A_366 = tpu.vector_load_idx %arg7[%add3A_365] : memref<32768xf32, #tpu.memory_space<vmem>>[vector<16xi32>], vector<16xf32>,
        %add3A_367 = vector.broadcast %mul3A_70 : i32 to vector<16xi32>
        %add3A_368 = arith.addi %get3A_356, %add3A_367 : vector<16xi32>
        %gather3A_369 = tpu.vector_load_idx %arg15[%add3A_368] : memref<8192xf32, #tpu.memory_space<vmem>>[vector<16xi32>], vector<16xf32>,
        %add3A_370 = arith.addf %gather3A_366, %gather3A_369 : vector<16xf32>
        %swap3A_371 = arith.index_cast %add3A_354 : i32 to index
        %swap3A_372 = tpu.vector_load %arg13[%swap3A_371] {strides = array<i32>} : memref<4096xf32, #tpu.memory_space<vmem>>, vector<16xf32>,
        tpu.vector_store %arg13[%swap3A_371], %add3A_370 {strides = array<i32>} : memref<4096xf32, #tpu.memory_space<vmem>>, vector<16xf32>,
        %scan3A_373 = arith.constant 3 : i32
        %scan3A_374 = arith.addi %scan3A_305, %scan3A_373 : i32
        %mul3A_375 = arith.constant 16 : i32
        %mul3A_376 = arith.muli %scan3A_374, %mul3A_375 : i32
        %add3A_377 = arith.constant 0 : i32
        %add3A_378 = arith.addi %add3A_377, %mul3A_376 : i32
        %get3A_379 = arith.index_cast %add3A_378 : i32 to index
        %get3A_380 = tpu.vector_load %arg9[%get3A_379] {strides = array<i32>} : memref<4096xi32, #tpu.memory_space<vmem>>, vector<16xi32>,
        %get3A_381 = arith.index_cast %add3A_378 : i32 to index
        %get3A_382 = tpu.vector_load %arg11[%get3A_381] {strides = array<i32>} : memref<4096xi32, #tpu.memory_space<vmem>>, vector<16xi32>,
        %mul3A_383 = arith.constant 64 : i32
        %mul3A_384 = vector.broadcast %mul3A_383 : i32 to vector<16xi32>
        %mul3A_385 = arith.muli %get3A_380, %mul3A_384 : vector<16xi32>
        %add3A_386 = arith.addi %mul3A_385, %get3A_382 : vector<16xi32>
        %add3A_387 = arith.constant 0 : i32
        %add3A_388 = vector.broadcast %add3A_387 : i32 to vector<16xi32>
        %add3A_389 = arith.addi %add3A_386, %add3A_388 : vector<16xi32>
        %gather3A_390 = tpu.vector_load_idx %arg7[%add3A_389] : memref<32768xf32, #tpu.memory_space<vmem>>[vector<16xi32>], vector<16xf32>,
        %add3A_391 = vector.broadcast %mul3A_70 : i32 to vector<16xi32>
        %add3A_392 = arith.addi %get3A_380, %add3A_391 : vector<16xi32>
        %gather3A_393 = tpu.vector_load_idx %arg15[%add3A_392] : memref<8192xf32, #tpu.memory_space<vmem>>[vector<16xi32>], vector<16xf32>,
        %add3A_394 = arith.addf %gather3A_390, %gather3A_393 : vector<16xf32>
        %swap3A_395 = arith.index_cast %add3A_378 : i32 to index
        %swap3A_396 = tpu.vector_load %arg13[%swap3A_395] {strides = array<i32>} : memref<4096xf32, #tpu.memory_space<vmem>>, vector<16xf32>,
        tpu.vector_store %arg13[%swap3A_395], %add3A_394 {strides = array<i32>} : memref<4096xf32, #tpu.memory_space<vmem>>, vector<16xf32>,
      }
      %scan3A_76 = arith.constant 32 : i32
      %mul3A_77 = arith.constant 8 : i32
      %mul3A_78 = arith.muli %mul3A_50, %mul3A_77 : i32
      %add3A_79 = arith.constant 1 : i32
      %add3A_80 = arith.addi %mul3A_78, %add3A_79 : i32
      %mul3A_81 = arith.constant 64 : i32
      %mul3A_82 = arith.muli %add3A_80, %mul3A_81 : i32
      %scan3A_83 = arith.constant 0 : i32
      %scan3A_84 = arith.constant 0 : i32
      %scan3A_85 = arith.constant 32 : i32
      %scan3A_86 = arith.addi %scan3A_84, %scan3A_85 : i32
      %scan3A_87 = arith.constant 4 : i32
      scf.for %scan3A_305 = %scan3A_84 to %scan3A_86 step %scan3A_87  : i32 {
        %mul3A_306 = arith.constant 16 : i32
        %mul3A_307 = arith.muli %scan3A_305, %mul3A_306 : i32
        %add3A_308 = arith.constant 512 : i32
        %add3A_309 = arith.addi %add3A_308, %mul3A_307 : i32
        %get3A = arith.index_cast %add3A_309 : i32 to index
        %get3A_310 = tpu.vector_load %arg9[%get3A] {strides = array<i32>} : memref<4096xi32, #tpu.memory_space<vmem>>, vector<16xi32>,
        %get3A_311 = arith.index_cast %add3A_309 : i32 to index
        %get3A_312 = tpu.vector_load %arg11[%get3A_311] {strides = array<i32>} : memref<4096xi32, #tpu.memory_space<vmem>>, vector<16xi32>,
        %mul3A_313 = arith.constant 64 : i32
        %mul3A_314 = vector.broadcast %mul3A_313 : i32 to vector<16xi32>
        %mul3A_315 = arith.muli %get3A_310, %mul3A_314 : vector<16xi32>
        %add3A_316 = arith.addi %mul3A_315, %get3A_312 : vector<16xi32>
        %add3A_317 = arith.constant 4096 : i32
        %add3A_318 = vector.broadcast %add3A_317 : i32 to vector<16xi32>
        %add3A_319 = arith.addi %add3A_316, %add3A_318 : vector<16xi32>
        %gather3A = tpu.vector_load_idx %arg7[%add3A_319] : memref<32768xf32, #tpu.memory_space<vmem>>[vector<16xi32>], vector<16xf32>,
        %add3A_320 = vector.broadcast %mul3A_82 : i32 to vector<16xi32>
        %add3A_321 = arith.addi %get3A_310, %add3A_320 : vector<16xi32>
        %gather3A_322 = tpu.vector_load_idx %arg15[%add3A_321] : memref<8192xf32, #tpu.memory_space<vmem>>[vector<16xi32>], vector<16xf32>,
        %add3A_323 = arith.addf %gather3A, %gather3A_322 : vector<16xf32>
        %swap3A = arith.index_cast %add3A_309 : i32 to index
        %swap3A_324 = tpu.vector_load %arg13[%swap3A] {strides = array<i32>} : memref<4096xf32, #tpu.memory_space<vmem>>, vector<16xf32>,
        tpu.vector_store %arg13[%swap3A], %add3A_323 {strides = array<i32>} : memref<4096xf32, #tpu.memory_space<vmem>>, vector<16xf32>,
        %scan3A_325 = arith.constant 1 : i32
        %scan3A_326 = arith.addi %scan3A_305, %scan3A_325 : i32
        %mul3A_327 = arith.constant 16 : i32
        %mul3A_328 = arith.muli %scan3A_326, %mul3A_327 : i32
        %add3A_329 = arith.constant 512 : i32
        %add3A_330 = arith.addi %add3A_329, %mul3A_328 : i32
        %get3A_331 = arith.index_cast %add3A_330 : i32 to index
        %get3A_332 = tpu.vector_load %arg9[%get3A_331] {strides = array<i32>} : memref<4096xi32, #tpu.memory_space<vmem>>, vector<16xi32>,
        %get3A_333 = arith.index_cast %add3A_330 : i32 to index
        %get3A_334 = tpu.vector_load %arg11[%get3A_333] {strides = array<i32>} : memref<4096xi32, #tpu.memory_space<vmem>>, vector<16xi32>,
        %mul3A_335 = arith.constant 64 : i32
        %mul3A_336 = vector.broadcast %mul3A_335 : i32 to vector<16xi32>
        %mul3A_337 = arith.muli %get3A_332, %mul3A_336 : vector<16xi32>
        %add3A_338 = arith.addi %mul3A_337, %get3A_334 : vector<16xi32>
        %add3A_339 = arith.constant 4096 : i32
        %add3A_340 = vector.broadcast %add3A_339 : i32 to vector<16xi32>
        %add3A_341 = arith.addi %add3A_338, %add3A_340 : vector<16xi32>
        %gather3A_342 = tpu.vector_load_idx %arg7[%add3A_341] : memref<32768xf32, #tpu.memory_space<vmem>>[vector<16xi32>], vector<16xf32>,
        %add3A_343 = vector.broadcast %mul3A_82 : i32 to vector<16xi32>
        %add3A_344 = arith.addi %get3A_332, %add3A_343 : vector<16xi32>
        %gather3A_345 = tpu.vector_load_idx %arg15[%add3A_344] : memref<8192xf32, #tpu.memory_space<vmem>>[vector<16xi32>], vector<16xf32>,
        %add3A_346 = arith.addf %gather3A_342, %gather3A_345 : vector<16xf32>
        %swap3A_347 = arith.index_cast %add3A_330 : i32 to index
        %swap3A_348 = tpu.vector_load %arg13[%swap3A_347] {strides = array<i32>} : memref<4096xf32, #tpu.memory_space<vmem>>, vector<16xf32>,
        tpu.vector_store %arg13[%swap3A_347], %add3A_346 {strides = array<i32>} : memref<4096xf32, #tpu.memory_space<vmem>>, vector<16xf32>,
        %scan3A_349 = arith.constant 2 : i32
        %scan3A_350 = arith.addi %scan3A_305, %scan3A_349 : i32
        %mul3A_351 = arith.constant 16 : i32
        %mul3A_352 = arith.muli %scan3A_350, %mul3A_351 : i32
        %add3A_353 = arith.constant 512 : i32
        %add3A_354 = arith.addi %add3A_353, %mul3A_352 : i32
        %get3A_355 = arith.index_cast %add3A_354 : i32 to index
        %get3A_356 = tpu.vector_load %arg9[%get3A_355] {strides = array<i32>} : memref<4096xi32, #tpu.memory_space<vmem>>, vector<16xi32>,
        %get3A_357 = arith.index_cast %add3A_354 : i32 to index
        %get3A_358 = tpu.vector_load %arg11[%get3A_357] {strides = array<i32>} : memref<4096xi32, #tpu.memory_space<vmem>>, vector<16xi32>,
        %mul3A_359 = arith.constant 64 : i32
        %mul3A_360 = vector.broadcast %mul3A_359 : i32 to vector<16xi32>
        %mul3A_361 = arith.muli %get3A_356, %mul3A_360 : vector<16xi32>
        %add3A_362 = arith.addi %mul3A_361, %get3A_358 : vector<16xi32>
        %add3A_363 = arith.constant 4096 : i32
        %add3A_364 = vector.broadcast %add3A_363 : i32 to vector<16xi32>
        %add3A_365 = arith.addi %add3A_362, %add3A_364 : vector<16xi32>
        %gather3A_366 = tpu.vector_load_idx %arg7[%add3A_365] : memref<32768xf32, #tpu.memory_space<vmem>>[vector<16xi32>], vector<16xf32>,
        %add3A_367 = vector.broadcast %mul3A_82 : i32 to vector<16xi32>
        %add3A_368 = arith.addi %get3A_356, %add3A_367 : vector<16xi32>
        %gather3A_369 = tpu.vector_load_idx %arg15[%add3A_368] : memref<8192xf32, #tpu.memory_space<vmem>>[vector<16xi32>], vector<16xf32>,
        %add3A_370 = arith.addf %gather3A_366, %gather3A_369 : vector<16xf32>
        %swap3A_371 = arith.index_cast %add3A_354 : i32 to index
        %swap3A_372 = tpu.vector_load %arg13[%swap3A_371] {strides = array<i32>} : memref<4096xf32, #tpu.memory_space<vmem>>, vector<16xf32>,
        tpu.vector_store %arg13[%swap3A_371], %add3A_370 {strides = array<i32>} : memref<4096xf32, #tpu.memory_space<vmem>>, vector<16xf32>,
        %scan3A_373 = arith.constant 3 : i32
        %scan3A_374 = arith.addi %scan3A_305, %scan3A_373 : i32
        %mul3A_375 = arith.constant 16 : i32
        %mul3A_376 = arith.muli %scan3A_374, %mul3A_375 : i32
        %add3A_377 = arith.constant 512 : i32
        %add3A_378 = arith.addi %add3A_377, %mul3A_376 : i32
        %get3A_379 = arith.index_cast %add3A_378 : i32 to index
        %get3A_380 = tpu.vector_load %arg9[%get3A_379] {strides = array<i32>} : memref<4096xi32, #tpu.memory_space<vmem>>, vector<16xi32>,
        %get3A_381 = arith.index_cast %add3A_378 : i32 to index
        %get3A_382 = tpu.vector_load %arg11[%get3A_381] {strides = array<i32>} : memref<4096xi32, #tpu.memory_space<vmem>>, vector<16xi32>,
        %mul3A_383 = arith.constant 64 : i32
        %mul3A_384 = vector.broadcast %mul3A_383 : i32 to vector<16xi32>
        %mul3A_385 = arith.muli %get3A_380, %mul3A_384 : vector<16xi32>
        %add3A_386 = arith.addi %mul3A_385, %get3A_382 : vector<16xi32>
        %add3A_387 = arith.constant 4096 : i32
        %add3A_388 = vector.broadcast %add3A_387 : i32 to vector<16xi32>
        %add3A_389 = arith.addi %add3A_386, %add3A_388 : vector<16xi32>
        %gather3A_390 = tpu.vector_load_idx %arg7[%add3A_389] : memref<32768xf32, #tpu.memory_space<vmem>>[vector<16xi32>], vector<16xf32>,
        %add3A_391 = vector.broadcast %mul3A_82 : i32 to vector<16xi32>
        %add3A_392 = arith.addi %get3A_380, %add3A_391 : vector<16xi32>
        %gather3A_393 = tpu.vector_load_idx %arg15[%add3A_392] : memref<8192xf32, #tpu.memory_space<vmem>>[vector<16xi32>], vector<16xf32>,
        %add3A_394 = arith.addf %gather3A_390, %gather3A_393 : vector<16xf32>
        %swap3A_395 = arith.index_cast %add3A_378 : i32 to index
        %swap3A_396 = tpu.vector_load %arg13[%swap3A_395] {strides = array<i32>} : memref<4096xf32, #tpu.memory_space<vmem>>, vector<16xf32>,
        tpu.vector_store %arg13[%swap3A_395], %add3A_394 {strides = array<i32>} : memref<4096xf32, #tpu.memory_space<vmem>>, vector<16xf32>,
      }
      %scan3A_88 = arith.constant 32 : i32
      %mul3A_89 = arith.constant 8 : i32
      %mul3A_90 = arith.muli %mul3A_50, %mul3A_89 : i32
      %add3A_91 = arith.constant 2 : i32
      %add3A_92 = arith.addi %mul3A_90, %add3A_91 : i32
      %mul3A_93 = arith.constant 64 : i32
      %mul3A_94 = arith.muli %add3A_92, %mul3A_93 : i32
      %scan3A_95 = arith.constant 0 : i32
      %scan3A_96 = arith.constant 0 : i32
      %scan3A_97 = arith.constant 32 : i32
      %scan3A_98 = arith.addi %scan3A_96, %scan3A_97 : i32
      %scan3A_99 = arith.constant 4 : i32
      scf.for %scan3A_305 = %scan3A_96 to %scan3A_98 step %scan3A_99  : i32 {
        %mul3A_306 = arith.constant 16 : i32
        %mul3A_307 = arith.muli %scan3A_305, %mul3A_306 : i32
        %add3A_308 = arith.constant 1024 : i32
        %add3A_309 = arith.addi %add3A_308, %mul3A_307 : i32
        %get3A = arith.index_cast %add3A_309 : i32 to index
        %get3A_310 = tpu.vector_load %arg9[%get3A] {strides = array<i32>} : memref<4096xi32, #tpu.memory_space<vmem>>, vector<16xi32>,
        %get3A_311 = arith.index_cast %add3A_309 : i32 to index
        %get3A_312 = tpu.vector_load %arg11[%get3A_311] {strides = array<i32>} : memref<4096xi32, #tpu.memory_space<vmem>>, vector<16xi32>,
        %mul3A_313 = arith.constant 64 : i32
        %mul3A_314 = vector.broadcast %mul3A_313 : i32 to vector<16xi32>
        %mul3A_315 = arith.muli %get3A_310, %mul3A_314 : vector<16xi32>
        %add3A_316 = arith.addi %mul3A_315, %get3A_312 : vector<16xi32>
        %add3A_317 = arith.constant 8192 : i32
        %add3A_318 = vector.broadcast %add3A_317 : i32 to vector<16xi32>
        %add3A_319 = arith.addi %add3A_316, %add3A_318 : vector<16xi32>
        %gather3A = tpu.vector_load_idx %arg7[%add3A_319] : memref<32768xf32, #tpu.memory_space<vmem>>[vector<16xi32>], vector<16xf32>,
        %add3A_320 = vector.broadcast %mul3A_94 : i32 to vector<16xi32>
        %add3A_321 = arith.addi %get3A_310, %add3A_320 : vector<16xi32>
        %gather3A_322 = tpu.vector_load_idx %arg15[%add3A_321] : memref<8192xf32, #tpu.memory_space<vmem>>[vector<16xi32>], vector<16xf32>,
        %add3A_323 = arith.addf %gather3A, %gather3A_322 : vector<16xf32>
        %swap3A = arith.index_cast %add3A_309 : i32 to index
        %swap3A_324 = tpu.vector_load %arg13[%swap3A] {strides = array<i32>} : memref<4096xf32, #tpu.memory_space<vmem>>, vector<16xf32>,
        tpu.vector_store %arg13[%swap3A], %add3A_323 {strides = array<i32>} : memref<4096xf32, #tpu.memory_space<vmem>>, vector<16xf32>,
        %scan3A_325 = arith.constant 1 : i32
        %scan3A_326 = arith.addi %scan3A_305, %scan3A_325 : i32
        %mul3A_327 = arith.constant 16 : i32
        %mul3A_328 = arith.muli %scan3A_326, %mul3A_327 : i32
        %add3A_329 = arith.constant 1024 : i32
        %add3A_330 = arith.addi %add3A_329, %mul3A_328 : i32
        %get3A_331 = arith.index_cast %add3A_330 : i32 to index
        %get3A_332 = tpu.vector_load %arg9[%get3A_331] {strides = array<i32>} : memref<4096xi32, #tpu.memory_space<vmem>>, vector<16xi32>,
        %get3A_333 = arith.index_cast %add3A_330 : i32 to index
        %get3A_334 = tpu.vector_load %arg11[%get3A_333] {strides = array<i32>} : memref<4096xi32, #tpu.memory_space<vmem>>, vector<16xi32>,
        %mul3A_335 = arith.constant 64 : i32
        %mul3A_336 = vector.broadcast %mul3A_335 : i32 to vector<16xi32>
        %mul3A_337 = arith.muli %get3A_332, %mul3A_336 : vector<16xi32>
        %add3A_338 = arith.addi %mul3A_337, %get3A_334 : vector<16xi32>
        %add3A_339 = arith.constant 8192 : i32
        %add3A_340 = vector.broadcast %add3A_339 : i32 to vector<16xi32>
        %add3A_341 = arith.addi %add3A_338, %add3A_340 : vector<16xi32>
        %gather3A_342 = tpu.vector_load_idx %arg7[%add3A_341] : memref<32768xf32, #tpu.memory_space<vmem>>[vector<16xi32>], vector<16xf32>,
        %add3A_343 = vector.broadcast %mul3A_94 : i32 to vector<16xi32>
        %add3A_344 = arith.addi %get3A_332, %add3A_343 : vector<16xi32>
        %gather3A_345 = tpu.vector_load_idx %arg15[%add3A_344] : memref<8192xf32, #tpu.memory_space<vmem>>[vector<16xi32>], vector<16xf32>,
        %add3A_346 = arith.addf %gather3A_342, %gather3A_345 : vector<16xf32>
        %swap3A_347 = arith.index_cast %add3A_330 : i32 to index
        %swap3A_348 = tpu.vector_load %arg13[%swap3A_347] {strides = array<i32>} : memref<4096xf32, #tpu.memory_space<vmem>>, vector<16xf32>,
        tpu.vector_store %arg13[%swap3A_347], %add3A_346 {strides = array<i32>} : memref<4096xf32, #tpu.memory_space<vmem>>, vector<16xf32>,
        %scan3A_349 = arith.constant 2 : i32
        %scan3A_350 = arith.addi %scan3A_305, %scan3A_349 : i32
        %mul3A_351 = arith.constant 16 : i32
        %mul3A_352 = arith.muli %scan3A_350, %mul3A_351 : i32
        %add3A_353 = arith.constant 1024 : i32
        %add3A_354 = arith.addi %add3A_353, %mul3A_352 : i32
        %get3A_355 = arith.index_cast %add3A_354 : i32 to index
        %get3A_356 = tpu.vector_load %arg9[%get3A_355] {strides = array<i32>} : memref<4096xi32, #tpu.memory_space<vmem>>, vector<16xi32>,
        %get3A_357 = arith.index_cast %add3A_354 : i32 to index
        %get3A_358 = tpu.vector_load %arg11[%get3A_357] {strides = array<i32>} : memref<4096xi32, #tpu.memory_space<vmem>>, vector<16xi32>,
        %mul3A_359 = arith.constant 64 : i32
        %mul3A_360 = vector.broadcast %mul3A_359 : i32 to vector<16xi32>
        %mul3A_361 = arith.muli %get3A_356, %mul3A_360 : vector<16xi32>
        %add3A_362 = arith.addi %mul3A_361, %get3A_358 : vector<16xi32>
        %add3A_363 = arith.constant 8192 : i32
        %add3A_364 = vector.broadcast %add3A_363 : i32 to vector<16xi32>
        %add3A_365 = arith.addi %add3A_362, %add3A_364 : vector<16xi32>
        %gather3A_366 = tpu.vector_load_idx %arg7[%add3A_365] : memref<32768xf32, #tpu.memory_space<vmem>>[vector<16xi32>], vector<16xf32>,
        %add3A_367 = vector.broadcast %mul3A_94 : i32 to vector<16xi32>
        %add3A_368 = arith.addi %get3A_356, %add3A_367 : vector<16xi32>
        %gather3A_369 = tpu.vector_load_idx %arg15[%add3A_368] : memref<8192xf32, #tpu.memory_space<vmem>>[vector<16xi32>], vector<16xf32>,
        %add3A_370 = arith.addf %gather3A_366, %gather3A_369 : vector<16xf32>
        %swap3A_371 = arith.index_cast %add3A_354 : i32 to index
        %swap3A_372 = tpu.vector_load %arg13[%swap3A_371] {strides = array<i32>} : memref<4096xf32, #tpu.memory_space<vmem>>, vector<16xf32>,
        tpu.vector_store %arg13[%swap3A_371], %add3A_370 {strides = array<i32>} : memref<4096xf32, #tpu.memory_space<vmem>>, vector<16xf32>,
        %scan3A_373 = arith.constant 3 : i32
        %scan3A_374 = arith.addi %scan3A_305, %scan3A_373 : i32
        %mul3A_375 = arith.constant 16 : i32
        %mul3A_376 = arith.muli %scan3A_374, %mul3A_375 : i32
        %add3A_377 = arith.constant 1024 : i32
        %add3A_378 = arith.addi %add3A_377, %mul3A_376 : i32
        %get3A_379 = arith.index_cast %add3A_378 : i32 to index
        %get3A_380 = tpu.vector_load %arg9[%get3A_379] {strides = array<i32>} : memref<4096xi32, #tpu.memory_space<vmem>>, vector<16xi32>,
        %get3A_381 = arith.index_cast %add3A_378 : i32 to index
        %get3A_382 = tpu.vector_load %arg11[%get3A_381] {strides = array<i32>} : memref<4096xi32, #tpu.memory_space<vmem>>, vector<16xi32>,
        %mul3A_383 = arith.constant 64 : i32
        %mul3A_384 = vector.broadcast %mul3A_383 : i32 to vector<16xi32>
        %mul3A_385 = arith.muli %get3A_380, %mul3A_384 : vector<16xi32>
        %add3A_386 = arith.addi %mul3A_385, %get3A_382 : vector<16xi32>
        %add3A_387 = arith.constant 8192 : i32
        %add3A_388 = vector.broadcast %add3A_387 : i32 to vector<16xi32>
        %add3A_389 = arith.addi %add3A_386, %add3A_388 : vector<16xi32>
        %gather3A_390 = tpu.vector_load_idx %arg7[%add3A_389] : memref<32768xf32, #tpu.memory_space<vmem>>[vector<16xi32>], vector<16xf32>,
        %add3A_391 = vector.broadcast %mul3A_94 : i32 to vector<16xi32>
        %add3A_392 = arith.addi %get3A_380, %add3A_391 : vector<16xi32>
        %gather3A_393 = tpu.vector_load_idx %arg15[%add3A_392] : memref<8192xf32, #tpu.memory_space<vmem>>[vector<16xi32>], vector<16xf32>,
        %add3A_394 = arith.addf %gather3A_390, %gather3A_393 : vector<16xf32>
        %swap3A_395 = arith.index_cast %add3A_378 : i32 to index
        %swap3A_396 = tpu.vector_load %arg13[%swap3A_395] {strides = array<i32>} : memref<4096xf32, #tpu.memory_space<vmem>>, vector<16xf32>,
        tpu.vector_store %arg13[%swap3A_395], %add3A_394 {strides = array<i32>} : memref<4096xf32, #tpu.memory_space<vmem>>, vector<16xf32>,
      }
      %scan3A_100 = arith.constant 32 : i32
      %mul3A_101 = arith.constant 8 : i32
      %mul3A_102 = arith.muli %mul3A_50, %mul3A_101 : i32
      %add3A_103 = arith.constant 3 : i32
      %add3A_104 = arith.addi %mul3A_102, %add3A_103 : i32
      %mul3A_105 = arith.constant 64 : i32
      %mul3A_106 = arith.muli %add3A_104, %mul3A_105 : i32
      %scan3A_107 = arith.constant 0 : i32
      %scan3A_108 = arith.constant 0 : i32
      %scan3A_109 = arith.constant 32 : i32
      %scan3A_110 = arith.addi %scan3A_108, %scan3A_109 : i32
      %scan3A_111 = arith.constant 4 : i32
      scf.for %scan3A_305 = %scan3A_108 to %scan3A_110 step %scan3A_111  : i32 {
        %mul3A_306 = arith.constant 16 : i32
        %mul3A_307 = arith.muli %scan3A_305, %mul3A_306 : i32
        %add3A_308 = arith.constant 1536 : i32
        %add3A_309 = arith.addi %add3A_308, %mul3A_307 : i32
        %get3A = arith.index_cast %add3A_309 : i32 to index
        %get3A_310 = tpu.vector_load %arg9[%get3A] {strides = array<i32>} : memref<4096xi32, #tpu.memory_space<vmem>>, vector<16xi32>,
        %get3A_311 = arith.index_cast %add3A_309 : i32 to index
        %get3A_312 = tpu.vector_load %arg11[%get3A_311] {strides = array<i32>} : memref<4096xi32, #tpu.memory_space<vmem>>, vector<16xi32>,
        %mul3A_313 = arith.constant 64 : i32
        %mul3A_314 = vector.broadcast %mul3A_313 : i32 to vector<16xi32>
        %mul3A_315 = arith.muli %get3A_310, %mul3A_314 : vector<16xi32>
        %add3A_316 = arith.addi %mul3A_315, %get3A_312 : vector<16xi32>
        %add3A_317 = arith.constant 12288 : i32
        %add3A_318 = vector.broadcast %add3A_317 : i32 to vector<16xi32>
        %add3A_319 = arith.addi %add3A_316, %add3A_318 : vector<16xi32>
        %gather3A = tpu.vector_load_idx %arg7[%add3A_319] : memref<32768xf32, #tpu.memory_space<vmem>>[vector<16xi32>], vector<16xf32>,
        %add3A_320 = vector.broadcast %mul3A_106 : i32 to vector<16xi32>
        %add3A_321 = arith.addi %get3A_310, %add3A_320 : vector<16xi32>
        %gather3A_322 = tpu.vector_load_idx %arg15[%add3A_321] : memref<8192xf32, #tpu.memory_space<vmem>>[vector<16xi32>], vector<16xf32>,
        %add3A_323 = arith.addf %gather3A, %gather3A_322 : vector<16xf32>
        %swap3A = arith.index_cast %add3A_309 : i32 to index
        %swap3A_324 = tpu.vector_load %arg13[%swap3A] {strides = array<i32>} : memref<4096xf32, #tpu.memory_space<vmem>>, vector<16xf32>,
        tpu.vector_store %arg13[%swap3A], %add3A_323 {strides = array<i32>} : memref<4096xf32, #tpu.memory_space<vmem>>, vector<16xf32>,
        %scan3A_325 = arith.constant 1 : i32
        %scan3A_326 = arith.addi %scan3A_305, %scan3A_325 : i32
        %mul3A_327 = arith.constant 16 : i32
        %mul3A_328 = arith.muli %scan3A_326, %mul3A_327 : i32
        %add3A_329 = arith.constant 1536 : i32
        %add3A_330 = arith.addi %add3A_329, %mul3A_328 : i32
        %get3A_331 = arith.index_cast %add3A_330 : i32 to index
        %get3A_332 = tpu.vector_load %arg9[%get3A_331] {strides = array<i32>} : memref<4096xi32, #tpu.memory_space<vmem>>, vector<16xi32>,
        %get3A_333 = arith.index_cast %add3A_330 : i32 to index
        %get3A_334 = tpu.vector_load %arg11[%get3A_333] {strides = array<i32>} : memref<4096xi32, #tpu.memory_space<vmem>>, vector<16xi32>,
        %mul3A_335 = arith.constant 64 : i32
        %mul3A_336 = vector.broadcast %mul3A_335 : i32 to vector<16xi32>
        %mul3A_337 = arith.muli %get3A_332, %mul3A_336 : vector<16xi32>
        %add3A_338 = arith.addi %mul3A_337, %get3A_334 : vector<16xi32>
        %add3A_339 = arith.constant 12288 : i32
        %add3A_340 = vector.broadcast %add3A_339 : i32 to vector<16xi32>
        %add3A_341 = arith.addi %add3A_338, %add3A_340 : vector<16xi32>
        %gather3A_342 = tpu.vector_load_idx %arg7[%add3A_341] : memref<32768xf32, #tpu.memory_space<vmem>>[vector<16xi32>], vector<16xf32>,
        %add3A_343 = vector.broadcast %mul3A_106 : i32 to vector<16xi32>
        %add3A_344 = arith.addi %get3A_332, %add3A_343 : vector<16xi32>
        %gather3A_345 = tpu.vector_load_idx %arg15[%add3A_344] : memref<8192xf32, #tpu.memory_space<vmem>>[vector<16xi32>], vector<16xf32>,
        %add3A_346 = arith.addf %gather3A_342, %gather3A_345 : vector<16xf32>
        %swap3A_347 = arith.index_cast %add3A_330 : i32 to index
        %swap3A_348 = tpu.vector_load %arg13[%swap3A_347] {strides = array<i32>} : memref<4096xf32, #tpu.memory_space<vmem>>, vector<16xf32>,
        tpu.vector_store %arg13[%swap3A_347], %add3A_346 {strides = array<i32>} : memref<4096xf32, #tpu.memory_space<vmem>>, vector<16xf32>,
        %scan3A_349 = arith.constant 2 : i32
        %scan3A_350 = arith.addi %scan3A_305, %scan3A_349 : i32
        %mul3A_351 = arith.constant 16 : i32
        %mul3A_352 = arith.muli %scan3A_350, %mul3A_351 : i32
        %add3A_353 = arith.constant 1536 : i32
        %add3A_354 = arith.addi %add3A_353, %mul3A_352 : i32
        %get3A_355 = arith.index_cast %add3A_354 : i32 to index
        %get3A_356 = tpu.vector_load %arg9[%get3A_355] {strides = array<i32>} : memref<4096xi32, #tpu.memory_space<vmem>>, vector<16xi32>,
        %get3A_357 = arith.index_cast %add3A_354 : i32 to index
        %get3A_358 = tpu.vector_load %arg11[%get3A_357] {strides = array<i32>} : memref<4096xi32, #tpu.memory_space<vmem>>, vector<16xi32>,
        %mul3A_359 = arith.constant 64 : i32
        %mul3A_360 = vector.broadcast %mul3A_359 : i32 to vector<16xi32>
        %mul3A_361 = arith.muli %get3A_356, %mul3A_360 : vector<16xi32>
        %add3A_362 = arith.addi %mul3A_361, %get3A_358 : vector<16xi32>
        %add3A_363 = arith.constant 12288 : i32
        %add3A_364 = vector.broadcast %add3A_363 : i32 to vector<16xi32>
        %add3A_365 = arith.addi %add3A_362, %add3A_364 : vector<16xi32>
        %gather3A_366 = tpu.vector_load_idx %arg7[%add3A_365] : memref<32768xf32, #tpu.memory_space<vmem>>[vector<16xi32>], vector<16xf32>,
        %add3A_367 = vector.broadcast %mul3A_106 : i32 to vector<16xi32>
        %add3A_368 = arith.addi %get3A_356, %add3A_367 : vector<16xi32>
        %gather3A_369 = tpu.vector_load_idx %arg15[%add3A_368] : memref<8192xf32, #tpu.memory_space<vmem>>[vector<16xi32>], vector<16xf32>,
        %add3A_370 = arith.addf %gather3A_366, %gather3A_369 : vector<16xf32>
        %swap3A_371 = arith.index_cast %add3A_354 : i32 to index
        %swap3A_372 = tpu.vector_load %arg13[%swap3A_371] {strides = array<i32>} : memref<4096xf32, #tpu.memory_space<vmem>>, vector<16xf32>,
        tpu.vector_store %arg13[%swap3A_371], %add3A_370 {strides = array<i32>} : memref<4096xf32, #tpu.memory_space<vmem>>, vector<16xf32>,
        %scan3A_373 = arith.constant 3 : i32
        %scan3A_374 = arith.addi %scan3A_305, %scan3A_373 : i32
        %mul3A_375 = arith.constant 16 : i32
        %mul3A_376 = arith.muli %scan3A_374, %mul3A_375 : i32
        %add3A_377 = arith.constant 1536 : i32
        %add3A_378 = arith.addi %add3A_377, %mul3A_376 : i32
        %get3A_379 = arith.index_cast %add3A_378 : i32 to index
        %get3A_380 = tpu.vector_load %arg9[%get3A_379] {strides = array<i32>} : memref<4096xi32, #tpu.memory_space<vmem>>, vector<16xi32>,
        %get3A_381 = arith.index_cast %add3A_378 : i32 to index
        %get3A_382 = tpu.vector_load %arg11[%get3A_381] {strides = array<i32>} : memref<4096xi32, #tpu.memory_space<vmem>>, vector<16xi32>,
        %mul3A_383 = arith.constant 64 : i32
        %mul3A_384 = vector.broadcast %mul3A_383 : i32 to vector<16xi32>
        %mul3A_385 = arith.muli %get3A_380, %mul3A_384 : vector<16xi32>
        %add3A_386 = arith.addi %mul3A_385, %get3A_382 : vector<16xi32>
        %add3A_387 = arith.constant 12288 : i32
        %add3A_388 = vector.broadcast %add3A_387 : i32 to vector<16xi32>
        %add3A_389 = arith.addi %add3A_386, %add3A_388 : vector<16xi32>
        %gather3A_390 = tpu.vector_load_idx %arg7[%add3A_389] : memref<32768xf32, #tpu.memory_space<vmem>>[vector<16xi32>], vector<16xf32>,
        %add3A_391 = vector.broadcast %mul3A_106 : i32 to vector<16xi32>
        %add3A_392 = arith.addi %get3A_380, %add3A_391 : vector<16xi32>
        %gather3A_393 = tpu.vector_load_idx %arg15[%add3A_392] : memref<8192xf32, #tpu.memory_space<vmem>>[vector<16xi32>], vector<16xf32>,
        %add3A_394 = arith.addf %gather3A_390, %gather3A_393 : vector<16xf32>
        %swap3A_395 = arith.index_cast %add3A_378 : i32 to index
        %swap3A_396 = tpu.vector_load %arg13[%swap3A_395] {strides = array<i32>} : memref<4096xf32, #tpu.memory_space<vmem>>, vector<16xf32>,
        tpu.vector_store %arg13[%swap3A_395], %add3A_394 {strides = array<i32>} : memref<4096xf32, #tpu.memory_space<vmem>>, vector<16xf32>,
      }
      %scan3A_112 = arith.constant 32 : i32
      %mul3A_113 = arith.constant 8 : i32
      %mul3A_114 = arith.muli %mul3A_50, %mul3A_113 : i32
      %add3A_115 = arith.constant 4 : i32
      %add3A_116 = arith.addi %mul3A_114, %add3A_115 : i32
      %mul3A_117 = arith.constant 64 : i32
      %mul3A_118 = arith.muli %add3A_116, %mul3A_117 : i32
      %scan3A_119 = arith.constant 0 : i32
      %scan3A_120 = arith.constant 0 : i32
      %scan3A_121 = arith.constant 32 : i32
      %scan3A_122 = arith.addi %scan3A_120, %scan3A_121 : i32
      %scan3A_123 = arith.constant 4 : i32
      scf.for %scan3A_305 = %scan3A_120 to %scan3A_122 step %scan3A_123  : i32 {
        %mul3A_306 = arith.constant 16 : i32
        %mul3A_307 = arith.muli %scan3A_305, %mul3A_306 : i32
        %add3A_308 = arith.constant 2048 : i32
        %add3A_309 = arith.addi %add3A_308, %mul3A_307 : i32
        %get3A = arith.index_cast %add3A_309 : i32 to index
        %get3A_310 = tpu.vector_load %arg9[%get3A] {strides = array<i32>} : memref<4096xi32, #tpu.memory_space<vmem>>, vector<16xi32>,
        %get3A_311 = arith.index_cast %add3A_309 : i32 to index
        %get3A_312 = tpu.vector_load %arg11[%get3A_311] {strides = array<i32>} : memref<4096xi32, #tpu.memory_space<vmem>>, vector<16xi32>,
        %mul3A_313 = arith.constant 64 : i32
        %mul3A_314 = vector.broadcast %mul3A_313 : i32 to vector<16xi32>
        %mul3A_315 = arith.muli %get3A_310, %mul3A_314 : vector<16xi32>
        %add3A_316 = arith.addi %mul3A_315, %get3A_312 : vector<16xi32>
        %add3A_317 = arith.constant 16384 : i32
        %add3A_318 = vector.broadcast %add3A_317 : i32 to vector<16xi32>
        %add3A_319 = arith.addi %add3A_316, %add3A_318 : vector<16xi32>
        %gather3A = tpu.vector_load_idx %arg7[%add3A_319] : memref<32768xf32, #tpu.memory_space<vmem>>[vector<16xi32>], vector<16xf32>,
        %add3A_320 = vector.broadcast %mul3A_118 : i32 to vector<16xi32>
        %add3A_321 = arith.addi %get3A_310, %add3A_320 : vector<16xi32>
        %gather3A_322 = tpu.vector_load_idx %arg15[%add3A_321] : memref<8192xf32, #tpu.memory_space<vmem>>[vector<16xi32>], vector<16xf32>,
        %add3A_323 = arith.addf %gather3A, %gather3A_322 : vector<16xf32>
        %swap3A = arith.index_cast %add3A_309 : i32 to index
        %swap3A_324 = tpu.vector_load %arg13[%swap3A] {strides = array<i32>} : memref<4096xf32, #tpu.memory_space<vmem>>, vector<16xf32>,
        tpu.vector_store %arg13[%swap3A], %add3A_323 {strides = array<i32>} : memref<4096xf32, #tpu.memory_space<vmem>>, vector<16xf32>,
        %scan3A_325 = arith.constant 1 : i32
        %scan3A_326 = arith.addi %scan3A_305, %scan3A_325 : i32
        %mul3A_327 = arith.constant 16 : i32
        %mul3A_328 = arith.muli %scan3A_326, %mul3A_327 : i32
        %add3A_329 = arith.constant 2048 : i32
        %add3A_330 = arith.addi %add3A_329, %mul3A_328 : i32
        %get3A_331 = arith.index_cast %add3A_330 : i32 to index
        %get3A_332 = tpu.vector_load %arg9[%get3A_331] {strides = array<i32>} : memref<4096xi32, #tpu.memory_space<vmem>>, vector<16xi32>,
        %get3A_333 = arith.index_cast %add3A_330 : i32 to index
        %get3A_334 = tpu.vector_load %arg11[%get3A_333] {strides = array<i32>} : memref<4096xi32, #tpu.memory_space<vmem>>, vector<16xi32>,
        %mul3A_335 = arith.constant 64 : i32
        %mul3A_336 = vector.broadcast %mul3A_335 : i32 to vector<16xi32>
        %mul3A_337 = arith.muli %get3A_332, %mul3A_336 : vector<16xi32>
        %add3A_338 = arith.addi %mul3A_337, %get3A_334 : vector<16xi32>
        %add3A_339 = arith.constant 16384 : i32
        %add3A_340 = vector.broadcast %add3A_339 : i32 to vector<16xi32>
        %add3A_341 = arith.addi %add3A_338, %add3A_340 : vector<16xi32>
        %gather3A_342 = tpu.vector_load_idx %arg7[%add3A_341] : memref<32768xf32, #tpu.memory_space<vmem>>[vector<16xi32>], vector<16xf32>,
        %add3A_343 = vector.broadcast %mul3A_118 : i32 to vector<16xi32>
        %add3A_344 = arith.addi %get3A_332, %add3A_343 : vector<16xi32>
        %gather3A_345 = tpu.vector_load_idx %arg15[%add3A_344] : memref<8192xf32, #tpu.memory_space<vmem>>[vector<16xi32>], vector<16xf32>,
        %add3A_346 = arith.addf %gather3A_342, %gather3A_345 : vector<16xf32>
        %swap3A_347 = arith.index_cast %add3A_330 : i32 to index
        %swap3A_348 = tpu.vector_load %arg13[%swap3A_347] {strides = array<i32>} : memref<4096xf32, #tpu.memory_space<vmem>>, vector<16xf32>,
        tpu.vector_store %arg13[%swap3A_347], %add3A_346 {strides = array<i32>} : memref<4096xf32, #tpu.memory_space<vmem>>, vector<16xf32>,
        %scan3A_349 = arith.constant 2 : i32
        %scan3A_350 = arith.addi %scan3A_305, %scan3A_349 : i32
        %mul3A_351 = arith.constant 16 : i32
        %mul3A_352 = arith.muli %scan3A_350, %mul3A_351 : i32
        %add3A_353 = arith.constant 2048 : i32
        %add3A_354 = arith.addi %add3A_353, %mul3A_352 : i32
        %get3A_355 = arith.index_cast %add3A_354 : i32 to index
        %get3A_356 = tpu.vector_load %arg9[%get3A_355] {strides = array<i32>} : memref<4096xi32, #tpu.memory_space<vmem>>, vector<16xi32>,
        %get3A_357 = arith.index_cast %add3A_354 : i32 to index
        %get3A_358 = tpu.vector_load %arg11[%get3A_357] {strides = array<i32>} : memref<4096xi32, #tpu.memory_space<vmem>>, vector<16xi32>,
        %mul3A_359 = arith.constant 64 : i32
        %mul3A_360 = vector.broadcast %mul3A_359 : i32 to vector<16xi32>
        %mul3A_361 = arith.muli %get3A_356, %mul3A_360 : vector<16xi32>
        %add3A_362 = arith.addi %mul3A_361, %get3A_358 : vector<16xi32>
        %add3A_363 = arith.constant 16384 : i32
        %add3A_364 = vector.broadcast %add3A_363 : i32 to vector<16xi32>
        %add3A_365 = arith.addi %add3A_362, %add3A_364 : vector<16xi32>
        %gather3A_366 = tpu.vector_load_idx %arg7[%add3A_365] : memref<32768xf32, #tpu.memory_space<vmem>>[vector<16xi32>], vector<16xf32>,
        %add3A_367 = vector.broadcast %mul3A_118 : i32 to vector<16xi32>
        %add3A_368 = arith.addi %get3A_356, %add3A_367 : vector<16xi32>
        %gather3A_369 = tpu.vector_load_idx %arg15[%add3A_368] : memref<8192xf32, #tpu.memory_space<vmem>>[vector<16xi32>], vector<16xf32>,
        %add3A_370 = arith.addf %gather3A_366, %gather3A_369 : vector<16xf32>
        %swap3A_371 = arith.index_cast %add3A_354 : i32 to index
        %swap3A_372 = tpu.vector_load %arg13[%swap3A_371] {strides = array<i32>} : memref<4096xf32, #tpu.memory_space<vmem>>, vector<16xf32>,
        tpu.vector_store %arg13[%swap3A_371], %add3A_370 {strides = array<i32>} : memref<4096xf32, #tpu.memory_space<vmem>>, vector<16xf32>,
        %scan3A_373 = arith.constant 3 : i32
        %scan3A_374 = arith.addi %scan3A_305, %scan3A_373 : i32
        %mul3A_375 = arith.constant 16 : i32
        %mul3A_376 = arith.muli %scan3A_374, %mul3A_375 : i32
        %add3A_377 = arith.constant 2048 : i32
        %add3A_378 = arith.addi %add3A_377, %mul3A_376 : i32
        %get3A_379 = arith.index_cast %add3A_378 : i32 to index
        %get3A_380 = tpu.vector_load %arg9[%get3A_379] {strides = array<i32>} : memref<4096xi32, #tpu.memory_space<vmem>>, vector<16xi32>,
        %get3A_381 = arith.index_cast %add3A_378 : i32 to index
        %get3A_382 = tpu.vector_load %arg11[%get3A_381] {strides = array<i32>} : memref<4096xi32, #tpu.memory_space<vmem>>, vector<16xi32>,
        %mul3A_383 = arith.constant 64 : i32
        %mul3A_384 = vector.broadcast %mul3A_383 : i32 to vector<16xi32>
        %mul3A_385 = arith.muli %get3A_380, %mul3A_384 : vector<16xi32>
        %add3A_386 = arith.addi %mul3A_385, %get3A_382 : vector<16xi32>
        %add3A_387 = arith.constant 16384 : i32
        %add3A_388 = vector.broadcast %add3A_387 : i32 to vector<16xi32>
        %add3A_389 = arith.addi %add3A_386, %add3A_388 : vector<16xi32>
        %gather3A_390 = tpu.vector_load_idx %arg7[%add3A_389] : memref<32768xf32, #tpu.memory_space<vmem>>[vector<16xi32>], vector<16xf32>,
        %add3A_391 = vector.broadcast %mul3A_118 : i32 to vector<16xi32>
        %add3A_392 = arith.addi %get3A_380, %add3A_391 : vector<16xi32>
        %gather3A_393 = tpu.vector_load_idx %arg15[%add3A_392] : memref<8192xf32, #tpu.memory_space<vmem>>[vector<16xi32>], vector<16xf32>,
        %add3A_394 = arith.addf %gather3A_390, %gather3A_393 : vector<16xf32>
        %swap3A_395 = arith.index_cast %add3A_378 : i32 to index
        %swap3A_396 = tpu.vector_load %arg13[%swap3A_395] {strides = array<i32>} : memref<4096xf32, #tpu.memory_space<vmem>>, vector<16xf32>,
        tpu.vector_store %arg13[%swap3A_395], %add3A_394 {strides = array<i32>} : memref<4096xf32, #tpu.memory_space<vmem>>, vector<16xf32>,
      }
      %scan3A_124 = arith.constant 32 : i32
      %mul3A_125 = arith.constant 8 : i32
      %mul3A_126 = arith.muli %mul3A_50, %mul3A_125 : i32
      %add3A_127 = arith.constant 5 : i32
      %add3A_128 = arith.addi %mul3A_126, %add3A_127 : i32
      %mul3A_129 = arith.constant 64 : i32
      %mul3A_130 = arith.muli %add3A_128, %mul3A_129 : i32
      %scan3A_131 = arith.constant 0 : i32
      %scan3A_132 = arith.constant 0 : i32
      %scan3A_133 = arith.constant 32 : i32
      %scan3A_134 = arith.addi %scan3A_132, %scan3A_133 : i32
      %scan3A_135 = arith.constant 4 : i32
      scf.for %scan3A_305 = %scan3A_132 to %scan3A_134 step %scan3A_135  : i32 {
        %mul3A_306 = arith.constant 16 : i32
        %mul3A_307 = arith.muli %scan3A_305, %mul3A_306 : i32
        %add3A_308 = arith.constant 2560 : i32
        %add3A_309 = arith.addi %add3A_308, %mul3A_307 : i32
        %get3A = arith.index_cast %add3A_309 : i32 to index
        %get3A_310 = tpu.vector_load %arg9[%get3A] {strides = array<i32>} : memref<4096xi32, #tpu.memory_space<vmem>>, vector<16xi32>,
        %get3A_311 = arith.index_cast %add3A_309 : i32 to index
        %get3A_312 = tpu.vector_load %arg11[%get3A_311] {strides = array<i32>} : memref<4096xi32, #tpu.memory_space<vmem>>, vector<16xi32>,
        %mul3A_313 = arith.constant 64 : i32
        %mul3A_314 = vector.broadcast %mul3A_313 : i32 to vector<16xi32>
        %mul3A_315 = arith.muli %get3A_310, %mul3A_314 : vector<16xi32>
        %add3A_316 = arith.addi %mul3A_315, %get3A_312 : vector<16xi32>
        %add3A_317 = arith.constant 20480 : i32
        %add3A_318 = vector.broadcast %add3A_317 : i32 to vector<16xi32>
        %add3A_319 = arith.addi %add3A_316, %add3A_318 : vector<16xi32>
        %gather3A = tpu.vector_load_idx %arg7[%add3A_319] : memref<32768xf32, #tpu.memory_space<vmem>>[vector<16xi32>], vector<16xf32>,
        %add3A_320 = vector.broadcast %mul3A_130 : i32 to vector<16xi32>
        %add3A_321 = arith.addi %get3A_310, %add3A_320 : vector<16xi32>
        %gather3A_322 = tpu.vector_load_idx %arg15[%add3A_321] : memref<8192xf32, #tpu.memory_space<vmem>>[vector<16xi32>], vector<16xf32>,
        %add3A_323 = arith.addf %gather3A, %gather3A_322 : vector<16xf32>
        %swap3A = arith.index_cast %add3A_309 : i32 to index
        %swap3A_324 = tpu.vector_load %arg13[%swap3A] {strides = array<i32>} : memref<4096xf32, #tpu.memory_space<vmem>>, vector<16xf32>,
        tpu.vector_store %arg13[%swap3A], %add3A_323 {strides = array<i32>} : memref<4096xf32, #tpu.memory_space<vmem>>, vector<16xf32>,
        %scan3A_325 = arith.constant 1 : i32
        %scan3A_326 = arith.addi %scan3A_305, %scan3A_325 : i32
        %mul3A_327 = arith.constant 16 : i32
        %mul3A_328 = arith.muli %scan3A_326, %mul3A_327 : i32
        %add3A_329 = arith.constant 2560 : i32
        %add3A_330 = arith.addi %add3A_329, %mul3A_328 : i32
        %get3A_331 = arith.index_cast %add3A_330 : i32 to index
        %get3A_332 = tpu.vector_load %arg9[%get3A_331] {strides = array<i32>} : memref<4096xi32, #tpu.memory_space<vmem>>, vector<16xi32>,
        %get3A_333 = arith.index_cast %add3A_330 : i32 to index
        %get3A_334 = tpu.vector_load %arg11[%get3A_333] {strides = array<i32>} : memref<4096xi32, #tpu.memory_space<vmem>>, vector<16xi32>,
        %mul3A_335 = arith.constant 64 : i32
        %mul3A_336 = vector.broadcast %mul3A_335 : i32 to vector<16xi32>
        %mul3A_337 = arith.muli %get3A_332, %mul3A_336 : vector<16xi32>
        %add3A_338 = arith.addi %mul3A_337, %get3A_334 : vector<16xi32>
        %add3A_339 = arith.constant 20480 : i32
        %add3A_340 = vector.broadcast %add3A_339 : i32 to vector<16xi32>
        %add3A_341 = arith.addi %add3A_338, %add3A_340 : vector<16xi32>
        %gather3A_342 = tpu.vector_load_idx %arg7[%add3A_341] : memref<32768xf32, #tpu.memory_space<vmem>>[vector<16xi32>], vector<16xf32>,
        %add3A_343 = vector.broadcast %mul3A_130 : i32 to vector<16xi32>
        %add3A_344 = arith.addi %get3A_332, %add3A_343 : vector<16xi32>
        %gather3A_345 = tpu.vector_load_idx %arg15[%add3A_344] : memref<8192xf32, #tpu.memory_space<vmem>>[vector<16xi32>], vector<16xf32>,
        %add3A_346 = arith.addf %gather3A_342, %gather3A_345 : vector<16xf32>
        %swap3A_347 = arith.index_cast %add3A_330 : i32 to index
        %swap3A_348 = tpu.vector_load %arg13[%swap3A_347] {strides = array<i32>} : memref<4096xf32, #tpu.memory_space<vmem>>, vector<16xf32>,
        tpu.vector_store %arg13[%swap3A_347], %add3A_346 {strides = array<i32>} : memref<4096xf32, #tpu.memory_space<vmem>>, vector<16xf32>,
        %scan3A_349 = arith.constant 2 : i32
        %scan3A_350 = arith.addi %scan3A_305, %scan3A_349 : i32
        %mul3A_351 = arith.constant 16 : i32
        %mul3A_352 = arith.muli %scan3A_350, %mul3A_351 : i32
        %add3A_353 = arith.constant 2560 : i32
        %add3A_354 = arith.addi %add3A_353, %mul3A_352 : i32
        %get3A_355 = arith.index_cast %add3A_354 : i32 to index
        %get3A_356 = tpu.vector_load %arg9[%get3A_355] {strides = array<i32>} : memref<4096xi32, #tpu.memory_space<vmem>>, vector<16xi32>,
        %get3A_357 = arith.index_cast %add3A_354 : i32 to index
        %get3A_358 = tpu.vector_load %arg11[%get3A_357] {strides = array<i32>} : memref<4096xi32, #tpu.memory_space<vmem>>, vector<16xi32>,
        %mul3A_359 = arith.constant 64 : i32
        %mul3A_360 = vector.broadcast %mul3A_359 : i32 to vector<16xi32>
        %mul3A_361 = arith.muli %get3A_356, %mul3A_360 : vector<16xi32>
        %add3A_362 = arith.addi %mul3A_361, %get3A_358 : vector<16xi32>
        %add3A_363 = arith.constant 20480 : i32
        %add3A_364 = vector.broadcast %add3A_363 : i32 to vector<16xi32>
        %add3A_365 = arith.addi %add3A_362, %add3A_364 : vector<16xi32>
        %gather3A_366 = tpu.vector_load_idx %arg7[%add3A_365] : memref<32768xf32, #tpu.memory_space<vmem>>[vector<16xi32>], vector<16xf32>,
        %add3A_367 = vector.broadcast %mul3A_130 : i32 to vector<16xi32>
        %add3A_368 = arith.addi %get3A_356, %add3A_367 : vector<16xi32>
        %gather3A_369 = tpu.vector_load_idx %arg15[%add3A_368] : memref<8192xf32, #tpu.memory_space<vmem>>[vector<16xi32>], vector<16xf32>,
        %add3A_370 = arith.addf %gather3A_366, %gather3A_369 : vector<16xf32>
        %swap3A_371 = arith.index_cast %add3A_354 : i32 to index
        %swap3A_372 = tpu.vector_load %arg13[%swap3A_371] {strides = array<i32>} : memref<4096xf32, #tpu.memory_space<vmem>>, vector<16xf32>,
        tpu.vector_store %arg13[%swap3A_371], %add3A_370 {strides = array<i32>} : memref<4096xf32, #tpu.memory_space<vmem>>, vector<16xf32>,
        %scan3A_373 = arith.constant 3 : i32
        %scan3A_374 = arith.addi %scan3A_305, %scan3A_373 : i32
        %mul3A_375 = arith.constant 16 : i32
        %mul3A_376 = arith.muli %scan3A_374, %mul3A_375 : i32
        %add3A_377 = arith.constant 2560 : i32
        %add3A_378 = arith.addi %add3A_377, %mul3A_376 : i32
        %get3A_379 = arith.index_cast %add3A_378 : i32 to index
        %get3A_380 = tpu.vector_load %arg9[%get3A_379] {strides = array<i32>} : memref<4096xi32, #tpu.memory_space<vmem>>, vector<16xi32>,
        %get3A_381 = arith.index_cast %add3A_378 : i32 to index
        %get3A_382 = tpu.vector_load %arg11[%get3A_381] {strides = array<i32>} : memref<4096xi32, #tpu.memory_space<vmem>>, vector<16xi32>,
        %mul3A_383 = arith.constant 64 : i32
        %mul3A_384 = vector.broadcast %mul3A_383 : i32 to vector<16xi32>
        %mul3A_385 = arith.muli %get3A_380, %mul3A_384 : vector<16xi32>
        %add3A_386 = arith.addi %mul3A_385, %get3A_382 : vector<16xi32>
        %add3A_387 = arith.constant 20480 : i32
        %add3A_388 = vector.broadcast %add3A_387 : i32 to vector<16xi32>
        %add3A_389 = arith.addi %add3A_386, %add3A_388 : vector<16xi32>
        %gather3A_390 = tpu.vector_load_idx %arg7[%add3A_389] : memref<32768xf32, #tpu.memory_space<vmem>>[vector<16xi32>], vector<16xf32>,
        %add3A_391 = vector.broadcast %mul3A_130 : i32 to vector<16xi32>
        %add3A_392 = arith.addi %get3A_380, %add3A_391 : vector<16xi32>
        %gather3A_393 = tpu.vector_load_idx %arg15[%add3A_392] : memref<8192xf32, #tpu.memory_space<vmem>>[vector<16xi32>], vector<16xf32>,
        %add3A_394 = arith.addf %gather3A_390, %gather3A_393 : vector<16xf32>
        %swap3A_395 = arith.index_cast %add3A_378 : i32 to index
        %swap3A_396 = tpu.vector_load %arg13[%swap3A_395] {strides = array<i32>} : memref<4096xf32, #tpu.memory_space<vmem>>, vector<16xf32>,
        tpu.vector_store %arg13[%swap3A_395], %add3A_394 {strides = array<i32>} : memref<4096xf32, #tpu.memory_space<vmem>>, vector<16xf32>,
      }
      %scan3A_136 = arith.constant 32 : i32
      %mul3A_137 = arith.constant 8 : i32
      %mul3A_138 = arith.muli %mul3A_50, %mul3A_137 : i32
      %add3A_139 = arith.constant 6 : i32
      %add3A_140 = arith.addi %mul3A_138, %add3A_139 : i32
      %mul3A_141 = arith.constant 64 : i32
      %mul3A_142 = arith.muli %add3A_140, %mul3A_141 : i32
      %scan3A_143 = arith.constant 0 : i32
      %scan3A_144 = arith.constant 0 : i32
      %scan3A_145 = arith.constant 32 : i32
      %scan3A_146 = arith.addi %scan3A_144, %scan3A_145 : i32
      %scan3A_147 = arith.constant 4 : i32
      scf.for %scan3A_305 = %scan3A_144 to %scan3A_146 step %scan3A_147  : i32 {
        %mul3A_306 = arith.constant 16 : i32
        %mul3A_307 = arith.muli %scan3A_305, %mul3A_306 : i32
        %add3A_308 = arith.constant 3072 : i32
        %add3A_309 = arith.addi %add3A_308, %mul3A_307 : i32
        %get3A = arith.index_cast %add3A_309 : i32 to index
        %get3A_310 = tpu.vector_load %arg9[%get3A] {strides = array<i32>} : memref<4096xi32, #tpu.memory_space<vmem>>, vector<16xi32>,
        %get3A_311 = arith.index_cast %add3A_309 : i32 to index
        %get3A_312 = tpu.vector_load %arg11[%get3A_311] {strides = array<i32>} : memref<4096xi32, #tpu.memory_space<vmem>>, vector<16xi32>,
        %mul3A_313 = arith.constant 64 : i32
        %mul3A_314 = vector.broadcast %mul3A_313 : i32 to vector<16xi32>
        %mul3A_315 = arith.muli %get3A_310, %mul3A_314 : vector<16xi32>
        %add3A_316 = arith.addi %mul3A_315, %get3A_312 : vector<16xi32>
        %add3A_317 = arith.constant 24576 : i32
        %add3A_318 = vector.broadcast %add3A_317 : i32 to vector<16xi32>
        %add3A_319 = arith.addi %add3A_316, %add3A_318 : vector<16xi32>
        %gather3A = tpu.vector_load_idx %arg7[%add3A_319] : memref<32768xf32, #tpu.memory_space<vmem>>[vector<16xi32>], vector<16xf32>,
        %add3A_320 = vector.broadcast %mul3A_142 : i32 to vector<16xi32>
        %add3A_321 = arith.addi %get3A_310, %add3A_320 : vector<16xi32>
        %gather3A_322 = tpu.vector_load_idx %arg15[%add3A_321] : memref<8192xf32, #tpu.memory_space<vmem>>[vector<16xi32>], vector<16xf32>,
        %add3A_323 = arith.addf %gather3A, %gather3A_322 : vector<16xf32>
        %swap3A = arith.index_cast %add3A_309 : i32 to index
        %swap3A_324 = tpu.vector_load %arg13[%swap3A] {strides = array<i32>} : memref<4096xf32, #tpu.memory_space<vmem>>, vector<16xf32>,
        tpu.vector_store %arg13[%swap3A], %add3A_323 {strides = array<i32>} : memref<4096xf32, #tpu.memory_space<vmem>>, vector<16xf32>,
        %scan3A_325 = arith.constant 1 : i32
        %scan3A_326 = arith.addi %scan3A_305, %scan3A_325 : i32
        %mul3A_327 = arith.constant 16 : i32
        %mul3A_328 = arith.muli %scan3A_326, %mul3A_327 : i32
        %add3A_329 = arith.constant 3072 : i32
        %add3A_330 = arith.addi %add3A_329, %mul3A_328 : i32
        %get3A_331 = arith.index_cast %add3A_330 : i32 to index
        %get3A_332 = tpu.vector_load %arg9[%get3A_331] {strides = array<i32>} : memref<4096xi32, #tpu.memory_space<vmem>>, vector<16xi32>,
        %get3A_333 = arith.index_cast %add3A_330 : i32 to index
        %get3A_334 = tpu.vector_load %arg11[%get3A_333] {strides = array<i32>} : memref<4096xi32, #tpu.memory_space<vmem>>, vector<16xi32>,
        %mul3A_335 = arith.constant 64 : i32
        %mul3A_336 = vector.broadcast %mul3A_335 : i32 to vector<16xi32>
        %mul3A_337 = arith.muli %get3A_332, %mul3A_336 : vector<16xi32>
        %add3A_338 = arith.addi %mul3A_337, %get3A_334 : vector<16xi32>
        %add3A_339 = arith.constant 24576 : i32
        %add3A_340 = vector.broadcast %add3A_339 : i32 to vector<16xi32>
        %add3A_341 = arith.addi %add3A_338, %add3A_340 : vector<16xi32>
        %gather3A_342 = tpu.vector_load_idx %arg7[%add3A_341] : memref<32768xf32, #tpu.memory_space<vmem>>[vector<16xi32>], vector<16xf32>,
        %add3A_343 = vector.broadcast %mul3A_142 : i32 to vector<16xi32>
        %add3A_344 = arith.addi %get3A_332, %add3A_343 : vector<16xi32>
        %gather3A_345 = tpu.vector_load_idx %arg15[%add3A_344] : memref<8192xf32, #tpu.memory_space<vmem>>[vector<16xi32>], vector<16xf32>,
        %add3A_346 = arith.addf %gather3A_342, %gather3A_345 : vector<16xf32>
        %swap3A_347 = arith.index_cast %add3A_330 : i32 to index
        %swap3A_348 = tpu.vector_load %arg13[%swap3A_347] {strides = array<i32>} : memref<4096xf32, #tpu.memory_space<vmem>>, vector<16xf32>,
        tpu.vector_store %arg13[%swap3A_347], %add3A_346 {strides = array<i32>} : memref<4096xf32, #tpu.memory_space<vmem>>, vector<16xf32>,
        %scan3A_349 = arith.constant 2 : i32
        %scan3A_350 = arith.addi %scan3A_305, %scan3A_349 : i32
        %mul3A_351 = arith.constant 16 : i32
        %mul3A_352 = arith.muli %scan3A_350, %mul3A_351 : i32
        %add3A_353 = arith.constant 3072 : i32
        %add3A_354 = arith.addi %add3A_353, %mul3A_352 : i32
        %get3A_355 = arith.index_cast %add3A_354 : i32 to index
        %get3A_356 = tpu.vector_load %arg9[%get3A_355] {strides = array<i32>} : memref<4096xi32, #tpu.memory_space<vmem>>, vector<16xi32>,
        %get3A_357 = arith.index_cast %add3A_354 : i32 to index
        %get3A_358 = tpu.vector_load %arg11[%get3A_357] {strides = array<i32>} : memref<4096xi32, #tpu.memory_space<vmem>>, vector<16xi32>,
        %mul3A_359 = arith.constant 64 : i32
        %mul3A_360 = vector.broadcast %mul3A_359 : i32 to vector<16xi32>
        %mul3A_361 = arith.muli %get3A_356, %mul3A_360 : vector<16xi32>
        %add3A_362 = arith.addi %mul3A_361, %get3A_358 : vector<16xi32>
        %add3A_363 = arith.constant 24576 : i32
        %add3A_364 = vector.broadcast %add3A_363 : i32 to vector<16xi32>
        %add3A_365 = arith.addi %add3A_362, %add3A_364 : vector<16xi32>
        %gather3A_366 = tpu.vector_load_idx %arg7[%add3A_365] : memref<32768xf32, #tpu.memory_space<vmem>>[vector<16xi32>], vector<16xf32>,
        %add3A_367 = vector.broadcast %mul3A_142 : i32 to vector<16xi32>
        %add3A_368 = arith.addi %get3A_356, %add3A_367 : vector<16xi32>
        %gather3A_369 = tpu.vector_load_idx %arg15[%add3A_368] : memref<8192xf32, #tpu.memory_space<vmem>>[vector<16xi32>], vector<16xf32>,
        %add3A_370 = arith.addf %gather3A_366, %gather3A_369 : vector<16xf32>
        %swap3A_371 = arith.index_cast %add3A_354 : i32 to index
        %swap3A_372 = tpu.vector_load %arg13[%swap3A_371] {strides = array<i32>} : memref<4096xf32, #tpu.memory_space<vmem>>, vector<16xf32>,
        tpu.vector_store %arg13[%swap3A_371], %add3A_370 {strides = array<i32>} : memref<4096xf32, #tpu.memory_space<vmem>>, vector<16xf32>,
        %scan3A_373 = arith.constant 3 : i32
        %scan3A_374 = arith.addi %scan3A_305, %scan3A_373 : i32
        %mul3A_375 = arith.constant 16 : i32
        %mul3A_376 = arith.muli %scan3A_374, %mul3A_375 : i32
        %add3A_377 = arith.constant 3072 : i32
        %add3A_378 = arith.addi %add3A_377, %mul3A_376 : i32
        %get3A_379 = arith.index_cast %add3A_378 : i32 to index
        %get3A_380 = tpu.vector_load %arg9[%get3A_379] {strides = array<i32>} : memref<4096xi32, #tpu.memory_space<vmem>>, vector<16xi32>,
        %get3A_381 = arith.index_cast %add3A_378 : i32 to index
        %get3A_382 = tpu.vector_load %arg11[%get3A_381] {strides = array<i32>} : memref<4096xi32, #tpu.memory_space<vmem>>, vector<16xi32>,
        %mul3A_383 = arith.constant 64 : i32
        %mul3A_384 = vector.broadcast %mul3A_383 : i32 to vector<16xi32>
        %mul3A_385 = arith.muli %get3A_380, %mul3A_384 : vector<16xi32>
        %add3A_386 = arith.addi %mul3A_385, %get3A_382 : vector<16xi32>
        %add3A_387 = arith.constant 24576 : i32
        %add3A_388 = vector.broadcast %add3A_387 : i32 to vector<16xi32>
        %add3A_389 = arith.addi %add3A_386, %add3A_388 : vector<16xi32>
        %gather3A_390 = tpu.vector_load_idx %arg7[%add3A_389] : memref<32768xf32, #tpu.memory_space<vmem>>[vector<16xi32>], vector<16xf32>,
        %add3A_391 = vector.broadcast %mul3A_142 : i32 to vector<16xi32>
        %add3A_392 = arith.addi %get3A_380, %add3A_391 : vector<16xi32>
        %gather3A_393 = tpu.vector_load_idx %arg15[%add3A_392] : memref<8192xf32, #tpu.memory_space<vmem>>[vector<16xi32>], vector<16xf32>,
        %add3A_394 = arith.addf %gather3A_390, %gather3A_393 : vector<16xf32>
        %swap3A_395 = arith.index_cast %add3A_378 : i32 to index
        %swap3A_396 = tpu.vector_load %arg13[%swap3A_395] {strides = array<i32>} : memref<4096xf32, #tpu.memory_space<vmem>>, vector<16xf32>,
        tpu.vector_store %arg13[%swap3A_395], %add3A_394 {strides = array<i32>} : memref<4096xf32, #tpu.memory_space<vmem>>, vector<16xf32>,
      }
      %scan3A_148 = arith.constant 32 : i32
      %mul3A_149 = arith.constant 8 : i32
      %mul3A_150 = arith.muli %mul3A_50, %mul3A_149 : i32
      %add3A_151 = arith.constant 7 : i32
      %add3A_152 = arith.addi %mul3A_150, %add3A_151 : i32
      %mul3A_153 = arith.constant 64 : i32
      %mul3A_154 = arith.muli %add3A_152, %mul3A_153 : i32
      %scan3A_155 = arith.constant 0 : i32
      %scan3A_156 = arith.constant 0 : i32
      %scan3A_157 = arith.constant 32 : i32
      %scan3A_158 = arith.addi %scan3A_156, %scan3A_157 : i32
      %scan3A_159 = arith.constant 4 : i32
      scf.for %scan3A_305 = %scan3A_156 to %scan3A_158 step %scan3A_159  : i32 {
        %mul3A_306 = arith.constant 16 : i32
        %mul3A_307 = arith.muli %scan3A_305, %mul3A_306 : i32
        %add3A_308 = arith.constant 3584 : i32
        %add3A_309 = arith.addi %add3A_308, %mul3A_307 : i32
        %get3A = arith.index_cast %add3A_309 : i32 to index
        %get3A_310 = tpu.vector_load %arg9[%get3A] {strides = array<i32>} : memref<4096xi32, #tpu.memory_space<vmem>>, vector<16xi32>,
        %get3A_311 = arith.index_cast %add3A_309 : i32 to index
        %get3A_312 = tpu.vector_load %arg11[%get3A_311] {strides = array<i32>} : memref<4096xi32, #tpu.memory_space<vmem>>, vector<16xi32>,
        %mul3A_313 = arith.constant 64 : i32
        %mul3A_314 = vector.broadcast %mul3A_313 : i32 to vector<16xi32>
        %mul3A_315 = arith.muli %get3A_310, %mul3A_314 : vector<16xi32>
        %add3A_316 = arith.addi %mul3A_315, %get3A_312 : vector<16xi32>
        %add3A_317 = arith.constant 28672 : i32
        %add3A_318 = vector.broadcast %add3A_317 : i32 to vector<16xi32>
        %add3A_319 = arith.addi %add3A_316, %add3A_318 : vector<16xi32>
        %gather3A = tpu.vector_load_idx %arg7[%add3A_319] : memref<32768xf32, #tpu.memory_space<vmem>>[vector<16xi32>], vector<16xf32>,
        %add3A_320 = vector.broadcast %mul3A_154 : i32 to vector<16xi32>
        %add3A_321 = arith.addi %get3A_310, %add3A_320 : vector<16xi32>
        %gather3A_322 = tpu.vector_load_idx %arg15[%add3A_321] : memref<8192xf32, #tpu.memory_space<vmem>>[vector<16xi32>], vector<16xf32>,
        %add3A_323 = arith.addf %gather3A, %gather3A_322 : vector<16xf32>
        %swap3A = arith.index_cast %add3A_309 : i32 to index
        %swap3A_324 = tpu.vector_load %arg13[%swap3A] {strides = array<i32>} : memref<4096xf32, #tpu.memory_space<vmem>>, vector<16xf32>,
        tpu.vector_store %arg13[%swap3A], %add3A_323 {strides = array<i32>} : memref<4096xf32, #tpu.memory_space<vmem>>, vector<16xf32>,
        %scan3A_325 = arith.constant 1 : i32
        %scan3A_326 = arith.addi %scan3A_305, %scan3A_325 : i32
        %mul3A_327 = arith.constant 16 : i32
        %mul3A_328 = arith.muli %scan3A_326, %mul3A_327 : i32
        %add3A_329 = arith.constant 3584 : i32
        %add3A_330 = arith.addi %add3A_329, %mul3A_328 : i32
        %get3A_331 = arith.index_cast %add3A_330 : i32 to index
        %get3A_332 = tpu.vector_load %arg9[%get3A_331] {strides = array<i32>} : memref<4096xi32, #tpu.memory_space<vmem>>, vector<16xi32>,
        %get3A_333 = arith.index_cast %add3A_330 : i32 to index
        %get3A_334 = tpu.vector_load %arg11[%get3A_333] {strides = array<i32>} : memref<4096xi32, #tpu.memory_space<vmem>>, vector<16xi32>,
        %mul3A_335 = arith.constant 64 : i32
        %mul3A_336 = vector.broadcast %mul3A_335 : i32 to vector<16xi32>
        %mul3A_337 = arith.muli %get3A_332, %mul3A_336 : vector<16xi32>
        %add3A_338 = arith.addi %mul3A_337, %get3A_334 : vector<16xi32>
        %add3A_339 = arith.constant 28672 : i32
        %add3A_340 = vector.broadcast %add3A_339 : i32 to vector<16xi32>
        %add3A_341 = arith.addi %add3A_338, %add3A_340 : vector<16xi32>
        %gather3A_342 = tpu.vector_load_idx %arg7[%add3A_341] : memref<32768xf32, #tpu.memory_space<vmem>>[vector<16xi32>], vector<16xf32>,
        %add3A_343 = vector.broadcast %mul3A_154 : i32 to vector<16xi32>
        %add3A_344 = arith.addi %get3A_332, %add3A_343 : vector<16xi32>
        %gather3A_345 = tpu.vector_load_idx %arg15[%add3A_344] : memref<8192xf32, #tpu.memory_space<vmem>>[vector<16xi32>], vector<16xf32>,
        %add3A_346 = arith.addf %gather3A_342, %gather3A_345 : vector<16xf32>
        %swap3A_347 = arith.index_cast %add3A_330 : i32 to index
        %swap3A_348 = tpu.vector_load %arg13[%swap3A_347] {strides = array<i32>} : memref<4096xf32, #tpu.memory_space<vmem>>, vector<16xf32>,
        tpu.vector_store %arg13[%swap3A_347], %add3A_346 {strides = array<i32>} : memref<4096xf32, #tpu.memory_space<vmem>>, vector<16xf32>,
        %scan3A_349 = arith.constant 2 : i32
        %scan3A_350 = arith.addi %scan3A_305, %scan3A_349 : i32
        %mul3A_351 = arith.constant 16 : i32
        %mul3A_352 = arith.muli %scan3A_350, %mul3A_351 : i32
        %add3A_353 = arith.constant 3584 : i32
        %add3A_354 = arith.addi %add3A_353, %mul3A_352 : i32
        %get3A_355 = arith.index_cast %add3A_354 : i32 to index
        %get3A_356 = tpu.vector_load %arg9[%get3A_355] {strides = array<i32>} : memref<4096xi32, #tpu.memory_space<vmem>>, vector<16xi32>,
        %get3A_357 = arith.index_cast %add3A_354 : i32 to index
        %get3A_358 = tpu.vector_load %arg11[%get3A_357] {strides = array<i32>} : memref<4096xi32, #tpu.memory_space<vmem>>, vector<16xi32>,
        %mul3A_359 = arith.constant 64 : i32
        %mul3A_360 = vector.broadcast %mul3A_359 : i32 to vector<16xi32>
        %mul3A_361 = arith.muli %get3A_356, %mul3A_360 : vector<16xi32>
        %add3A_362 = arith.addi %mul3A_361, %get3A_358 : vector<16xi32>
        %add3A_363 = arith.constant 28672 : i32
        %add3A_364 = vector.broadcast %add3A_363 : i32 to vector<16xi32>
        %add3A_365 = arith.addi %add3A_362, %add3A_364 : vector<16xi32>
        %gather3A_366 = tpu.vector_load_idx %arg7[%add3A_365] : memref<32768xf32, #tpu.memory_space<vmem>>[vector<16xi32>], vector<16xf32>,
        %add3A_367 = vector.broadcast %mul3A_154 : i32 to vector<16xi32>
        %add3A_368 = arith.addi %get3A_356, %add3A_367 : vector<16xi32>
        %gather3A_369 = tpu.vector_load_idx %arg15[%add3A_368] : memref<8192xf32, #tpu.memory_space<vmem>>[vector<16xi32>], vector<16xf32>,
        %add3A_370 = arith.addf %gather3A_366, %gather3A_369 : vector<16xf32>
        %swap3A_371 = arith.index_cast %add3A_354 : i32 to index
        %swap3A_372 = tpu.vector_load %arg13[%swap3A_371] {strides = array<i32>} : memref<4096xf32, #tpu.memory_space<vmem>>, vector<16xf32>,
        tpu.vector_store %arg13[%swap3A_371], %add3A_370 {strides = array<i32>} : memref<4096xf32, #tpu.memory_space<vmem>>, vector<16xf32>,
        %scan3A_373 = arith.constant 3 : i32
        %scan3A_374 = arith.addi %scan3A_305, %scan3A_373 : i32
        %mul3A_375 = arith.constant 16 : i32
        %mul3A_376 = arith.muli %scan3A_374, %mul3A_375 : i32
        %add3A_377 = arith.constant 3584 : i32
        %add3A_378 = arith.addi %add3A_377, %mul3A_376 : i32
        %get3A_379 = arith.index_cast %add3A_378 : i32 to index
        %get3A_380 = tpu.vector_load %arg9[%get3A_379] {strides = array<i32>} : memref<4096xi32, #tpu.memory_space<vmem>>, vector<16xi32>,
        %get3A_381 = arith.index_cast %add3A_378 : i32 to index
        %get3A_382 = tpu.vector_load %arg11[%get3A_381] {strides = array<i32>} : memref<4096xi32, #tpu.memory_space<vmem>>, vector<16xi32>,
        %mul3A_383 = arith.constant 64 : i32
        %mul3A_384 = vector.broadcast %mul3A_383 : i32 to vector<16xi32>
        %mul3A_385 = arith.muli %get3A_380, %mul3A_384 : vector<16xi32>
        %add3A_386 = arith.addi %mul3A_385, %get3A_382 : vector<16xi32>
        %add3A_387 = arith.constant 28672 : i32
        %add3A_388 = vector.broadcast %add3A_387 : i32 to vector<16xi32>
        %add3A_389 = arith.addi %add3A_386, %add3A_388 : vector<16xi32>
        %gather3A_390 = tpu.vector_load_idx %arg7[%add3A_389] : memref<32768xf32, #tpu.memory_space<vmem>>[vector<16xi32>], vector<16xf32>,
        %add3A_391 = vector.broadcast %mul3A_154 : i32 to vector<16xi32>
        %add3A_392 = arith.addi %get3A_380, %add3A_391 : vector<16xi32>
        %gather3A_393 = tpu.vector_load_idx %arg15[%add3A_392] : memref<8192xf32, #tpu.memory_space<vmem>>[vector<16xi32>], vector<16xf32>,
        %add3A_394 = arith.addf %gather3A_390, %gather3A_393 : vector<16xf32>
        %swap3A_395 = arith.index_cast %add3A_378 : i32 to index
        %swap3A_396 = tpu.vector_load %arg13[%swap3A_395] {strides = array<i32>} : memref<4096xf32, #tpu.memory_space<vmem>>, vector<16xf32>,
        tpu.vector_store %arg13[%swap3A_395], %add3A_394 {strides = array<i32>} : memref<4096xf32, #tpu.memory_space<vmem>>, vector<16xf32>,
      }
      %scan3A_160 = arith.constant 32 : i32
      %mul3A_161 = arith.constant 8 : i32
      %mul3A_162 = arith.muli %mul3A_50, %mul3A_161 : i32
      %add3A_163 = arith.addi %mul3A_2, %mul3A_162 : i32
      %mul3A_164 = arith.constant 512 : i32
      %mul3A_165 = arith.muli %add3A_163, %mul3A_164 : i32
      %dma_start3A_166 = tpu.memref_slice %arg6[%mul3A_165] : memref<2097152xf32, #tpu.memory_space<hbm>> -> memref<4096xf32, #tpu.memory_space<hbm>>
      %dma_start3A_167 = tpu.memref_slice %arg6[%mul3A_165] : memref<2097152xf32, #tpu.memory_space<hbm>> -> memref<4096xf32, #tpu.memory_space<hbm>>
      tpu.enqueue_dma source(%arg13 : memref<4096xf32, #tpu.memory_space<vmem>>) target(%dma_start3A_167 : memref<4096xf32, #tpu.memory_space<hbm>>) target_semaphore(%arg18 : memref<!tpu.dma_semaphore, #tpu.memory_space<semaphore_mem>>)
      %add3A_168 = arith.constant 2 : i32
      %add3A_169 = arith.addi %mul3A_50, %add3A_168 : i32
      %lt3A = arith.constant 16 : i32
      %lt3A_170 = arith.cmpi slt, %add3A_169, %lt3A : i32
      %convert_element_type3A_171 = arith.extui %lt3A_170 : i1 to i32
      %cond3A_172 = arith.constant 0 : i32
      %cond3A_173 = arith.cmpi ne, %convert_element_type3A_171, %cond3A_172 : i32
      scf.if %cond3A_173 {
        %add3A_305 = arith.constant 2 : i32
        %add3A_306 = arith.addi %mul3A_50, %add3A_305 : i32
        %mul3A_307 = arith.constant 8 : i32
        %mul3A_308 = arith.muli %add3A_306, %mul3A_307 : i32
        %add3A_309 = arith.addi %mul3A_2, %mul3A_308 : i32
        %mul3A_310 = arith.constant 64 : i32
        %mul3A_311 = arith.muli %add3A_309, %mul3A_310 : i32
        %mul3A_312 = arith.constant 64 : i32
        %mul3A_313 = arith.muli %mul3A_311, %mul3A_312 : i32
        %dma_start3A_314 = tpu.memref_slice %arg2[%mul3A_313] : memref<16777216xf32, #tpu.memory_space<hbm>> -> memref<32768xf32, #tpu.memory_space<hbm>>
        %dma_start3A_315 = tpu.memref_slice %arg2[%mul3A_313] : memref<16777216xf32, #tpu.memory_space<hbm>> -> memref<32768xf32, #tpu.memory_space<hbm>>
        tpu.enqueue_dma source(%dma_start3A_315 : memref<32768xf32, #tpu.memory_space<hbm>>) target(%arg7 : memref<32768xf32, #tpu.memory_space<vmem>>) target_semaphore(%arg16 : memref<!tpu.dma_semaphore, #tpu.memory_space<semaphore_mem>>)
        %mul3A_316 = arith.constant 512 : i32
        %mul3A_317 = arith.muli %add3A_309, %mul3A_316 : i32
        %dma_start3A_318 = tpu.memref_slice %arg4[%mul3A_317] : memref<2097152xi32, #tpu.memory_space<hbm>> -> memref<4096xi32, #tpu.memory_space<hbm>>
        %dma_start3A_319 = tpu.memref_slice %arg4[%mul3A_317] : memref<2097152xi32, #tpu.memory_space<hbm>> -> memref<4096xi32, #tpu.memory_space<hbm>>
        tpu.enqueue_dma source(%dma_start3A_319 : memref<4096xi32, #tpu.memory_space<hbm>>) target(%arg9 : memref<4096xi32, #tpu.memory_space<vmem>>) target_semaphore(%arg16 : memref<!tpu.dma_semaphore, #tpu.memory_space<semaphore_mem>>)
        %mul3A_320 = arith.constant 512 : i32
        %mul3A_321 = arith.muli %add3A_309, %mul3A_320 : i32
        %dma_start3A_322 = tpu.memref_slice %arg5[%mul3A_321] : memref<2097152xi32, #tpu.memory_space<hbm>> -> memref<4096xi32, #tpu.memory_space<hbm>>
        %dma_start3A_323 = tpu.memref_slice %arg5[%mul3A_321] : memref<2097152xi32, #tpu.memory_space<hbm>> -> memref<4096xi32, #tpu.memory_space<hbm>>
        tpu.enqueue_dma source(%dma_start3A_323 : memref<4096xi32, #tpu.memory_space<hbm>>) target(%arg11 : memref<4096xi32, #tpu.memory_space<vmem>>) target_semaphore(%arg16 : memref<!tpu.dma_semaphore, #tpu.memory_space<semaphore_mem>>)
      } else {
      }
      %mul3A_174 = arith.constant 2 : i32
      %mul3A_175 = arith.muli %scan3A_48, %mul3A_174 : i32
      %add3A_176 = arith.constant 1 : i32
      %add3A_177 = arith.addi %mul3A_175, %add3A_176 : i32
      %dma_wait3A_178 = arith.constant 0 : i32
      %dma_wait3A_179 = tpu.memref_slice %arg2[%dma_wait3A_178] : memref<16777216xf32, #tpu.memory_space<hbm>> -> memref<32768xf32, #tpu.memory_space<hbm>>
      %dma_wait3A_180 = arith.constant 0 : i32
      %dma_wait3A_181 = tpu.memref_slice %arg2[%dma_wait3A_180] : memref<16777216xf32, #tpu.memory_space<hbm>> -> memref<32768xf32, #tpu.memory_space<hbm>>
      tpu.wait_dma2 semaphore(%arg17 : memref<!tpu.dma_semaphore, #tpu.memory_space<semaphore_mem>>) src(%dma_wait3A_181 : memref<32768xf32, #tpu.memory_space<hbm>>) dst(%arg8 : memref<32768xf32, #tpu.memory_space<vmem>>)
      %dma_wait3A_182 = arith.constant 0 : i32
      %dma_wait3A_183 = tpu.memref_slice %arg4[%dma_wait3A_182] : memref<2097152xi32, #tpu.memory_space<hbm>> -> memref<4096xi32, #tpu.memory_space<hbm>>
      %dma_wait3A_184 = arith.constant 0 : i32
      %dma_wait3A_185 = tpu.memref_slice %arg4[%dma_wait3A_184] : memref<2097152xi32, #tpu.memory_space<hbm>> -> memref<4096xi32, #tpu.memory_space<hbm>>
      tpu.wait_dma2 semaphore(%arg17 : memref<!tpu.dma_semaphore, #tpu.memory_space<semaphore_mem>>) src(%dma_wait3A_185 : memref<4096xi32, #tpu.memory_space<hbm>>) dst(%arg10 : memref<4096xi32, #tpu.memory_space<vmem>>)
      %dma_wait3A_186 = arith.constant 0 : i32
      %dma_wait3A_187 = tpu.memref_slice %arg5[%dma_wait3A_186] : memref<2097152xi32, #tpu.memory_space<hbm>> -> memref<4096xi32, #tpu.memory_space<hbm>>
      %dma_wait3A_188 = arith.constant 0 : i32
      %dma_wait3A_189 = tpu.memref_slice %arg5[%dma_wait3A_188] : memref<2097152xi32, #tpu.memory_space<hbm>> -> memref<4096xi32, #tpu.memory_space<hbm>>
      tpu.wait_dma2 semaphore(%arg17 : memref<!tpu.dma_semaphore, #tpu.memory_space<semaphore_mem>>) src(%dma_wait3A_189 : memref<4096xi32, #tpu.memory_space<hbm>>) dst(%arg12 : memref<4096xi32, #tpu.memory_space<vmem>>)
      %ge3A_190 = arith.constant 2 : i32
      %ge3A_191 = arith.cmpi sge, %add3A_177, %ge3A_190 : i32
      %convert_element_type3A_192 = arith.extui %ge3A_191 : i1 to i32
      %cond3A_193 = arith.constant 0 : i32
      %cond3A_194 = arith.cmpi ne, %convert_element_type3A_192, %cond3A_193 : i32
      scf.if %cond3A_194 {
        %dma_wait3A_305 = arith.constant 0 : i32
        %dma_wait3A_306 = tpu.memref_slice %arg6[%dma_wait3A_305] : memref<2097152xf32, #tpu.memory_space<hbm>> -> memref<4096xf32, #tpu.memory_space<hbm>>
        %dma_wait3A_307 = arith.constant 0 : i32
        %dma_wait3A_308 = tpu.memref_slice %arg6[%dma_wait3A_307] : memref<2097152xf32, #tpu.memory_space<hbm>> -> memref<4096xf32, #tpu.memory_space<hbm>>
        tpu.wait_dma2 semaphore(%arg19 : memref<!tpu.dma_semaphore, #tpu.memory_space<semaphore_mem>>) src(%arg14 : memref<4096xf32, #tpu.memory_space<vmem>>) dst(%dma_wait3A_308 : memref<4096xf32, #tpu.memory_space<hbm>>)
      } else {
      }
      %mul3A_195 = arith.constant 8 : i32
      %mul3A_196 = arith.muli %add3A_177, %mul3A_195 : i32
      %add3A_197 = arith.constant 0 : i32
      %add3A_198 = arith.addi %mul3A_196, %add3A_197 : i32
      %mul3A_199 = arith.constant 64 : i32
      %mul3A_200 = arith.muli %add3A_198, %mul3A_199 : i32
      %scan3A_201 = arith.constant 0 : i32
      %scan3A_202 = arith.constant 0 : i32
      %scan3A_203 = arith.constant 32 : i32
      %scan3A_204 = arith.addi %scan3A_202, %scan3A_203 : i32
      %scan3A_205 = arith.constant 4 : i32
      scf.for %scan3A_305 = %scan3A_202 to %scan3A_204 step %scan3A_205  : i32 {
        %mul3A_306 = arith.constant 16 : i32
        %mul3A_307 = arith.muli %scan3A_305, %mul3A_306 : i32
        %add3A_308 = arith.constant 0 : i32
        %add3A_309 = arith.addi %add3A_308, %mul3A_307 : i32
        %get3A = arith.index_cast %add3A_309 : i32 to index
        %get3A_310 = tpu.vector_load %arg10[%get3A] {strides = array<i32>} : memref<4096xi32, #tpu.memory_space<vmem>>, vector<16xi32>,
        %get3A_311 = arith.index_cast %add3A_309 : i32 to index
        %get3A_312 = tpu.vector_load %arg12[%get3A_311] {strides = array<i32>} : memref<4096xi32, #tpu.memory_space<vmem>>, vector<16xi32>,
        %mul3A_313 = arith.constant 64 : i32
        %mul3A_314 = vector.broadcast %mul3A_313 : i32 to vector<16xi32>
        %mul3A_315 = arith.muli %get3A_310, %mul3A_314 : vector<16xi32>
        %add3A_316 = arith.addi %mul3A_315, %get3A_312 : vector<16xi32>
        %add3A_317 = arith.constant 0 : i32
        %add3A_318 = vector.broadcast %add3A_317 : i32 to vector<16xi32>
        %add3A_319 = arith.addi %add3A_316, %add3A_318 : vector<16xi32>
        %gather3A = tpu.vector_load_idx %arg8[%add3A_319] : memref<32768xf32, #tpu.memory_space<vmem>>[vector<16xi32>], vector<16xf32>,
        %add3A_320 = vector.broadcast %mul3A_200 : i32 to vector<16xi32>
        %add3A_321 = arith.addi %get3A_310, %add3A_320 : vector<16xi32>
        %gather3A_322 = tpu.vector_load_idx %arg15[%add3A_321] : memref<8192xf32, #tpu.memory_space<vmem>>[vector<16xi32>], vector<16xf32>,
        %add3A_323 = arith.addf %gather3A, %gather3A_322 : vector<16xf32>
        %swap3A = arith.index_cast %add3A_309 : i32 to index
        %swap3A_324 = tpu.vector_load %arg14[%swap3A] {strides = array<i32>} : memref<4096xf32, #tpu.memory_space<vmem>>, vector<16xf32>,
        tpu.vector_store %arg14[%swap3A], %add3A_323 {strides = array<i32>} : memref<4096xf32, #tpu.memory_space<vmem>>, vector<16xf32>,
        %scan3A_325 = arith.constant 1 : i32
        %scan3A_326 = arith.addi %scan3A_305, %scan3A_325 : i32
        %mul3A_327 = arith.constant 16 : i32
        %mul3A_328 = arith.muli %scan3A_326, %mul3A_327 : i32
        %add3A_329 = arith.constant 0 : i32
        %add3A_330 = arith.addi %add3A_329, %mul3A_328 : i32
        %get3A_331 = arith.index_cast %add3A_330 : i32 to index
        %get3A_332 = tpu.vector_load %arg10[%get3A_331] {strides = array<i32>} : memref<4096xi32, #tpu.memory_space<vmem>>, vector<16xi32>,
        %get3A_333 = arith.index_cast %add3A_330 : i32 to index
        %get3A_334 = tpu.vector_load %arg12[%get3A_333] {strides = array<i32>} : memref<4096xi32, #tpu.memory_space<vmem>>, vector<16xi32>,
        %mul3A_335 = arith.constant 64 : i32
        %mul3A_336 = vector.broadcast %mul3A_335 : i32 to vector<16xi32>
        %mul3A_337 = arith.muli %get3A_332, %mul3A_336 : vector<16xi32>
        %add3A_338 = arith.addi %mul3A_337, %get3A_334 : vector<16xi32>
        %add3A_339 = arith.constant 0 : i32
        %add3A_340 = vector.broadcast %add3A_339 : i32 to vector<16xi32>
        %add3A_341 = arith.addi %add3A_338, %add3A_340 : vector<16xi32>
        %gather3A_342 = tpu.vector_load_idx %arg8[%add3A_341] : memref<32768xf32, #tpu.memory_space<vmem>>[vector<16xi32>], vector<16xf32>,
        %add3A_343 = vector.broadcast %mul3A_200 : i32 to vector<16xi32>
        %add3A_344 = arith.addi %get3A_332, %add3A_343 : vector<16xi32>
        %gather3A_345 = tpu.vector_load_idx %arg15[%add3A_344] : memref<8192xf32, #tpu.memory_space<vmem>>[vector<16xi32>], vector<16xf32>,
        %add3A_346 = arith.addf %gather3A_342, %gather3A_345 : vector<16xf32>
        %swap3A_347 = arith.index_cast %add3A_330 : i32 to index
        %swap3A_348 = tpu.vector_load %arg14[%swap3A_347] {strides = array<i32>} : memref<4096xf32, #tpu.memory_space<vmem>>, vector<16xf32>,
        tpu.vector_store %arg14[%swap3A_347], %add3A_346 {strides = array<i32>} : memref<4096xf32, #tpu.memory_space<vmem>>, vector<16xf32>,
        %scan3A_349 = arith.constant 2 : i32
        %scan3A_350 = arith.addi %scan3A_305, %scan3A_349 : i32
        %mul3A_351 = arith.constant 16 : i32
        %mul3A_352 = arith.muli %scan3A_350, %mul3A_351 : i32
        %add3A_353 = arith.constant 0 : i32
        %add3A_354 = arith.addi %add3A_353, %mul3A_352 : i32
        %get3A_355 = arith.index_cast %add3A_354 : i32 to index
        %get3A_356 = tpu.vector_load %arg10[%get3A_355] {strides = array<i32>} : memref<4096xi32, #tpu.memory_space<vmem>>, vector<16xi32>,
        %get3A_357 = arith.index_cast %add3A_354 : i32 to index
        %get3A_358 = tpu.vector_load %arg12[%get3A_357] {strides = array<i32>} : memref<4096xi32, #tpu.memory_space<vmem>>, vector<16xi32>,
        %mul3A_359 = arith.constant 64 : i32
        %mul3A_360 = vector.broadcast %mul3A_359 : i32 to vector<16xi32>
        %mul3A_361 = arith.muli %get3A_356, %mul3A_360 : vector<16xi32>
        %add3A_362 = arith.addi %mul3A_361, %get3A_358 : vector<16xi32>
        %add3A_363 = arith.constant 0 : i32
        %add3A_364 = vector.broadcast %add3A_363 : i32 to vector<16xi32>
        %add3A_365 = arith.addi %add3A_362, %add3A_364 : vector<16xi32>
        %gather3A_366 = tpu.vector_load_idx %arg8[%add3A_365] : memref<32768xf32, #tpu.memory_space<vmem>>[vector<16xi32>], vector<16xf32>,
        %add3A_367 = vector.broadcast %mul3A_200 : i32 to vector<16xi32>
        %add3A_368 = arith.addi %get3A_356, %add3A_367 : vector<16xi32>
        %gather3A_369 = tpu.vector_load_idx %arg15[%add3A_368] : memref<8192xf32, #tpu.memory_space<vmem>>[vector<16xi32>], vector<16xf32>,
        %add3A_370 = arith.addf %gather3A_366, %gather3A_369 : vector<16xf32>
        %swap3A_371 = arith.index_cast %add3A_354 : i32 to index
        %swap3A_372 = tpu.vector_load %arg14[%swap3A_371] {strides = array<i32>} : memref<4096xf32, #tpu.memory_space<vmem>>, vector<16xf32>,
        tpu.vector_store %arg14[%swap3A_371], %add3A_370 {strides = array<i32>} : memref<4096xf32, #tpu.memory_space<vmem>>, vector<16xf32>,
        %scan3A_373 = arith.constant 3 : i32
        %scan3A_374 = arith.addi %scan3A_305, %scan3A_373 : i32
        %mul3A_375 = arith.constant 16 : i32
        %mul3A_376 = arith.muli %scan3A_374, %mul3A_375 : i32
        %add3A_377 = arith.constant 0 : i32
        %add3A_378 = arith.addi %add3A_377, %mul3A_376 : i32
        %get3A_379 = arith.index_cast %add3A_378 : i32 to index
        %get3A_380 = tpu.vector_load %arg10[%get3A_379] {strides = array<i32>} : memref<4096xi32, #tpu.memory_space<vmem>>, vector<16xi32>,
        %get3A_381 = arith.index_cast %add3A_378 : i32 to index
        %get3A_382 = tpu.vector_load %arg12[%get3A_381] {strides = array<i32>} : memref<4096xi32, #tpu.memory_space<vmem>>, vector<16xi32>,
        %mul3A_383 = arith.constant 64 : i32
        %mul3A_384 = vector.broadcast %mul3A_383 : i32 to vector<16xi32>
        %mul3A_385 = arith.muli %get3A_380, %mul3A_384 : vector<16xi32>
        %add3A_386 = arith.addi %mul3A_385, %get3A_382 : vector<16xi32>
        %add3A_387 = arith.constant 0 : i32
        %add3A_388 = vector.broadcast %add3A_387 : i32 to vector<16xi32>
        %add3A_389 = arith.addi %add3A_386, %add3A_388 : vector<16xi32>
        %gather3A_390 = tpu.vector_load_idx %arg8[%add3A_389] : memref<32768xf32, #tpu.memory_space<vmem>>[vector<16xi32>], vector<16xf32>,
        %add3A_391 = vector.broadcast %mul3A_200 : i32 to vector<16xi32>
        %add3A_392 = arith.addi %get3A_380, %add3A_391 : vector<16xi32>
        %gather3A_393 = tpu.vector_load_idx %arg15[%add3A_392] : memref<8192xf32, #tpu.memory_space<vmem>>[vector<16xi32>], vector<16xf32>,
        %add3A_394 = arith.addf %gather3A_390, %gather3A_393 : vector<16xf32>
        %swap3A_395 = arith.index_cast %add3A_378 : i32 to index
        %swap3A_396 = tpu.vector_load %arg14[%swap3A_395] {strides = array<i32>} : memref<4096xf32, #tpu.memory_space<vmem>>, vector<16xf32>,
        tpu.vector_store %arg14[%swap3A_395], %add3A_394 {strides = array<i32>} : memref<4096xf32, #tpu.memory_space<vmem>>, vector<16xf32>,
      }
      %scan3A_206 = arith.constant 32 : i32
      %mul3A_207 = arith.constant 8 : i32
      %mul3A_208 = arith.muli %add3A_177, %mul3A_207 : i32
      %add3A_209 = arith.constant 1 : i32
      %add3A_210 = arith.addi %mul3A_208, %add3A_209 : i32
      %mul3A_211 = arith.constant 64 : i32
      %mul3A_212 = arith.muli %add3A_210, %mul3A_211 : i32
      %scan3A_213 = arith.constant 0 : i32
      %scan3A_214 = arith.constant 0 : i32
      %scan3A_215 = arith.constant 32 : i32
      %scan3A_216 = arith.addi %scan3A_214, %scan3A_215 : i32
      %scan3A_217 = arith.constant 4 : i32
      scf.for %scan3A_305 = %scan3A_214 to %scan3A_216 step %scan3A_217  : i32 {
        %mul3A_306 = arith.constant 16 : i32
        %mul3A_307 = arith.muli %scan3A_305, %mul3A_306 : i32
        %add3A_308 = arith.constant 512 : i32
        %add3A_309 = arith.addi %add3A_308, %mul3A_307 : i32
        %get3A = arith.index_cast %add3A_309 : i32 to index
        %get3A_310 = tpu.vector_load %arg10[%get3A] {strides = array<i32>} : memref<4096xi32, #tpu.memory_space<vmem>>, vector<16xi32>,
        %get3A_311 = arith.index_cast %add3A_309 : i32 to index
        %get3A_312 = tpu.vector_load %arg12[%get3A_311] {strides = array<i32>} : memref<4096xi32, #tpu.memory_space<vmem>>, vector<16xi32>,
        %mul3A_313 = arith.constant 64 : i32
        %mul3A_314 = vector.broadcast %mul3A_313 : i32 to vector<16xi32>
        %mul3A_315 = arith.muli %get3A_310, %mul3A_314 : vector<16xi32>
        %add3A_316 = arith.addi %mul3A_315, %get3A_312 : vector<16xi32>
        %add3A_317 = arith.constant 4096 : i32
        %add3A_318 = vector.broadcast %add3A_317 : i32 to vector<16xi32>
        %add3A_319 = arith.addi %add3A_316, %add3A_318 : vector<16xi32>
        %gather3A = tpu.vector_load_idx %arg8[%add3A_319] : memref<32768xf32, #tpu.memory_space<vmem>>[vector<16xi32>], vector<16xf32>,
        %add3A_320 = vector.broadcast %mul3A_212 : i32 to vector<16xi32>
        %add3A_321 = arith.addi %get3A_310, %add3A_320 : vector<16xi32>
        %gather3A_322 = tpu.vector_load_idx %arg15[%add3A_321] : memref<8192xf32, #tpu.memory_space<vmem>>[vector<16xi32>], vector<16xf32>,
        %add3A_323 = arith.addf %gather3A, %gather3A_322 : vector<16xf32>
        %swap3A = arith.index_cast %add3A_309 : i32 to index
        %swap3A_324 = tpu.vector_load %arg14[%swap3A] {strides = array<i32>} : memref<4096xf32, #tpu.memory_space<vmem>>, vector<16xf32>,
        tpu.vector_store %arg14[%swap3A], %add3A_323 {strides = array<i32>} : memref<4096xf32, #tpu.memory_space<vmem>>, vector<16xf32>,
        %scan3A_325 = arith.constant 1 : i32
        %scan3A_326 = arith.addi %scan3A_305, %scan3A_325 : i32
        %mul3A_327 = arith.constant 16 : i32
        %mul3A_328 = arith.muli %scan3A_326, %mul3A_327 : i32
        %add3A_329 = arith.constant 512 : i32
        %add3A_330 = arith.addi %add3A_329, %mul3A_328 : i32
        %get3A_331 = arith.index_cast %add3A_330 : i32 to index
        %get3A_332 = tpu.vector_load %arg10[%get3A_331] {strides = array<i32>} : memref<4096xi32, #tpu.memory_space<vmem>>, vector<16xi32>,
        %get3A_333 = arith.index_cast %add3A_330 : i32 to index
        %get3A_334 = tpu.vector_load %arg12[%get3A_333] {strides = array<i32>} : memref<4096xi32, #tpu.memory_space<vmem>>, vector<16xi32>,
        %mul3A_335 = arith.constant 64 : i32
        %mul3A_336 = vector.broadcast %mul3A_335 : i32 to vector<16xi32>
        %mul3A_337 = arith.muli %get3A_332, %mul3A_336 : vector<16xi32>
        %add3A_338 = arith.addi %mul3A_337, %get3A_334 : vector<16xi32>
        %add3A_339 = arith.constant 4096 : i32
        %add3A_340 = vector.broadcast %add3A_339 : i32 to vector<16xi32>
        %add3A_341 = arith.addi %add3A_338, %add3A_340 : vector<16xi32>
        %gather3A_342 = tpu.vector_load_idx %arg8[%add3A_341] : memref<32768xf32, #tpu.memory_space<vmem>>[vector<16xi32>], vector<16xf32>,
        %add3A_343 = vector.broadcast %mul3A_212 : i32 to vector<16xi32>
        %add3A_344 = arith.addi %get3A_332, %add3A_343 : vector<16xi32>
        %gather3A_345 = tpu.vector_load_idx %arg15[%add3A_344] : memref<8192xf32, #tpu.memory_space<vmem>>[vector<16xi32>], vector<16xf32>,
        %add3A_346 = arith.addf %gather3A_342, %gather3A_345 : vector<16xf32>
        %swap3A_347 = arith.index_cast %add3A_330 : i32 to index
        %swap3A_348 = tpu.vector_load %arg14[%swap3A_347] {strides = array<i32>} : memref<4096xf32, #tpu.memory_space<vmem>>, vector<16xf32>,
        tpu.vector_store %arg14[%swap3A_347], %add3A_346 {strides = array<i32>} : memref<4096xf32, #tpu.memory_space<vmem>>, vector<16xf32>,
        %scan3A_349 = arith.constant 2 : i32
        %scan3A_350 = arith.addi %scan3A_305, %scan3A_349 : i32
        %mul3A_351 = arith.constant 16 : i32
        %mul3A_352 = arith.muli %scan3A_350, %mul3A_351 : i32
        %add3A_353 = arith.constant 512 : i32
        %add3A_354 = arith.addi %add3A_353, %mul3A_352 : i32
        %get3A_355 = arith.index_cast %add3A_354 : i32 to index
        %get3A_356 = tpu.vector_load %arg10[%get3A_355] {strides = array<i32>} : memref<4096xi32, #tpu.memory_space<vmem>>, vector<16xi32>,
        %get3A_357 = arith.index_cast %add3A_354 : i32 to index
        %get3A_358 = tpu.vector_load %arg12[%get3A_357] {strides = array<i32>} : memref<4096xi32, #tpu.memory_space<vmem>>, vector<16xi32>,
        %mul3A_359 = arith.constant 64 : i32
        %mul3A_360 = vector.broadcast %mul3A_359 : i32 to vector<16xi32>
        %mul3A_361 = arith.muli %get3A_356, %mul3A_360 : vector<16xi32>
        %add3A_362 = arith.addi %mul3A_361, %get3A_358 : vector<16xi32>
        %add3A_363 = arith.constant 4096 : i32
        %add3A_364 = vector.broadcast %add3A_363 : i32 to vector<16xi32>
        %add3A_365 = arith.addi %add3A_362, %add3A_364 : vector<16xi32>
        %gather3A_366 = tpu.vector_load_idx %arg8[%add3A_365] : memref<32768xf32, #tpu.memory_space<vmem>>[vector<16xi32>], vector<16xf32>,
        %add3A_367 = vector.broadcast %mul3A_212 : i32 to vector<16xi32>
        %add3A_368 = arith.addi %get3A_356, %add3A_367 : vector<16xi32>
        %gather3A_369 = tpu.vector_load_idx %arg15[%add3A_368] : memref<8192xf32, #tpu.memory_space<vmem>>[vector<16xi32>], vector<16xf32>,
        %add3A_370 = arith.addf %gather3A_366, %gather3A_369 : vector<16xf32>
        %swap3A_371 = arith.index_cast %add3A_354 : i32 to index
        %swap3A_372 = tpu.vector_load %arg14[%swap3A_371] {strides = array<i32>} : memref<4096xf32, #tpu.memory_space<vmem>>, vector<16xf32>,
        tpu.vector_store %arg14[%swap3A_371], %add3A_370 {strides = array<i32>} : memref<4096xf32, #tpu.memory_space<vmem>>, vector<16xf32>,
        %scan3A_373 = arith.constant 3 : i32
        %scan3A_374 = arith.addi %scan3A_305, %scan3A_373 : i32
        %mul3A_375 = arith.constant 16 : i32
        %mul3A_376 = arith.muli %scan3A_374, %mul3A_375 : i32
        %add3A_377 = arith.constant 512 : i32
        %add3A_378 = arith.addi %add3A_377, %mul3A_376 : i32
        %get3A_379 = arith.index_cast %add3A_378 : i32 to index
        %get3A_380 = tpu.vector_load %arg10[%get3A_379] {strides = array<i32>} : memref<4096xi32, #tpu.memory_space<vmem>>, vector<16xi32>,
        %get3A_381 = arith.index_cast %add3A_378 : i32 to index
        %get3A_382 = tpu.vector_load %arg12[%get3A_381] {strides = array<i32>} : memref<4096xi32, #tpu.memory_space<vmem>>, vector<16xi32>,
        %mul3A_383 = arith.constant 64 : i32
        %mul3A_384 = vector.broadcast %mul3A_383 : i32 to vector<16xi32>
        %mul3A_385 = arith.muli %get3A_380, %mul3A_384 : vector<16xi32>
        %add3A_386 = arith.addi %mul3A_385, %get3A_382 : vector<16xi32>
        %add3A_387 = arith.constant 4096 : i32
        %add3A_388 = vector.broadcast %add3A_387 : i32 to vector<16xi32>
        %add3A_389 = arith.addi %add3A_386, %add3A_388 : vector<16xi32>
        %gather3A_390 = tpu.vector_load_idx %arg8[%add3A_389] : memref<32768xf32, #tpu.memory_space<vmem>>[vector<16xi32>], vector<16xf32>,
        %add3A_391 = vector.broadcast %mul3A_212 : i32 to vector<16xi32>
        %add3A_392 = arith.addi %get3A_380, %add3A_391 : vector<16xi32>
        %gather3A_393 = tpu.vector_load_idx %arg15[%add3A_392] : memref<8192xf32, #tpu.memory_space<vmem>>[vector<16xi32>], vector<16xf32>,
        %add3A_394 = arith.addf %gather3A_390, %gather3A_393 : vector<16xf32>
        %swap3A_395 = arith.index_cast %add3A_378 : i32 to index
        %swap3A_396 = tpu.vector_load %arg14[%swap3A_395] {strides = array<i32>} : memref<4096xf32, #tpu.memory_space<vmem>>, vector<16xf32>,
        tpu.vector_store %arg14[%swap3A_395], %add3A_394 {strides = array<i32>} : memref<4096xf32, #tpu.memory_space<vmem>>, vector<16xf32>,
      }
      %scan3A_218 = arith.constant 32 : i32
      %mul3A_219 = arith.constant 8 : i32
      %mul3A_220 = arith.muli %add3A_177, %mul3A_219 : i32
      %add3A_221 = arith.constant 2 : i32
      %add3A_222 = arith.addi %mul3A_220, %add3A_221 : i32
      %mul3A_223 = arith.constant 64 : i32
      %mul3A_224 = arith.muli %add3A_222, %mul3A_223 : i32
      %scan3A_225 = arith.constant 0 : i32
      %scan3A_226 = arith.constant 0 : i32
      %scan3A_227 = arith.constant 32 : i32
      %scan3A_228 = arith.addi %scan3A_226, %scan3A_227 : i32
      %scan3A_229 = arith.constant 4 : i32
      scf.for %scan3A_305 = %scan3A_226 to %scan3A_228 step %scan3A_229  : i32 {
        %mul3A_306 = arith.constant 16 : i32
        %mul3A_307 = arith.muli %scan3A_305, %mul3A_306 : i32
        %add3A_308 = arith.constant 1024 : i32
        %add3A_309 = arith.addi %add3A_308, %mul3A_307 : i32
        %get3A = arith.index_cast %add3A_309 : i32 to index
        %get3A_310 = tpu.vector_load %arg10[%get3A] {strides = array<i32>} : memref<4096xi32, #tpu.memory_space<vmem>>, vector<16xi32>,
        %get3A_311 = arith.index_cast %add3A_309 : i32 to index
        %get3A_312 = tpu.vector_load %arg12[%get3A_311] {strides = array<i32>} : memref<4096xi32, #tpu.memory_space<vmem>>, vector<16xi32>,
        %mul3A_313 = arith.constant 64 : i32
        %mul3A_314 = vector.broadcast %mul3A_313 : i32 to vector<16xi32>
        %mul3A_315 = arith.muli %get3A_310, %mul3A_314 : vector<16xi32>
        %add3A_316 = arith.addi %mul3A_315, %get3A_312 : vector<16xi32>
        %add3A_317 = arith.constant 8192 : i32
        %add3A_318 = vector.broadcast %add3A_317 : i32 to vector<16xi32>
        %add3A_319 = arith.addi %add3A_316, %add3A_318 : vector<16xi32>
        %gather3A = tpu.vector_load_idx %arg8[%add3A_319] : memref<32768xf32, #tpu.memory_space<vmem>>[vector<16xi32>], vector<16xf32>,
        %add3A_320 = vector.broadcast %mul3A_224 : i32 to vector<16xi32>
        %add3A_321 = arith.addi %get3A_310, %add3A_320 : vector<16xi32>
        %gather3A_322 = tpu.vector_load_idx %arg15[%add3A_321] : memref<8192xf32, #tpu.memory_space<vmem>>[vector<16xi32>], vector<16xf32>,
        %add3A_323 = arith.addf %gather3A, %gather3A_322 : vector<16xf32>
        %swap3A = arith.index_cast %add3A_309 : i32 to index
        %swap3A_324 = tpu.vector_load %arg14[%swap3A] {strides = array<i32>} : memref<4096xf32, #tpu.memory_space<vmem>>, vector<16xf32>,
        tpu.vector_store %arg14[%swap3A], %add3A_323 {strides = array<i32>} : memref<4096xf32, #tpu.memory_space<vmem>>, vector<16xf32>,
        %scan3A_325 = arith.constant 1 : i32
        %scan3A_326 = arith.addi %scan3A_305, %scan3A_325 : i32
        %mul3A_327 = arith.constant 16 : i32
        %mul3A_328 = arith.muli %scan3A_326, %mul3A_327 : i32
        %add3A_329 = arith.constant 1024 : i32
        %add3A_330 = arith.addi %add3A_329, %mul3A_328 : i32
        %get3A_331 = arith.index_cast %add3A_330 : i32 to index
        %get3A_332 = tpu.vector_load %arg10[%get3A_331] {strides = array<i32>} : memref<4096xi32, #tpu.memory_space<vmem>>, vector<16xi32>,
        %get3A_333 = arith.index_cast %add3A_330 : i32 to index
        %get3A_334 = tpu.vector_load %arg12[%get3A_333] {strides = array<i32>} : memref<4096xi32, #tpu.memory_space<vmem>>, vector<16xi32>,
        %mul3A_335 = arith.constant 64 : i32
        %mul3A_336 = vector.broadcast %mul3A_335 : i32 to vector<16xi32>
        %mul3A_337 = arith.muli %get3A_332, %mul3A_336 : vector<16xi32>
        %add3A_338 = arith.addi %mul3A_337, %get3A_334 : vector<16xi32>
        %add3A_339 = arith.constant 8192 : i32
        %add3A_340 = vector.broadcast %add3A_339 : i32 to vector<16xi32>
        %add3A_341 = arith.addi %add3A_338, %add3A_340 : vector<16xi32>
        %gather3A_342 = tpu.vector_load_idx %arg8[%add3A_341] : memref<32768xf32, #tpu.memory_space<vmem>>[vector<16xi32>], vector<16xf32>,
        %add3A_343 = vector.broadcast %mul3A_224 : i32 to vector<16xi32>
        %add3A_344 = arith.addi %get3A_332, %add3A_343 : vector<16xi32>
        %gather3A_345 = tpu.vector_load_idx %arg15[%add3A_344] : memref<8192xf32, #tpu.memory_space<vmem>>[vector<16xi32>], vector<16xf32>,
        %add3A_346 = arith.addf %gather3A_342, %gather3A_345 : vector<16xf32>
        %swap3A_347 = arith.index_cast %add3A_330 : i32 to index
        %swap3A_348 = tpu.vector_load %arg14[%swap3A_347] {strides = array<i32>} : memref<4096xf32, #tpu.memory_space<vmem>>, vector<16xf32>,
        tpu.vector_store %arg14[%swap3A_347], %add3A_346 {strides = array<i32>} : memref<4096xf32, #tpu.memory_space<vmem>>, vector<16xf32>,
        %scan3A_349 = arith.constant 2 : i32
        %scan3A_350 = arith.addi %scan3A_305, %scan3A_349 : i32
        %mul3A_351 = arith.constant 16 : i32
        %mul3A_352 = arith.muli %scan3A_350, %mul3A_351 : i32
        %add3A_353 = arith.constant 1024 : i32
        %add3A_354 = arith.addi %add3A_353, %mul3A_352 : i32
        %get3A_355 = arith.index_cast %add3A_354 : i32 to index
        %get3A_356 = tpu.vector_load %arg10[%get3A_355] {strides = array<i32>} : memref<4096xi32, #tpu.memory_space<vmem>>, vector<16xi32>,
        %get3A_357 = arith.index_cast %add3A_354 : i32 to index
        %get3A_358 = tpu.vector_load %arg12[%get3A_357] {strides = array<i32>} : memref<4096xi32, #tpu.memory_space<vmem>>, vector<16xi32>,
        %mul3A_359 = arith.constant 64 : i32
        %mul3A_360 = vector.broadcast %mul3A_359 : i32 to vector<16xi32>
        %mul3A_361 = arith.muli %get3A_356, %mul3A_360 : vector<16xi32>
        %add3A_362 = arith.addi %mul3A_361, %get3A_358 : vector<16xi32>
        %add3A_363 = arith.constant 8192 : i32
        %add3A_364 = vector.broadcast %add3A_363 : i32 to vector<16xi32>
        %add3A_365 = arith.addi %add3A_362, %add3A_364 : vector<16xi32>
        %gather3A_366 = tpu.vector_load_idx %arg8[%add3A_365] : memref<32768xf32, #tpu.memory_space<vmem>>[vector<16xi32>], vector<16xf32>,
        %add3A_367 = vector.broadcast %mul3A_224 : i32 to vector<16xi32>
        %add3A_368 = arith.addi %get3A_356, %add3A_367 : vector<16xi32>
        %gather3A_369 = tpu.vector_load_idx %arg15[%add3A_368] : memref<8192xf32, #tpu.memory_space<vmem>>[vector<16xi32>], vector<16xf32>,
        %add3A_370 = arith.addf %gather3A_366, %gather3A_369 : vector<16xf32>
        %swap3A_371 = arith.index_cast %add3A_354 : i32 to index
        %swap3A_372 = tpu.vector_load %arg14[%swap3A_371] {strides = array<i32>} : memref<4096xf32, #tpu.memory_space<vmem>>, vector<16xf32>,
        tpu.vector_store %arg14[%swap3A_371], %add3A_370 {strides = array<i32>} : memref<4096xf32, #tpu.memory_space<vmem>>, vector<16xf32>,
        %scan3A_373 = arith.constant 3 : i32
        %scan3A_374 = arith.addi %scan3A_305, %scan3A_373 : i32
        %mul3A_375 = arith.constant 16 : i32
        %mul3A_376 = arith.muli %scan3A_374, %mul3A_375 : i32
        %add3A_377 = arith.constant 1024 : i32
        %add3A_378 = arith.addi %add3A_377, %mul3A_376 : i32
        %get3A_379 = arith.index_cast %add3A_378 : i32 to index
        %get3A_380 = tpu.vector_load %arg10[%get3A_379] {strides = array<i32>} : memref<4096xi32, #tpu.memory_space<vmem>>, vector<16xi32>,
        %get3A_381 = arith.index_cast %add3A_378 : i32 to index
        %get3A_382 = tpu.vector_load %arg12[%get3A_381] {strides = array<i32>} : memref<4096xi32, #tpu.memory_space<vmem>>, vector<16xi32>,
        %mul3A_383 = arith.constant 64 : i32
        %mul3A_384 = vector.broadcast %mul3A_383 : i32 to vector<16xi32>
        %mul3A_385 = arith.muli %get3A_380, %mul3A_384 : vector<16xi32>
        %add3A_386 = arith.addi %mul3A_385, %get3A_382 : vector<16xi32>
        %add3A_387 = arith.constant 8192 : i32
        %add3A_388 = vector.broadcast %add3A_387 : i32 to vector<16xi32>
        %add3A_389 = arith.addi %add3A_386, %add3A_388 : vector<16xi32>
        %gather3A_390 = tpu.vector_load_idx %arg8[%add3A_389] : memref<32768xf32, #tpu.memory_space<vmem>>[vector<16xi32>], vector<16xf32>,
        %add3A_391 = vector.broadcast %mul3A_224 : i32 to vector<16xi32>
        %add3A_392 = arith.addi %get3A_380, %add3A_391 : vector<16xi32>
        %gather3A_393 = tpu.vector_load_idx %arg15[%add3A_392] : memref<8192xf32, #tpu.memory_space<vmem>>[vector<16xi32>], vector<16xf32>,
        %add3A_394 = arith.addf %gather3A_390, %gather3A_393 : vector<16xf32>
        %swap3A_395 = arith.index_cast %add3A_378 : i32 to index
        %swap3A_396 = tpu.vector_load %arg14[%swap3A_395] {strides = array<i32>} : memref<4096xf32, #tpu.memory_space<vmem>>, vector<16xf32>,
        tpu.vector_store %arg14[%swap3A_395], %add3A_394 {strides = array<i32>} : memref<4096xf32, #tpu.memory_space<vmem>>, vector<16xf32>,
      }
      %scan3A_230 = arith.constant 32 : i32
      %mul3A_231 = arith.constant 8 : i32
      %mul3A_232 = arith.muli %add3A_177, %mul3A_231 : i32
      %add3A_233 = arith.constant 3 : i32
      %add3A_234 = arith.addi %mul3A_232, %add3A_233 : i32
      %mul3A_235 = arith.constant 64 : i32
      %mul3A_236 = arith.muli %add3A_234, %mul3A_235 : i32
      %scan3A_237 = arith.constant 0 : i32
      %scan3A_238 = arith.constant 0 : i32
      %scan3A_239 = arith.constant 32 : i32
      %scan3A_240 = arith.addi %scan3A_238, %scan3A_239 : i32
      %scan3A_241 = arith.constant 4 : i32
      scf.for %scan3A_305 = %scan3A_238 to %scan3A_240 step %scan3A_241  : i32 {
        %mul3A_306 = arith.constant 16 : i32
        %mul3A_307 = arith.muli %scan3A_305, %mul3A_306 : i32
        %add3A_308 = arith.constant 1536 : i32
        %add3A_309 = arith.addi %add3A_308, %mul3A_307 : i32
        %get3A = arith.index_cast %add3A_309 : i32 to index
        %get3A_310 = tpu.vector_load %arg10[%get3A] {strides = array<i32>} : memref<4096xi32, #tpu.memory_space<vmem>>, vector<16xi32>,
        %get3A_311 = arith.index_cast %add3A_309 : i32 to index
        %get3A_312 = tpu.vector_load %arg12[%get3A_311] {strides = array<i32>} : memref<4096xi32, #tpu.memory_space<vmem>>, vector<16xi32>,
        %mul3A_313 = arith.constant 64 : i32
        %mul3A_314 = vector.broadcast %mul3A_313 : i32 to vector<16xi32>
        %mul3A_315 = arith.muli %get3A_310, %mul3A_314 : vector<16xi32>
        %add3A_316 = arith.addi %mul3A_315, %get3A_312 : vector<16xi32>
        %add3A_317 = arith.constant 12288 : i32
        %add3A_318 = vector.broadcast %add3A_317 : i32 to vector<16xi32>
        %add3A_319 = arith.addi %add3A_316, %add3A_318 : vector<16xi32>
        %gather3A = tpu.vector_load_idx %arg8[%add3A_319] : memref<32768xf32, #tpu.memory_space<vmem>>[vector<16xi32>], vector<16xf32>,
        %add3A_320 = vector.broadcast %mul3A_236 : i32 to vector<16xi32>
        %add3A_321 = arith.addi %get3A_310, %add3A_320 : vector<16xi32>
        %gather3A_322 = tpu.vector_load_idx %arg15[%add3A_321] : memref<8192xf32, #tpu.memory_space<vmem>>[vector<16xi32>], vector<16xf32>,
        %add3A_323 = arith.addf %gather3A, %gather3A_322 : vector<16xf32>
        %swap3A = arith.index_cast %add3A_309 : i32 to index
        %swap3A_324 = tpu.vector_load %arg14[%swap3A] {strides = array<i32>} : memref<4096xf32, #tpu.memory_space<vmem>>, vector<16xf32>,
        tpu.vector_store %arg14[%swap3A], %add3A_323 {strides = array<i32>} : memref<4096xf32, #tpu.memory_space<vmem>>, vector<16xf32>,
        %scan3A_325 = arith.constant 1 : i32
        %scan3A_326 = arith.addi %scan3A_305, %scan3A_325 : i32
        %mul3A_327 = arith.constant 16 : i32
        %mul3A_328 = arith.muli %scan3A_326, %mul3A_327 : i32
        %add3A_329 = arith.constant 1536 : i32
        %add3A_330 = arith.addi %add3A_329, %mul3A_328 : i32
        %get3A_331 = arith.index_cast %add3A_330 : i32 to index
        %get3A_332 = tpu.vector_load %arg10[%get3A_331] {strides = array<i32>} : memref<4096xi32, #tpu.memory_space<vmem>>, vector<16xi32>,
        %get3A_333 = arith.index_cast %add3A_330 : i32 to index
        %get3A_334 = tpu.vector_load %arg12[%get3A_333] {strides = array<i32>} : memref<4096xi32, #tpu.memory_space<vmem>>, vector<16xi32>,
        %mul3A_335 = arith.constant 64 : i32
        %mul3A_336 = vector.broadcast %mul3A_335 : i32 to vector<16xi32>
        %mul3A_337 = arith.muli %get3A_332, %mul3A_336 : vector<16xi32>
        %add3A_338 = arith.addi %mul3A_337, %get3A_334 : vector<16xi32>
        %add3A_339 = arith.constant 12288 : i32
        %add3A_340 = vector.broadcast %add3A_339 : i32 to vector<16xi32>
        %add3A_341 = arith.addi %add3A_338, %add3A_340 : vector<16xi32>
        %gather3A_342 = tpu.vector_load_idx %arg8[%add3A_341] : memref<32768xf32, #tpu.memory_space<vmem>>[vector<16xi32>], vector<16xf32>,
        %add3A_343 = vector.broadcast %mul3A_236 : i32 to vector<16xi32>
        %add3A_344 = arith.addi %get3A_332, %add3A_343 : vector<16xi32>
        %gather3A_345 = tpu.vector_load_idx %arg15[%add3A_344] : memref<8192xf32, #tpu.memory_space<vmem>>[vector<16xi32>], vector<16xf32>,
        %add3A_346 = arith.addf %gather3A_342, %gather3A_345 : vector<16xf32>
        %swap3A_347 = arith.index_cast %add3A_330 : i32 to index
        %swap3A_348 = tpu.vector_load %arg14[%swap3A_347] {strides = array<i32>} : memref<4096xf32, #tpu.memory_space<vmem>>, vector<16xf32>,
        tpu.vector_store %arg14[%swap3A_347], %add3A_346 {strides = array<i32>} : memref<4096xf32, #tpu.memory_space<vmem>>, vector<16xf32>,
        %scan3A_349 = arith.constant 2 : i32
        %scan3A_350 = arith.addi %scan3A_305, %scan3A_349 : i32
        %mul3A_351 = arith.constant 16 : i32
        %mul3A_352 = arith.muli %scan3A_350, %mul3A_351 : i32
        %add3A_353 = arith.constant 1536 : i32
        %add3A_354 = arith.addi %add3A_353, %mul3A_352 : i32
        %get3A_355 = arith.index_cast %add3A_354 : i32 to index
        %get3A_356 = tpu.vector_load %arg10[%get3A_355] {strides = array<i32>} : memref<4096xi32, #tpu.memory_space<vmem>>, vector<16xi32>,
        %get3A_357 = arith.index_cast %add3A_354 : i32 to index
        %get3A_358 = tpu.vector_load %arg12[%get3A_357] {strides = array<i32>} : memref<4096xi32, #tpu.memory_space<vmem>>, vector<16xi32>,
        %mul3A_359 = arith.constant 64 : i32
        %mul3A_360 = vector.broadcast %mul3A_359 : i32 to vector<16xi32>
        %mul3A_361 = arith.muli %get3A_356, %mul3A_360 : vector<16xi32>
        %add3A_362 = arith.addi %mul3A_361, %get3A_358 : vector<16xi32>
        %add3A_363 = arith.constant 12288 : i32
        %add3A_364 = vector.broadcast %add3A_363 : i32 to vector<16xi32>
        %add3A_365 = arith.addi %add3A_362, %add3A_364 : vector<16xi32>
        %gather3A_366 = tpu.vector_load_idx %arg8[%add3A_365] : memref<32768xf32, #tpu.memory_space<vmem>>[vector<16xi32>], vector<16xf32>,
        %add3A_367 = vector.broadcast %mul3A_236 : i32 to vector<16xi32>
        %add3A_368 = arith.addi %get3A_356, %add3A_367 : vector<16xi32>
        %gather3A_369 = tpu.vector_load_idx %arg15[%add3A_368] : memref<8192xf32, #tpu.memory_space<vmem>>[vector<16xi32>], vector<16xf32>,
        %add3A_370 = arith.addf %gather3A_366, %gather3A_369 : vector<16xf32>
        %swap3A_371 = arith.index_cast %add3A_354 : i32 to index
        %swap3A_372 = tpu.vector_load %arg14[%swap3A_371] {strides = array<i32>} : memref<4096xf32, #tpu.memory_space<vmem>>, vector<16xf32>,
        tpu.vector_store %arg14[%swap3A_371], %add3A_370 {strides = array<i32>} : memref<4096xf32, #tpu.memory_space<vmem>>, vector<16xf32>,
        %scan3A_373 = arith.constant 3 : i32
        %scan3A_374 = arith.addi %scan3A_305, %scan3A_373 : i32
        %mul3A_375 = arith.constant 16 : i32
        %mul3A_376 = arith.muli %scan3A_374, %mul3A_375 : i32
        %add3A_377 = arith.constant 1536 : i32
        %add3A_378 = arith.addi %add3A_377, %mul3A_376 : i32
        %get3A_379 = arith.index_cast %add3A_378 : i32 to index
        %get3A_380 = tpu.vector_load %arg10[%get3A_379] {strides = array<i32>} : memref<4096xi32, #tpu.memory_space<vmem>>, vector<16xi32>,
        %get3A_381 = arith.index_cast %add3A_378 : i32 to index
        %get3A_382 = tpu.vector_load %arg12[%get3A_381] {strides = array<i32>} : memref<4096xi32, #tpu.memory_space<vmem>>, vector<16xi32>,
        %mul3A_383 = arith.constant 64 : i32
        %mul3A_384 = vector.broadcast %mul3A_383 : i32 to vector<16xi32>
        %mul3A_385 = arith.muli %get3A_380, %mul3A_384 : vector<16xi32>
        %add3A_386 = arith.addi %mul3A_385, %get3A_382 : vector<16xi32>
        %add3A_387 = arith.constant 12288 : i32
        %add3A_388 = vector.broadcast %add3A_387 : i32 to vector<16xi32>
        %add3A_389 = arith.addi %add3A_386, %add3A_388 : vector<16xi32>
        %gather3A_390 = tpu.vector_load_idx %arg8[%add3A_389] : memref<32768xf32, #tpu.memory_space<vmem>>[vector<16xi32>], vector<16xf32>,
        %add3A_391 = vector.broadcast %mul3A_236 : i32 to vector<16xi32>
        %add3A_392 = arith.addi %get3A_380, %add3A_391 : vector<16xi32>
        %gather3A_393 = tpu.vector_load_idx %arg15[%add3A_392] : memref<8192xf32, #tpu.memory_space<vmem>>[vector<16xi32>], vector<16xf32>,
        %add3A_394 = arith.addf %gather3A_390, %gather3A_393 : vector<16xf32>
        %swap3A_395 = arith.index_cast %add3A_378 : i32 to index
        %swap3A_396 = tpu.vector_load %arg14[%swap3A_395] {strides = array<i32>} : memref<4096xf32, #tpu.memory_space<vmem>>, vector<16xf32>,
        tpu.vector_store %arg14[%swap3A_395], %add3A_394 {strides = array<i32>} : memref<4096xf32, #tpu.memory_space<vmem>>, vector<16xf32>,
      }
      %scan3A_242 = arith.constant 32 : i32
      %mul3A_243 = arith.constant 8 : i32
      %mul3A_244 = arith.muli %add3A_177, %mul3A_243 : i32
      %add3A_245 = arith.constant 4 : i32
      %add3A_246 = arith.addi %mul3A_244, %add3A_245 : i32
      %mul3A_247 = arith.constant 64 : i32
      %mul3A_248 = arith.muli %add3A_246, %mul3A_247 : i32
      %scan3A_249 = arith.constant 0 : i32
      %scan3A_250 = arith.constant 0 : i32
      %scan3A_251 = arith.constant 32 : i32
      %scan3A_252 = arith.addi %scan3A_250, %scan3A_251 : i32
      %scan3A_253 = arith.constant 4 : i32
      scf.for %scan3A_305 = %scan3A_250 to %scan3A_252 step %scan3A_253  : i32 {
        %mul3A_306 = arith.constant 16 : i32
        %mul3A_307 = arith.muli %scan3A_305, %mul3A_306 : i32
        %add3A_308 = arith.constant 2048 : i32
        %add3A_309 = arith.addi %add3A_308, %mul3A_307 : i32
        %get3A = arith.index_cast %add3A_309 : i32 to index
        %get3A_310 = tpu.vector_load %arg10[%get3A] {strides = array<i32>} : memref<4096xi32, #tpu.memory_space<vmem>>, vector<16xi32>,
        %get3A_311 = arith.index_cast %add3A_309 : i32 to index
        %get3A_312 = tpu.vector_load %arg12[%get3A_311] {strides = array<i32>} : memref<4096xi32, #tpu.memory_space<vmem>>, vector<16xi32>,
        %mul3A_313 = arith.constant 64 : i32
        %mul3A_314 = vector.broadcast %mul3A_313 : i32 to vector<16xi32>
        %mul3A_315 = arith.muli %get3A_310, %mul3A_314 : vector<16xi32>
        %add3A_316 = arith.addi %mul3A_315, %get3A_312 : vector<16xi32>
        %add3A_317 = arith.constant 16384 : i32
        %add3A_318 = vector.broadcast %add3A_317 : i32 to vector<16xi32>
        %add3A_319 = arith.addi %add3A_316, %add3A_318 : vector<16xi32>
        %gather3A = tpu.vector_load_idx %arg8[%add3A_319] : memref<32768xf32, #tpu.memory_space<vmem>>[vector<16xi32>], vector<16xf32>,
        %add3A_320 = vector.broadcast %mul3A_248 : i32 to vector<16xi32>
        %add3A_321 = arith.addi %get3A_310, %add3A_320 : vector<16xi32>
        %gather3A_322 = tpu.vector_load_idx %arg15[%add3A_321] : memref<8192xf32, #tpu.memory_space<vmem>>[vector<16xi32>], vector<16xf32>,
        %add3A_323 = arith.addf %gather3A, %gather3A_322 : vector<16xf32>
        %swap3A = arith.index_cast %add3A_309 : i32 to index
        %swap3A_324 = tpu.vector_load %arg14[%swap3A] {strides = array<i32>} : memref<4096xf32, #tpu.memory_space<vmem>>, vector<16xf32>,
        tpu.vector_store %arg14[%swap3A], %add3A_323 {strides = array<i32>} : memref<4096xf32, #tpu.memory_space<vmem>>, vector<16xf32>,
        %scan3A_325 = arith.constant 1 : i32
        %scan3A_326 = arith.addi %scan3A_305, %scan3A_325 : i32
        %mul3A_327 = arith.constant 16 : i32
        %mul3A_328 = arith.muli %scan3A_326, %mul3A_327 : i32
        %add3A_329 = arith.constant 2048 : i32
        %add3A_330 = arith.addi %add3A_329, %mul3A_328 : i32
        %get3A_331 = arith.index_cast %add3A_330 : i32 to index
        %get3A_332 = tpu.vector_load %arg10[%get3A_331] {strides = array<i32>} : memref<4096xi32, #tpu.memory_space<vmem>>, vector<16xi32>,
        %get3A_333 = arith.index_cast %add3A_330 : i32 to index
        %get3A_334 = tpu.vector_load %arg12[%get3A_333] {strides = array<i32>} : memref<4096xi32, #tpu.memory_space<vmem>>, vector<16xi32>,
        %mul3A_335 = arith.constant 64 : i32
        %mul3A_336 = vector.broadcast %mul3A_335 : i32 to vector<16xi32>
        %mul3A_337 = arith.muli %get3A_332, %mul3A_336 : vector<16xi32>
        %add3A_338 = arith.addi %mul3A_337, %get3A_334 : vector<16xi32>
        %add3A_339 = arith.constant 16384 : i32
        %add3A_340 = vector.broadcast %add3A_339 : i32 to vector<16xi32>
        %add3A_341 = arith.addi %add3A_338, %add3A_340 : vector<16xi32>
        %gather3A_342 = tpu.vector_load_idx %arg8[%add3A_341] : memref<32768xf32, #tpu.memory_space<vmem>>[vector<16xi32>], vector<16xf32>,
        %add3A_343 = vector.broadcast %mul3A_248 : i32 to vector<16xi32>
        %add3A_344 = arith.addi %get3A_332, %add3A_343 : vector<16xi32>
        %gather3A_345 = tpu.vector_load_idx %arg15[%add3A_344] : memref<8192xf32, #tpu.memory_space<vmem>>[vector<16xi32>], vector<16xf32>,
        %add3A_346 = arith.addf %gather3A_342, %gather3A_345 : vector<16xf32>
        %swap3A_347 = arith.index_cast %add3A_330 : i32 to index
        %swap3A_348 = tpu.vector_load %arg14[%swap3A_347] {strides = array<i32>} : memref<4096xf32, #tpu.memory_space<vmem>>, vector<16xf32>,
        tpu.vector_store %arg14[%swap3A_347], %add3A_346 {strides = array<i32>} : memref<4096xf32, #tpu.memory_space<vmem>>, vector<16xf32>,
        %scan3A_349 = arith.constant 2 : i32
        %scan3A_350 = arith.addi %scan3A_305, %scan3A_349 : i32
        %mul3A_351 = arith.constant 16 : i32
        %mul3A_352 = arith.muli %scan3A_350, %mul3A_351 : i32
        %add3A_353 = arith.constant 2048 : i32
        %add3A_354 = arith.addi %add3A_353, %mul3A_352 : i32
        %get3A_355 = arith.index_cast %add3A_354 : i32 to index
        %get3A_356 = tpu.vector_load %arg10[%get3A_355] {strides = array<i32>} : memref<4096xi32, #tpu.memory_space<vmem>>, vector<16xi32>,
        %get3A_357 = arith.index_cast %add3A_354 : i32 to index
        %get3A_358 = tpu.vector_load %arg12[%get3A_357] {strides = array<i32>} : memref<4096xi32, #tpu.memory_space<vmem>>, vector<16xi32>,
        %mul3A_359 = arith.constant 64 : i32
        %mul3A_360 = vector.broadcast %mul3A_359 : i32 to vector<16xi32>
        %mul3A_361 = arith.muli %get3A_356, %mul3A_360 : vector<16xi32>
        %add3A_362 = arith.addi %mul3A_361, %get3A_358 : vector<16xi32>
        %add3A_363 = arith.constant 16384 : i32
        %add3A_364 = vector.broadcast %add3A_363 : i32 to vector<16xi32>
        %add3A_365 = arith.addi %add3A_362, %add3A_364 : vector<16xi32>
        %gather3A_366 = tpu.vector_load_idx %arg8[%add3A_365] : memref<32768xf32, #tpu.memory_space<vmem>>[vector<16xi32>], vector<16xf32>,
        %add3A_367 = vector.broadcast %mul3A_248 : i32 to vector<16xi32>
        %add3A_368 = arith.addi %get3A_356, %add3A_367 : vector<16xi32>
        %gather3A_369 = tpu.vector_load_idx %arg15[%add3A_368] : memref<8192xf32, #tpu.memory_space<vmem>>[vector<16xi32>], vector<16xf32>,
        %add3A_370 = arith.addf %gather3A_366, %gather3A_369 : vector<16xf32>
        %swap3A_371 = arith.index_cast %add3A_354 : i32 to index
        %swap3A_372 = tpu.vector_load %arg14[%swap3A_371] {strides = array<i32>} : memref<4096xf32, #tpu.memory_space<vmem>>, vector<16xf32>,
        tpu.vector_store %arg14[%swap3A_371], %add3A_370 {strides = array<i32>} : memref<4096xf32, #tpu.memory_space<vmem>>, vector<16xf32>,
        %scan3A_373 = arith.constant 3 : i32
        %scan3A_374 = arith.addi %scan3A_305, %scan3A_373 : i32
        %mul3A_375 = arith.constant 16 : i32
        %mul3A_376 = arith.muli %scan3A_374, %mul3A_375 : i32
        %add3A_377 = arith.constant 2048 : i32
        %add3A_378 = arith.addi %add3A_377, %mul3A_376 : i32
        %get3A_379 = arith.index_cast %add3A_378 : i32 to index
        %get3A_380 = tpu.vector_load %arg10[%get3A_379] {strides = array<i32>} : memref<4096xi32, #tpu.memory_space<vmem>>, vector<16xi32>,
        %get3A_381 = arith.index_cast %add3A_378 : i32 to index
        %get3A_382 = tpu.vector_load %arg12[%get3A_381] {strides = array<i32>} : memref<4096xi32, #tpu.memory_space<vmem>>, vector<16xi32>,
        %mul3A_383 = arith.constant 64 : i32
        %mul3A_384 = vector.broadcast %mul3A_383 : i32 to vector<16xi32>
        %mul3A_385 = arith.muli %get3A_380, %mul3A_384 : vector<16xi32>
        %add3A_386 = arith.addi %mul3A_385, %get3A_382 : vector<16xi32>
        %add3A_387 = arith.constant 16384 : i32
        %add3A_388 = vector.broadcast %add3A_387 : i32 to vector<16xi32>
        %add3A_389 = arith.addi %add3A_386, %add3A_388 : vector<16xi32>
        %gather3A_390 = tpu.vector_load_idx %arg8[%add3A_389] : memref<32768xf32, #tpu.memory_space<vmem>>[vector<16xi32>], vector<16xf32>,
        %add3A_391 = vector.broadcast %mul3A_248 : i32 to vector<16xi32>
        %add3A_392 = arith.addi %get3A_380, %add3A_391 : vector<16xi32>
        %gather3A_393 = tpu.vector_load_idx %arg15[%add3A_392] : memref<8192xf32, #tpu.memory_space<vmem>>[vector<16xi32>], vector<16xf32>,
        %add3A_394 = arith.addf %gather3A_390, %gather3A_393 : vector<16xf32>
        %swap3A_395 = arith.index_cast %add3A_378 : i32 to index
        %swap3A_396 = tpu.vector_load %arg14[%swap3A_395] {strides = array<i32>} : memref<4096xf32, #tpu.memory_space<vmem>>, vector<16xf32>,
        tpu.vector_store %arg14[%swap3A_395], %add3A_394 {strides = array<i32>} : memref<4096xf32, #tpu.memory_space<vmem>>, vector<16xf32>,
      }
      %scan3A_254 = arith.constant 32 : i32
      %mul3A_255 = arith.constant 8 : i32
      %mul3A_256 = arith.muli %add3A_177, %mul3A_255 : i32
      %add3A_257 = arith.constant 5 : i32
      %add3A_258 = arith.addi %mul3A_256, %add3A_257 : i32
      %mul3A_259 = arith.constant 64 : i32
      %mul3A_260 = arith.muli %add3A_258, %mul3A_259 : i32
      %scan3A_261 = arith.constant 0 : i32
      %scan3A_262 = arith.constant 0 : i32
      %scan3A_263 = arith.constant 32 : i32
      %scan3A_264 = arith.addi %scan3A_262, %scan3A_263 : i32
      %scan3A_265 = arith.constant 4 : i32
      scf.for %scan3A_305 = %scan3A_262 to %scan3A_264 step %scan3A_265  : i32 {
        %mul3A_306 = arith.constant 16 : i32
        %mul3A_307 = arith.muli %scan3A_305, %mul3A_306 : i32
        %add3A_308 = arith.constant 2560 : i32
        %add3A_309 = arith.addi %add3A_308, %mul3A_307 : i32
        %get3A = arith.index_cast %add3A_309 : i32 to index
        %get3A_310 = tpu.vector_load %arg10[%get3A] {strides = array<i32>} : memref<4096xi32, #tpu.memory_space<vmem>>, vector<16xi32>,
        %get3A_311 = arith.index_cast %add3A_309 : i32 to index
        %get3A_312 = tpu.vector_load %arg12[%get3A_311] {strides = array<i32>} : memref<4096xi32, #tpu.memory_space<vmem>>, vector<16xi32>,
        %mul3A_313 = arith.constant 64 : i32
        %mul3A_314 = vector.broadcast %mul3A_313 : i32 to vector<16xi32>
        %mul3A_315 = arith.muli %get3A_310, %mul3A_314 : vector<16xi32>
        %add3A_316 = arith.addi %mul3A_315, %get3A_312 : vector<16xi32>
        %add3A_317 = arith.constant 20480 : i32
        %add3A_318 = vector.broadcast %add3A_317 : i32 to vector<16xi32>
        %add3A_319 = arith.addi %add3A_316, %add3A_318 : vector<16xi32>
        %gather3A = tpu.vector_load_idx %arg8[%add3A_319] : memref<32768xf32, #tpu.memory_space<vmem>>[vector<16xi32>], vector<16xf32>,
        %add3A_320 = vector.broadcast %mul3A_260 : i32 to vector<16xi32>
        %add3A_321 = arith.addi %get3A_310, %add3A_320 : vector<16xi32>
        %gather3A_322 = tpu.vector_load_idx %arg15[%add3A_321] : memref<8192xf32, #tpu.memory_space<vmem>>[vector<16xi32>], vector<16xf32>,
        %add3A_323 = arith.addf %gather3A, %gather3A_322 : vector<16xf32>
        %swap3A = arith.index_cast %add3A_309 : i32 to index
        %swap3A_324 = tpu.vector_load %arg14[%swap3A] {strides = array<i32>} : memref<4096xf32, #tpu.memory_space<vmem>>, vector<16xf32>,
        tpu.vector_store %arg14[%swap3A], %add3A_323 {strides = array<i32>} : memref<4096xf32, #tpu.memory_space<vmem>>, vector<16xf32>,
        %scan3A_325 = arith.constant 1 : i32
        %scan3A_326 = arith.addi %scan3A_305, %scan3A_325 : i32
        %mul3A_327 = arith.constant 16 : i32
        %mul3A_328 = arith.muli %scan3A_326, %mul3A_327 : i32
        %add3A_329 = arith.constant 2560 : i32
        %add3A_330 = arith.addi %add3A_329, %mul3A_328 : i32
        %get3A_331 = arith.index_cast %add3A_330 : i32 to index
        %get3A_332 = tpu.vector_load %arg10[%get3A_331] {strides = array<i32>} : memref<4096xi32, #tpu.memory_space<vmem>>, vector<16xi32>,
        %get3A_333 = arith.index_cast %add3A_330 : i32 to index
        %get3A_334 = tpu.vector_load %arg12[%get3A_333] {strides = array<i32>} : memref<4096xi32, #tpu.memory_space<vmem>>, vector<16xi32>,
        %mul3A_335 = arith.constant 64 : i32
        %mul3A_336 = vector.broadcast %mul3A_335 : i32 to vector<16xi32>
        %mul3A_337 = arith.muli %get3A_332, %mul3A_336 : vector<16xi32>
        %add3A_338 = arith.addi %mul3A_337, %get3A_334 : vector<16xi32>
        %add3A_339 = arith.constant 20480 : i32
        %add3A_340 = vector.broadcast %add3A_339 : i32 to vector<16xi32>
        %add3A_341 = arith.addi %add3A_338, %add3A_340 : vector<16xi32>
        %gather3A_342 = tpu.vector_load_idx %arg8[%add3A_341] : memref<32768xf32, #tpu.memory_space<vmem>>[vector<16xi32>], vector<16xf32>,
        %add3A_343 = vector.broadcast %mul3A_260 : i32 to vector<16xi32>
        %add3A_344 = arith.addi %get3A_332, %add3A_343 : vector<16xi32>
        %gather3A_345 = tpu.vector_load_idx %arg15[%add3A_344] : memref<8192xf32, #tpu.memory_space<vmem>>[vector<16xi32>], vector<16xf32>,
        %add3A_346 = arith.addf %gather3A_342, %gather3A_345 : vector<16xf32>
        %swap3A_347 = arith.index_cast %add3A_330 : i32 to index
        %swap3A_348 = tpu.vector_load %arg14[%swap3A_347] {strides = array<i32>} : memref<4096xf32, #tpu.memory_space<vmem>>, vector<16xf32>,
        tpu.vector_store %arg14[%swap3A_347], %add3A_346 {strides = array<i32>} : memref<4096xf32, #tpu.memory_space<vmem>>, vector<16xf32>,
        %scan3A_349 = arith.constant 2 : i32
        %scan3A_350 = arith.addi %scan3A_305, %scan3A_349 : i32
        %mul3A_351 = arith.constant 16 : i32
        %mul3A_352 = arith.muli %scan3A_350, %mul3A_351 : i32
        %add3A_353 = arith.constant 2560 : i32
        %add3A_354 = arith.addi %add3A_353, %mul3A_352 : i32
        %get3A_355 = arith.index_cast %add3A_354 : i32 to index
        %get3A_356 = tpu.vector_load %arg10[%get3A_355] {strides = array<i32>} : memref<4096xi32, #tpu.memory_space<vmem>>, vector<16xi32>,
        %get3A_357 = arith.index_cast %add3A_354 : i32 to index
        %get3A_358 = tpu.vector_load %arg12[%get3A_357] {strides = array<i32>} : memref<4096xi32, #tpu.memory_space<vmem>>, vector<16xi32>,
        %mul3A_359 = arith.constant 64 : i32
        %mul3A_360 = vector.broadcast %mul3A_359 : i32 to vector<16xi32>
        %mul3A_361 = arith.muli %get3A_356, %mul3A_360 : vector<16xi32>
        %add3A_362 = arith.addi %mul3A_361, %get3A_358 : vector<16xi32>
        %add3A_363 = arith.constant 20480 : i32
        %add3A_364 = vector.broadcast %add3A_363 : i32 to vector<16xi32>
        %add3A_365 = arith.addi %add3A_362, %add3A_364 : vector<16xi32>
        %gather3A_366 = tpu.vector_load_idx %arg8[%add3A_365] : memref<32768xf32, #tpu.memory_space<vmem>>[vector<16xi32>], vector<16xf32>,
        %add3A_367 = vector.broadcast %mul3A_260 : i32 to vector<16xi32>
        %add3A_368 = arith.addi %get3A_356, %add3A_367 : vector<16xi32>
        %gather3A_369 = tpu.vector_load_idx %arg15[%add3A_368] : memref<8192xf32, #tpu.memory_space<vmem>>[vector<16xi32>], vector<16xf32>,
        %add3A_370 = arith.addf %gather3A_366, %gather3A_369 : vector<16xf32>
        %swap3A_371 = arith.index_cast %add3A_354 : i32 to index
        %swap3A_372 = tpu.vector_load %arg14[%swap3A_371] {strides = array<i32>} : memref<4096xf32, #tpu.memory_space<vmem>>, vector<16xf32>,
        tpu.vector_store %arg14[%swap3A_371], %add3A_370 {strides = array<i32>} : memref<4096xf32, #tpu.memory_space<vmem>>, vector<16xf32>,
        %scan3A_373 = arith.constant 3 : i32
        %scan3A_374 = arith.addi %scan3A_305, %scan3A_373 : i32
        %mul3A_375 = arith.constant 16 : i32
        %mul3A_376 = arith.muli %scan3A_374, %mul3A_375 : i32
        %add3A_377 = arith.constant 2560 : i32
        %add3A_378 = arith.addi %add3A_377, %mul3A_376 : i32
        %get3A_379 = arith.index_cast %add3A_378 : i32 to index
        %get3A_380 = tpu.vector_load %arg10[%get3A_379] {strides = array<i32>} : memref<4096xi32, #tpu.memory_space<vmem>>, vector<16xi32>,
        %get3A_381 = arith.index_cast %add3A_378 : i32 to index
        %get3A_382 = tpu.vector_load %arg12[%get3A_381] {strides = array<i32>} : memref<4096xi32, #tpu.memory_space<vmem>>, vector<16xi32>,
        %mul3A_383 = arith.constant 64 : i32
        %mul3A_384 = vector.broadcast %mul3A_383 : i32 to vector<16xi32>
        %mul3A_385 = arith.muli %get3A_380, %mul3A_384 : vector<16xi32>
        %add3A_386 = arith.addi %mul3A_385, %get3A_382 : vector<16xi32>
        %add3A_387 = arith.constant 20480 : i32
        %add3A_388 = vector.broadcast %add3A_387 : i32 to vector<16xi32>
        %add3A_389 = arith.addi %add3A_386, %add3A_388 : vector<16xi32>
        %gather3A_390 = tpu.vector_load_idx %arg8[%add3A_389] : memref<32768xf32, #tpu.memory_space<vmem>>[vector<16xi32>], vector<16xf32>,
        %add3A_391 = vector.broadcast %mul3A_260 : i32 to vector<16xi32>
        %add3A_392 = arith.addi %get3A_380, %add3A_391 : vector<16xi32>
        %gather3A_393 = tpu.vector_load_idx %arg15[%add3A_392] : memref<8192xf32, #tpu.memory_space<vmem>>[vector<16xi32>], vector<16xf32>,
        %add3A_394 = arith.addf %gather3A_390, %gather3A_393 : vector<16xf32>
        %swap3A_395 = arith.index_cast %add3A_378 : i32 to index
        %swap3A_396 = tpu.vector_load %arg14[%swap3A_395] {strides = array<i32>} : memref<4096xf32, #tpu.memory_space<vmem>>, vector<16xf32>,
        tpu.vector_store %arg14[%swap3A_395], %add3A_394 {strides = array<i32>} : memref<4096xf32, #tpu.memory_space<vmem>>, vector<16xf32>,
      }
      %scan3A_266 = arith.constant 32 : i32
      %mul3A_267 = arith.constant 8 : i32
      %mul3A_268 = arith.muli %add3A_177, %mul3A_267 : i32
      %add3A_269 = arith.constant 6 : i32
      %add3A_270 = arith.addi %mul3A_268, %add3A_269 : i32
      %mul3A_271 = arith.constant 64 : i32
      %mul3A_272 = arith.muli %add3A_270, %mul3A_271 : i32
      %scan3A_273 = arith.constant 0 : i32
      %scan3A_274 = arith.constant 0 : i32
      %scan3A_275 = arith.constant 32 : i32
      %scan3A_276 = arith.addi %scan3A_274, %scan3A_275 : i32
      %scan3A_277 = arith.constant 4 : i32
      scf.for %scan3A_305 = %scan3A_274 to %scan3A_276 step %scan3A_277  : i32 {
        %mul3A_306 = arith.constant 16 : i32
        %mul3A_307 = arith.muli %scan3A_305, %mul3A_306 : i32
        %add3A_308 = arith.constant 3072 : i32
        %add3A_309 = arith.addi %add3A_308, %mul3A_307 : i32
        %get3A = arith.index_cast %add3A_309 : i32 to index
        %get3A_310 = tpu.vector_load %arg10[%get3A] {strides = array<i32>} : memref<4096xi32, #tpu.memory_space<vmem>>, vector<16xi32>,
        %get3A_311 = arith.index_cast %add3A_309 : i32 to index
        %get3A_312 = tpu.vector_load %arg12[%get3A_311] {strides = array<i32>} : memref<4096xi32, #tpu.memory_space<vmem>>, vector<16xi32>,
        %mul3A_313 = arith.constant 64 : i32
        %mul3A_314 = vector.broadcast %mul3A_313 : i32 to vector<16xi32>
        %mul3A_315 = arith.muli %get3A_310, %mul3A_314 : vector<16xi32>
        %add3A_316 = arith.addi %mul3A_315, %get3A_312 : vector<16xi32>
        %add3A_317 = arith.constant 24576 : i32
        %add3A_318 = vector.broadcast %add3A_317 : i32 to vector<16xi32>
        %add3A_319 = arith.addi %add3A_316, %add3A_318 : vector<16xi32>
        %gather3A = tpu.vector_load_idx %arg8[%add3A_319] : memref<32768xf32, #tpu.memory_space<vmem>>[vector<16xi32>], vector<16xf32>,
        %add3A_320 = vector.broadcast %mul3A_272 : i32 to vector<16xi32>
        %add3A_321 = arith.addi %get3A_310, %add3A_320 : vector<16xi32>
        %gather3A_322 = tpu.vector_load_idx %arg15[%add3A_321] : memref<8192xf32, #tpu.memory_space<vmem>>[vector<16xi32>], vector<16xf32>,
        %add3A_323 = arith.addf %gather3A, %gather3A_322 : vector<16xf32>
        %swap3A = arith.index_cast %add3A_309 : i32 to index
        %swap3A_324 = tpu.vector_load %arg14[%swap3A] {strides = array<i32>} : memref<4096xf32, #tpu.memory_space<vmem>>, vector<16xf32>,
        tpu.vector_store %arg14[%swap3A], %add3A_323 {strides = array<i32>} : memref<4096xf32, #tpu.memory_space<vmem>>, vector<16xf32>,
        %scan3A_325 = arith.constant 1 : i32
        %scan3A_326 = arith.addi %scan3A_305, %scan3A_325 : i32
        %mul3A_327 = arith.constant 16 : i32
        %mul3A_328 = arith.muli %scan3A_326, %mul3A_327 : i32
        %add3A_329 = arith.constant 3072 : i32
        %add3A_330 = arith.addi %add3A_329, %mul3A_328 : i32
        %get3A_331 = arith.index_cast %add3A_330 : i32 to index
        %get3A_332 = tpu.vector_load %arg10[%get3A_331] {strides = array<i32>} : memref<4096xi32, #tpu.memory_space<vmem>>, vector<16xi32>,
        %get3A_333 = arith.index_cast %add3A_330 : i32 to index
        %get3A_334 = tpu.vector_load %arg12[%get3A_333] {strides = array<i32>} : memref<4096xi32, #tpu.memory_space<vmem>>, vector<16xi32>,
        %mul3A_335 = arith.constant 64 : i32
        %mul3A_336 = vector.broadcast %mul3A_335 : i32 to vector<16xi32>
        %mul3A_337 = arith.muli %get3A_332, %mul3A_336 : vector<16xi32>
        %add3A_338 = arith.addi %mul3A_337, %get3A_334 : vector<16xi32>
        %add3A_339 = arith.constant 24576 : i32
        %add3A_340 = vector.broadcast %add3A_339 : i32 to vector<16xi32>
        %add3A_341 = arith.addi %add3A_338, %add3A_340 : vector<16xi32>
        %gather3A_342 = tpu.vector_load_idx %arg8[%add3A_341] : memref<32768xf32, #tpu.memory_space<vmem>>[vector<16xi32>], vector<16xf32>,
        %add3A_343 = vector.broadcast %mul3A_272 : i32 to vector<16xi32>
        %add3A_344 = arith.addi %get3A_332, %add3A_343 : vector<16xi32>
        %gather3A_345 = tpu.vector_load_idx %arg15[%add3A_344] : memref<8192xf32, #tpu.memory_space<vmem>>[vector<16xi32>], vector<16xf32>,
        %add3A_346 = arith.addf %gather3A_342, %gather3A_345 : vector<16xf32>
        %swap3A_347 = arith.index_cast %add3A_330 : i32 to index
        %swap3A_348 = tpu.vector_load %arg14[%swap3A_347] {strides = array<i32>} : memref<4096xf32, #tpu.memory_space<vmem>>, vector<16xf32>,
        tpu.vector_store %arg14[%swap3A_347], %add3A_346 {strides = array<i32>} : memref<4096xf32, #tpu.memory_space<vmem>>, vector<16xf32>,
        %scan3A_349 = arith.constant 2 : i32
        %scan3A_350 = arith.addi %scan3A_305, %scan3A_349 : i32
        %mul3A_351 = arith.constant 16 : i32
        %mul3A_352 = arith.muli %scan3A_350, %mul3A_351 : i32
        %add3A_353 = arith.constant 3072 : i32
        %add3A_354 = arith.addi %add3A_353, %mul3A_352 : i32
        %get3A_355 = arith.index_cast %add3A_354 : i32 to index
        %get3A_356 = tpu.vector_load %arg10[%get3A_355] {strides = array<i32>} : memref<4096xi32, #tpu.memory_space<vmem>>, vector<16xi32>,
        %get3A_357 = arith.index_cast %add3A_354 : i32 to index
        %get3A_358 = tpu.vector_load %arg12[%get3A_357] {strides = array<i32>} : memref<4096xi32, #tpu.memory_space<vmem>>, vector<16xi32>,
        %mul3A_359 = arith.constant 64 : i32
        %mul3A_360 = vector.broadcast %mul3A_359 : i32 to vector<16xi32>
        %mul3A_361 = arith.muli %get3A_356, %mul3A_360 : vector<16xi32>
        %add3A_362 = arith.addi %mul3A_361, %get3A_358 : vector<16xi32>
        %add3A_363 = arith.constant 24576 : i32
        %add3A_364 = vector.broadcast %add3A_363 : i32 to vector<16xi32>
        %add3A_365 = arith.addi %add3A_362, %add3A_364 : vector<16xi32>
        %gather3A_366 = tpu.vector_load_idx %arg8[%add3A_365] : memref<32768xf32, #tpu.memory_space<vmem>>[vector<16xi32>], vector<16xf32>,
        %add3A_367 = vector.broadcast %mul3A_272 : i32 to vector<16xi32>
        %add3A_368 = arith.addi %get3A_356, %add3A_367 : vector<16xi32>
        %gather3A_369 = tpu.vector_load_idx %arg15[%add3A_368] : memref<8192xf32, #tpu.memory_space<vmem>>[vector<16xi32>], vector<16xf32>,
        %add3A_370 = arith.addf %gather3A_366, %gather3A_369 : vector<16xf32>
        %swap3A_371 = arith.index_cast %add3A_354 : i32 to index
        %swap3A_372 = tpu.vector_load %arg14[%swap3A_371] {strides = array<i32>} : memref<4096xf32, #tpu.memory_space<vmem>>, vector<16xf32>,
        tpu.vector_store %arg14[%swap3A_371], %add3A_370 {strides = array<i32>} : memref<4096xf32, #tpu.memory_space<vmem>>, vector<16xf32>,
        %scan3A_373 = arith.constant 3 : i32
        %scan3A_374 = arith.addi %scan3A_305, %scan3A_373 : i32
        %mul3A_375 = arith.constant 16 : i32
        %mul3A_376 = arith.muli %scan3A_374, %mul3A_375 : i32
        %add3A_377 = arith.constant 3072 : i32
        %add3A_378 = arith.addi %add3A_377, %mul3A_376 : i32
        %get3A_379 = arith.index_cast %add3A_378 : i32 to index
        %get3A_380 = tpu.vector_load %arg10[%get3A_379] {strides = array<i32>} : memref<4096xi32, #tpu.memory_space<vmem>>, vector<16xi32>,
        %get3A_381 = arith.index_cast %add3A_378 : i32 to index
        %get3A_382 = tpu.vector_load %arg12[%get3A_381] {strides = array<i32>} : memref<4096xi32, #tpu.memory_space<vmem>>, vector<16xi32>,
        %mul3A_383 = arith.constant 64 : i32
        %mul3A_384 = vector.broadcast %mul3A_383 : i32 to vector<16xi32>
        %mul3A_385 = arith.muli %get3A_380, %mul3A_384 : vector<16xi32>
        %add3A_386 = arith.addi %mul3A_385, %get3A_382 : vector<16xi32>
        %add3A_387 = arith.constant 24576 : i32
        %add3A_388 = vector.broadcast %add3A_387 : i32 to vector<16xi32>
        %add3A_389 = arith.addi %add3A_386, %add3A_388 : vector<16xi32>
        %gather3A_390 = tpu.vector_load_idx %arg8[%add3A_389] : memref<32768xf32, #tpu.memory_space<vmem>>[vector<16xi32>], vector<16xf32>,
        %add3A_391 = vector.broadcast %mul3A_272 : i32 to vector<16xi32>
        %add3A_392 = arith.addi %get3A_380, %add3A_391 : vector<16xi32>
        %gather3A_393 = tpu.vector_load_idx %arg15[%add3A_392] : memref<8192xf32, #tpu.memory_space<vmem>>[vector<16xi32>], vector<16xf32>,
        %add3A_394 = arith.addf %gather3A_390, %gather3A_393 : vector<16xf32>
        %swap3A_395 = arith.index_cast %add3A_378 : i32 to index
        %swap3A_396 = tpu.vector_load %arg14[%swap3A_395] {strides = array<i32>} : memref<4096xf32, #tpu.memory_space<vmem>>, vector<16xf32>,
        tpu.vector_store %arg14[%swap3A_395], %add3A_394 {strides = array<i32>} : memref<4096xf32, #tpu.memory_space<vmem>>, vector<16xf32>,
      }
      %scan3A_278 = arith.constant 32 : i32
      %mul3A_279 = arith.constant 8 : i32
      %mul3A_280 = arith.muli %add3A_177, %mul3A_279 : i32
      %add3A_281 = arith.constant 7 : i32
      %add3A_282 = arith.addi %mul3A_280, %add3A_281 : i32
      %mul3A_283 = arith.constant 64 : i32
      %mul3A_284 = arith.muli %add3A_282, %mul3A_283 : i32
      %scan3A_285 = arith.constant 0 : i32
      %scan3A_286 = arith.constant 0 : i32
      %scan3A_287 = arith.constant 32 : i32
      %scan3A_288 = arith.addi %scan3A_286, %scan3A_287 : i32
      %scan3A_289 = arith.constant 4 : i32
      scf.for %scan3A_305 = %scan3A_286 to %scan3A_288 step %scan3A_289  : i32 {
        %mul3A_306 = arith.constant 16 : i32
        %mul3A_307 = arith.muli %scan3A_305, %mul3A_306 : i32
        %add3A_308 = arith.constant 3584 : i32
        %add3A_309 = arith.addi %add3A_308, %mul3A_307 : i32
        %get3A = arith.index_cast %add3A_309 : i32 to index
        %get3A_310 = tpu.vector_load %arg10[%get3A] {strides = array<i32>} : memref<4096xi32, #tpu.memory_space<vmem>>, vector<16xi32>,
        %get3A_311 = arith.index_cast %add3A_309 : i32 to index
        %get3A_312 = tpu.vector_load %arg12[%get3A_311] {strides = array<i32>} : memref<4096xi32, #tpu.memory_space<vmem>>, vector<16xi32>,
        %mul3A_313 = arith.constant 64 : i32
        %mul3A_314 = vector.broadcast %mul3A_313 : i32 to vector<16xi32>
        %mul3A_315 = arith.muli %get3A_310, %mul3A_314 : vector<16xi32>
        %add3A_316 = arith.addi %mul3A_315, %get3A_312 : vector<16xi32>
        %add3A_317 = arith.constant 28672 : i32
        %add3A_318 = vector.broadcast %add3A_317 : i32 to vector<16xi32>
        %add3A_319 = arith.addi %add3A_316, %add3A_318 : vector<16xi32>
        %gather3A = tpu.vector_load_idx %arg8[%add3A_319] : memref<32768xf32, #tpu.memory_space<vmem>>[vector<16xi32>], vector<16xf32>,
        %add3A_320 = vector.broadcast %mul3A_284 : i32 to vector<16xi32>
        %add3A_321 = arith.addi %get3A_310, %add3A_320 : vector<16xi32>
        %gather3A_322 = tpu.vector_load_idx %arg15[%add3A_321] : memref<8192xf32, #tpu.memory_space<vmem>>[vector<16xi32>], vector<16xf32>,
        %add3A_323 = arith.addf %gather3A, %gather3A_322 : vector<16xf32>
        %swap3A = arith.index_cast %add3A_309 : i32 to index
        %swap3A_324 = tpu.vector_load %arg14[%swap3A] {strides = array<i32>} : memref<4096xf32, #tpu.memory_space<vmem>>, vector<16xf32>,
        tpu.vector_store %arg14[%swap3A], %add3A_323 {strides = array<i32>} : memref<4096xf32, #tpu.memory_space<vmem>>, vector<16xf32>,
        %scan3A_325 = arith.constant 1 : i32
        %scan3A_326 = arith.addi %scan3A_305, %scan3A_325 : i32
        %mul3A_327 = arith.constant 16 : i32
        %mul3A_328 = arith.muli %scan3A_326, %mul3A_327 : i32
        %add3A_329 = arith.constant 3584 : i32
        %add3A_330 = arith.addi %add3A_329, %mul3A_328 : i32
        %get3A_331 = arith.index_cast %add3A_330 : i32 to index
        %get3A_332 = tpu.vector_load %arg10[%get3A_331] {strides = array<i32>} : memref<4096xi32, #tpu.memory_space<vmem>>, vector<16xi32>,
        %get3A_333 = arith.index_cast %add3A_330 : i32 to index
        %get3A_334 = tpu.vector_load %arg12[%get3A_333] {strides = array<i32>} : memref<4096xi32, #tpu.memory_space<vmem>>, vector<16xi32>,
        %mul3A_335 = arith.constant 64 : i32
        %mul3A_336 = vector.broadcast %mul3A_335 : i32 to vector<16xi32>
        %mul3A_337 = arith.muli %get3A_332, %mul3A_336 : vector<16xi32>
        %add3A_338 = arith.addi %mul3A_337, %get3A_334 : vector<16xi32>
        %add3A_339 = arith.constant 28672 : i32
        %add3A_340 = vector.broadcast %add3A_339 : i32 to vector<16xi32>
        %add3A_341 = arith.addi %add3A_338, %add3A_340 : vector<16xi32>
        %gather3A_342 = tpu.vector_load_idx %arg8[%add3A_341] : memref<32768xf32, #tpu.memory_space<vmem>>[vector<16xi32>], vector<16xf32>,
        %add3A_343 = vector.broadcast %mul3A_284 : i32 to vector<16xi32>
        %add3A_344 = arith.addi %get3A_332, %add3A_343 : vector<16xi32>
        %gather3A_345 = tpu.vector_load_idx %arg15[%add3A_344] : memref<8192xf32, #tpu.memory_space<vmem>>[vector<16xi32>], vector<16xf32>,
        %add3A_346 = arith.addf %gather3A_342, %gather3A_345 : vector<16xf32>
        %swap3A_347 = arith.index_cast %add3A_330 : i32 to index
        %swap3A_348 = tpu.vector_load %arg14[%swap3A_347] {strides = array<i32>} : memref<4096xf32, #tpu.memory_space<vmem>>, vector<16xf32>,
        tpu.vector_store %arg14[%swap3A_347], %add3A_346 {strides = array<i32>} : memref<4096xf32, #tpu.memory_space<vmem>>, vector<16xf32>,
        %scan3A_349 = arith.constant 2 : i32
        %scan3A_350 = arith.addi %scan3A_305, %scan3A_349 : i32
        %mul3A_351 = arith.constant 16 : i32
        %mul3A_352 = arith.muli %scan3A_350, %mul3A_351 : i32
        %add3A_353 = arith.constant 3584 : i32
        %add3A_354 = arith.addi %add3A_353, %mul3A_352 : i32
        %get3A_355 = arith.index_cast %add3A_354 : i32 to index
        %get3A_356 = tpu.vector_load %arg10[%get3A_355] {strides = array<i32>} : memref<4096xi32, #tpu.memory_space<vmem>>, vector<16xi32>,
        %get3A_357 = arith.index_cast %add3A_354 : i32 to index
        %get3A_358 = tpu.vector_load %arg12[%get3A_357] {strides = array<i32>} : memref<4096xi32, #tpu.memory_space<vmem>>, vector<16xi32>,
        %mul3A_359 = arith.constant 64 : i32
        %mul3A_360 = vector.broadcast %mul3A_359 : i32 to vector<16xi32>
        %mul3A_361 = arith.muli %get3A_356, %mul3A_360 : vector<16xi32>
        %add3A_362 = arith.addi %mul3A_361, %get3A_358 : vector<16xi32>
        %add3A_363 = arith.constant 28672 : i32
        %add3A_364 = vector.broadcast %add3A_363 : i32 to vector<16xi32>
        %add3A_365 = arith.addi %add3A_362, %add3A_364 : vector<16xi32>
        %gather3A_366 = tpu.vector_load_idx %arg8[%add3A_365] : memref<32768xf32, #tpu.memory_space<vmem>>[vector<16xi32>], vector<16xf32>,
        %add3A_367 = vector.broadcast %mul3A_284 : i32 to vector<16xi32>
        %add3A_368 = arith.addi %get3A_356, %add3A_367 : vector<16xi32>
        %gather3A_369 = tpu.vector_load_idx %arg15[%add3A_368] : memref<8192xf32, #tpu.memory_space<vmem>>[vector<16xi32>], vector<16xf32>,
        %add3A_370 = arith.addf %gather3A_366, %gather3A_369 : vector<16xf32>
        %swap3A_371 = arith.index_cast %add3A_354 : i32 to index
        %swap3A_372 = tpu.vector_load %arg14[%swap3A_371] {strides = array<i32>} : memref<4096xf32, #tpu.memory_space<vmem>>, vector<16xf32>,
        tpu.vector_store %arg14[%swap3A_371], %add3A_370 {strides = array<i32>} : memref<4096xf32, #tpu.memory_space<vmem>>, vector<16xf32>,
        %scan3A_373 = arith.constant 3 : i32
        %scan3A_374 = arith.addi %scan3A_305, %scan3A_373 : i32
        %mul3A_375 = arith.constant 16 : i32
        %mul3A_376 = arith.muli %scan3A_374, %mul3A_375 : i32
        %add3A_377 = arith.constant 3584 : i32
        %add3A_378 = arith.addi %add3A_377, %mul3A_376 : i32
        %get3A_379 = arith.index_cast %add3A_378 : i32 to index
        %get3A_380 = tpu.vector_load %arg10[%get3A_379] {strides = array<i32>} : memref<4096xi32, #tpu.memory_space<vmem>>, vector<16xi32>,
        %get3A_381 = arith.index_cast %add3A_378 : i32 to index
        %get3A_382 = tpu.vector_load %arg12[%get3A_381] {strides = array<i32>} : memref<4096xi32, #tpu.memory_space<vmem>>, vector<16xi32>,
        %mul3A_383 = arith.constant 64 : i32
        %mul3A_384 = vector.broadcast %mul3A_383 : i32 to vector<16xi32>
        %mul3A_385 = arith.muli %get3A_380, %mul3A_384 : vector<16xi32>
        %add3A_386 = arith.addi %mul3A_385, %get3A_382 : vector<16xi32>
        %add3A_387 = arith.constant 28672 : i32
        %add3A_388 = vector.broadcast %add3A_387 : i32 to vector<16xi32>
        %add3A_389 = arith.addi %add3A_386, %add3A_388 : vector<16xi32>
        %gather3A_390 = tpu.vector_load_idx %arg8[%add3A_389] : memref<32768xf32, #tpu.memory_space<vmem>>[vector<16xi32>], vector<16xf32>,
        %add3A_391 = vector.broadcast %mul3A_284 : i32 to vector<16xi32>
        %add3A_392 = arith.addi %get3A_380, %add3A_391 : vector<16xi32>
        %gather3A_393 = tpu.vector_load_idx %arg15[%add3A_392] : memref<8192xf32, #tpu.memory_space<vmem>>[vector<16xi32>], vector<16xf32>,
        %add3A_394 = arith.addf %gather3A_390, %gather3A_393 : vector<16xf32>
        %swap3A_395 = arith.index_cast %add3A_378 : i32 to index
        %swap3A_396 = tpu.vector_load %arg14[%swap3A_395] {strides = array<i32>} : memref<4096xf32, #tpu.memory_space<vmem>>, vector<16xf32>,
        tpu.vector_store %arg14[%swap3A_395], %add3A_394 {strides = array<i32>} : memref<4096xf32, #tpu.memory_space<vmem>>, vector<16xf32>,
      }
      %scan3A_290 = arith.constant 32 : i32
      %mul3A_291 = arith.constant 8 : i32
      %mul3A_292 = arith.muli %add3A_177, %mul3A_291 : i32
      %add3A_293 = arith.addi %mul3A_2, %mul3A_292 : i32
      %mul3A_294 = arith.constant 512 : i32
      %mul3A_295 = arith.muli %add3A_293, %mul3A_294 : i32
      %dma_start3A_296 = tpu.memref_slice %arg6[%mul3A_295] : memref<2097152xf32, #tpu.memory_space<hbm>> -> memref<4096xf32, #tpu.memory_space<hbm>>
      %dma_start3A_297 = tpu.memref_slice %arg6[%mul3A_295] : memref<2097152xf32, #tpu.memory_space<hbm>> -> memref<4096xf32, #tpu.memory_space<hbm>>
      tpu.enqueue_dma source(%arg14 : memref<4096xf32, #tpu.memory_space<vmem>>) target(%dma_start3A_297 : memref<4096xf32, #tpu.memory_space<hbm>>) target_semaphore(%arg19 : memref<!tpu.dma_semaphore, #tpu.memory_space<semaphore_mem>>)
      %add3A_298 = arith.constant 2 : i32
      %add3A_299 = arith.addi %add3A_177, %add3A_298 : i32
      %lt3A_300 = arith.constant 16 : i32
      %lt3A_301 = arith.cmpi slt, %add3A_299, %lt3A_300 : i32
      %convert_element_type3A_302 = arith.extui %lt3A_301 : i1 to i32
      %cond3A_303 = arith.constant 0 : i32
      %cond3A_304 = arith.cmpi ne, %convert_element_type3A_302, %cond3A_303 : i32
      scf.if %cond3A_304 {
        %add3A_305 = arith.constant 2 : i32
        %add3A_306 = arith.addi %add3A_177, %add3A_305 : i32
        %mul3A_307 = arith.constant 8 : i32
        %mul3A_308 = arith.muli %add3A_306, %mul3A_307 : i32
        %add3A_309 = arith.addi %mul3A_2, %mul3A_308 : i32
        %mul3A_310 = arith.constant 64 : i32
        %mul3A_311 = arith.muli %add3A_309, %mul3A_310 : i32
        %mul3A_312 = arith.constant 64 : i32
        %mul3A_313 = arith.muli %mul3A_311, %mul3A_312 : i32
        %dma_start3A_314 = tpu.memref_slice %arg2[%mul3A_313] : memref<16777216xf32, #tpu.memory_space<hbm>> -> memref<32768xf32, #tpu.memory_space<hbm>>
        %dma_start3A_315 = tpu.memref_slice %arg2[%mul3A_313] : memref<16777216xf32, #tpu.memory_space<hbm>> -> memref<32768xf32, #tpu.memory_space<hbm>>
        tpu.enqueue_dma source(%dma_start3A_315 : memref<32768xf32, #tpu.memory_space<hbm>>) target(%arg8 : memref<32768xf32, #tpu.memory_space<vmem>>) target_semaphore(%arg17 : memref<!tpu.dma_semaphore, #tpu.memory_space<semaphore_mem>>)
        %mul3A_316 = arith.constant 512 : i32
        %mul3A_317 = arith.muli %add3A_309, %mul3A_316 : i32
        %dma_start3A_318 = tpu.memref_slice %arg4[%mul3A_317] : memref<2097152xi32, #tpu.memory_space<hbm>> -> memref<4096xi32, #tpu.memory_space<hbm>>
        %dma_start3A_319 = tpu.memref_slice %arg4[%mul3A_317] : memref<2097152xi32, #tpu.memory_space<hbm>> -> memref<4096xi32, #tpu.memory_space<hbm>>
        tpu.enqueue_dma source(%dma_start3A_319 : memref<4096xi32, #tpu.memory_space<hbm>>) target(%arg10 : memref<4096xi32, #tpu.memory_space<vmem>>) target_semaphore(%arg17 : memref<!tpu.dma_semaphore, #tpu.memory_space<semaphore_mem>>)
        %mul3A_320 = arith.constant 512 : i32
        %mul3A_321 = arith.muli %add3A_309, %mul3A_320 : i32
        %dma_start3A_322 = tpu.memref_slice %arg5[%mul3A_321] : memref<2097152xi32, #tpu.memory_space<hbm>> -> memref<4096xi32, #tpu.memory_space<hbm>>
        %dma_start3A_323 = tpu.memref_slice %arg5[%mul3A_321] : memref<2097152xi32, #tpu.memory_space<hbm>> -> memref<4096xi32, #tpu.memory_space<hbm>>
        tpu.enqueue_dma source(%dma_start3A_323 : memref<4096xi32, #tpu.memory_space<hbm>>) target(%arg12 : memref<4096xi32, #tpu.memory_space<vmem>>) target_semaphore(%arg17 : memref<!tpu.dma_semaphore, #tpu.memory_space<semaphore_mem>>)
      } else {
      }
    }
    %scan3A_40 = arith.constant 8 : i32
    %dma_wait3A = arith.constant 0 : i32
    %dma_wait3A_41 = tpu.memref_slice %arg6[%dma_wait3A] : memref<2097152xf32, #tpu.memory_space<hbm>> -> memref<4096xf32, #tpu.memory_space<hbm>>
    %dma_wait3A_42 = arith.constant 0 : i32
    %dma_wait3A_43 = tpu.memref_slice %arg6[%dma_wait3A_42] : memref<2097152xf32, #tpu.memory_space<hbm>> -> memref<4096xf32, #tpu.memory_space<hbm>>
    tpu.wait_dma2 semaphore(%arg18 : memref<!tpu.dma_semaphore, #tpu.memory_space<semaphore_mem>>) src(%arg13 : memref<4096xf32, #tpu.memory_space<vmem>>) dst(%dma_wait3A_43 : memref<4096xf32, #tpu.memory_space<hbm>>)
    %dma_wait3A_44 = arith.constant 0 : i32
    %dma_wait3A_45 = tpu.memref_slice %arg6[%dma_wait3A_44] : memref<2097152xf32, #tpu.memory_space<hbm>> -> memref<4096xf32, #tpu.memory_space<hbm>>
    %dma_wait3A_46 = arith.constant 0 : i32
    %dma_wait3A_47 = tpu.memref_slice %arg6[%dma_wait3A_46] : memref<2097152xf32, #tpu.memory_space<hbm>> -> memref<4096xf32, #tpu.memory_space<hbm>>
    tpu.wait_dma2 semaphore(%arg19 : memref<!tpu.dma_semaphore, #tpu.memory_space<semaphore_mem>>) src(%arg14 : memref<4096xf32, #tpu.memory_space<vmem>>) dst(%dma_wait3A_47 : memref<4096xf32, #tpu.memory_space<hbm>>)
    return
  }
}

</mosaic_0001>

<sc_bundles>
// kernel: _sc_gather.3.cloned.1.call-start
scs
__scs_entry_jumppad:
0x0: {  	(pc) =	sbr.rel $0x88, $3  }
0x1: {  	(tag) =	ssettag $0x0;
	lr =	simm.s32 $0x1  }
0x2: {  	[smem:$0x3F9D] =	sst lr;
	_ =	strace $0xD0000000  }
0x3: {  	_ = 	snop  }
0x4: {  	_ = 	snop  }
0x5: {  	_ = 	snop  }
0x6: {  	_ = 	snop  }
0x7: {  	_ = 	snop  }
__scs_overlays_trampoline_lowered:
0x8: {  	[smem:$0x3FAC] =	sst s0  }
0x9: {  	[smem:$0x3FAD] =	sst s1  }
0xa: {  	[smem:$0x3FAE] =	sst s2  }
0xb: {  	[smem:$0x3FAF] =	sst s3  }
0xc: {  	[smem:$0x3FB0] =	sst s4  }
0xd: {  	[smem:$0x3FB1] =	sst s5  }
0xe: {  	[smem:$0x3FB2] =	sst s6  }
0xf: {  	[smem:$0x3FB3] =	sst s7  }
0x10: {  	[smem:$0x3FB4] =	sst s8  }
0x11: {  	[smem:$0x3FB5] =	sst s9;
	s0 =	simm.s32 @!p0 $0x0  }
0x12: {  	s1 =	sld [smem:$0x3F9B];
	s0 =	simm.s32 @p0 $0x1  }
0x13: {  	[smem:$0x3FB6] =	sst s0;
	s0 =	simm.s32 @!p1 $0x0  }
0x14: {  	s2 =	sld [smem:$0x3F9A];
	s0 =	simm.s32 @p1 $0x1  }
0x15: {  	[smem:$0x3FB7] =	sst s0;
	s0 =	simm.s32 @!p2 $0x0  }
0x16: {  	s3 =	sld [smem:$0x3FDB];
	s0 =	simm.s32 @p2 $0x1  }
0x17: {  	s4 =	simm.s32 $0x1BF5;
	[smem:$0x3FB9] =	sst s0  }
0x18: {  	s0 =	sld [smem:$0x3F9C];
	_ =	swait.ge [sflag:s4], $0x0  }
0x19: {  	s7 =	sld [smem:$0x3F9D]  }
0x1a: {  	s8 =	sadd.s32 $0xFFFFE003, lr  }
0x1b: {  	s9 =	sadd.s32 $0xFFFFFEF7, lr;
	s5 =	simm.s32 $0xFFFFFFFF;
	p2 =	slt.u32 s8, $0xFFFFF086  }
0x1c: {  	p1 =	slt.u32 s9, $0xF7A;
	s5 =	simm.s32 @!p2 $0x0  }
0x1d: {  	s5 =	simm.s32 @p1 $0x1;
	p0 =	seq.s32 s7, s2  }
0x1e: {  	s7 =	smul.u32 @!p0 $0xF7A, s2;
	p2 =	seq.s32 @!p0 s5, $0x0  }
0x1f: {  	s9 =	smul.u32 $0xF7A, s1;
	s8 =	simm.s32 @!p0 $0x1BF5;
	p2 =	por !p2, p0  }
0x20: {  	[sflag:s8] =	ssyncset.s32 @!p0 $0xFFFFF086;
	s6 =	sadd.s32 @!p0 s3, s7;
	s7 =	simm.s32 @!p0 $0x108  }
0x21: {  	s3 =	sadd.s32 s3, s9;
	s6 =	sadd.s32 @!p0 $0x88, s6;
	s7 =	simm.s32 @p2 $0x1082  }
0x22: {  	[simem:s7], [sflag:s8] =	dma.local @!p0 [hbm:s6], $0xF7A  }
0x23: {  	s9 =	sor.u32 $0xD0000000, s2;
	s6 =	simm.s32 $0x108;
	_ =	swait.ge @!p0 [sflag:s8], $0x0  }
0x24: {  	s3 =	sadd.s32 $0x88, s3;
	s6 =	simm.s32 @!p1 $0x1082;
	[sflag:s4] =	ssyncset.s32 $0xFFFFF086  }
0x25: {  	[simem:s6], [sflag:s4] =	dma.local [hbm:s3], $0xF7A  }
0x26: {  	[smem:$0x3F9D] =	sst s1;
	(tag) =	ssettag s2;
	_ =	strace s9  }
0x27: {  	s1 =	sld [smem:$0x3FAD]  }
0x28: {  	s2 =	sld [smem:$0x3FAE]  }
0x29: {  	s4 =	sld [smem:$0x3FB0]  }
0x2a: {  	p0 =	seq.s32 s5, $0x0;
	s5 =	sld [smem:$0x3FB1]  }
0x2b: {  	s6 =	sld [smem:$0x3FB2]  }
0x2c: {  	s7 =	sld [smem:$0x3FB3]  }
0x2d: {  	s3 =	simm.s32 $0x108;
	s8 =	sld [smem:$0x3FB4]  }
0x2e: {  	s3 =	simm.s32 @!p0 $0x1082;
	s9 =	sld [smem:$0x3FB5]  }
0x2f: {  	lr =	sadd.s32 s0, s3;
	s0 =	sld [smem:$0x3FAC]  }
0x30: {  	s3 =	sld [smem:$0x3FAF]  }
0x31: {  	[smem:$0x3FB8] =	sst s10  }
0x32: {  	s10 =	sld [smem:$0x3FB6];
	_ =	sdelay $0x3  }
0x33: {  	p0 =	seq.s32 s10, $0x1;
	s10 =	sld [smem:$0x3FB8];
	_ =	sdelay $0x3  }
0x34: {  	[smem:$0x3FB8] =	sst s10  }
0x35: {  	s10 =	sld [smem:$0x3FB7];
	_ =	sdelay $0x3  }
0x36: {  	p1 =	seq.s32 s10, $0x1;
	s10 =	sld [smem:$0x3FB8];
	_ =	sdelay $0x3  }
0x37: {  	[smem:$0x3FB8] =	sst s10  }
0x38: {  	s10 =	sld [smem:$0x3FB9]  }
0x39: {  	_ = 	snop;
	(pc) =	sbr.ind lr, $3  }
0x3a: {  	_ = 	snop  }
0x3b: {  	_ = 	snop  }
0x3c: {  	p2 =	seq.s32 s10, $0x1;
	s10 =	sld [smem:$0x3FB8]  }
0x3d: {  	_ =	shalt  }
0x3e: {  	_ =	shalt  }
0x3f: {  	_ =	shalt  }
0x40: {  	_ =	shalt  }
0x41: {  	_ =	shalt  }
0x42: {  	_ =	shalt  }
0x43: {  	_ =	shalt  }
0x44: {  	_ =	shalt  }
0x45: {  	_ =	shalt  }
0x46: {  	_ =	shalt  }
0x47: {  	_ =	shalt  }
0x48: {  	_ =	shalt  }
0x49: {  	_ =	shalt  }
0x4a: {  	_ =	shalt  }
0x4b: {  	_ =	shalt  }
0x4c: {  	_ =	shalt  }
0x4d: {  	_ =	shalt  }
0x4e: {  	_ =	shalt  }
0x4f: {  	_ =	shalt  }
0x50: {  	_ =	shalt  }
0x51: {  	_ =	shalt  }
0x52: {  	_ =	shalt  }
0x53: {  	_ =	shalt  }
0x54: {  	_ =	shalt  }
0x55: {  	_ =	shalt  }
0x56: {  	_ =	shalt  }
0x57: {  	_ =	shalt  }
0x58: {  	_ =	shalt  }
0x59: {  	_ =	shalt  }
0x5a: {  	_ =	shalt  }
0x5b: {  	_ =	shalt  }
0x5c: {  	_ =	shalt  }
0x5d: {  	_ =	shalt  }
0x5e: {  	_ =	shalt  }
0x5f: {  	_ =	shalt  }
0x60: {  	_ =	shalt  }
0x61: {  	_ =	shalt  }
0x62: {  	_ =	shalt  }
0x63: {  	_ =	shalt  }
0x64: {  	_ =	shalt  }
0x65: {  	_ =	shalt  }
0x66: {  	_ =	shalt  }
0x67: {  	_ =	shalt  }
0x68: {  	_ =	shalt  }
0x69: {  	_ =	shalt  }
0x6a: {  	_ =	shalt  }
0x6b: {  	_ =	shalt  }
0x6c: {  	_ =	shalt  }
0x6d: {  	_ =	shalt  }
0x6e: {  	_ =	shalt  }
0x6f: {  	_ =	shalt  }
0x70: {  	_ =	shalt  }
0x71: {  	_ =	shalt  }
0x72: {  	_ =	shalt  }
0x73: {  	_ =	shalt  }
0x74: {  	_ =	shalt  }
0x75: {  	_ =	shalt  }
0x76: {  	_ =	shalt  }
0x77: {  	_ =	shalt  }
0x78: {  	_ =	shalt  }
0x79: {  	_ =	shalt  }
0x7a: {  	_ =	shalt  }
0x7b: {  	_ =	shalt  }
0x7c: {  	_ =	shalt  }
0x7d: {  	_ =	shalt  }
0x7e: {  	_ =	shalt  }
0x7f: {  	_ =	shalt  }
0x80: {  	_ =	shalt  }
0x81: {  	_ =	shalt  }
0x82: {  	_ =	shalt  }
0x83: {  	_ =	shalt  }
0x84: {  	_ =	shalt  }
0x85: {  	_ =	shalt  }
0x86: {  	_ =	shalt  }
0x87: {  	_ =	shalt  }
.Lfunc_end0:
.L_simem_size_0:
called_computation_lowered:
.L_overlay_start_0:
0x88: {  	s2 =	sld [smem:$0x3FD9]  }
0x89: {  	s3 =	sld [smem:$0x3FFE];
	_ =	sdelay $0x1  }
0x8a: {  	s1 =	srdreg.scid  }
0x8b: {  	s0 =	sand.u32 $0x1, s1  }
0x8c: {  	s17 =	sshll.u32 s0, $0xA;
	s2 =	sadd.s32 s3, s2  }
0x8d: {  	s2 =	sadd.s32 s2, s17  }
0x8e: {  	[smem:$0x3FC4] =	sst s2  }
0x8f: {  	_ = 	snop  }
0x90: {  	s2 =	sld [smem:$0x3FC9]  }
0x91: {  	s18 =	sld [smem:$0x3FC7]  }
0x92: {  	s4 =	sld [smem:$0x3FC6]  }
0x93: {  	s5 =	sld [smem:$0x3FD0];
	(tm) =	ssettm $0x1  }
0x94: {  	s6 =	sld [smem:$0x3FFB];
	_ =	sdelay $0x3  }
0x95: {  	_ =	strace s6  }
0x96: {  	s6 =	sld [smem:$0x3FFC];
	_ =	sdelay $0x3  }
0x97: {  	_ =	strace s6  }
0x98: {  	s6 =	sld [smem:$0x3FFD];
	_ =	sdelay $0x3  }
0x99: {  	_ =	strace s6  }
0x9a: {  	_ =	strace $0x8FFFFFFF  }
0x9b: {  	s19 =	sld [smem:$0x3FDB];
	_ =	sdelay $0x1  }
0x9c: {  	s7 =	simm.s32 $_scs_section_size  }
0x9d: {  	s8 =	simm.s32 $_size__tile_overlayer_lowered;
	s9 =	simm.s32 $_tile_overlayer_lowered  }
0x9e: {  	s22 =	simm.s32 $0x1BFF;
	s21 =	sshll.u32 s9, $0x1;
	s6 =	sadd.s32 s7, s19  }
0x9f: {  	s10 =	simm.s32 $0x0;
	s20 =	sshll.u32 s8, $0x1;
	s8 =	sadd.s32 s21, s6  }
0xa0: {  	[timem:s10], [sflag:s22] =	dma.local [hbm:s8], s20  }
0xa1: {  	_ =	swait.ge [sflag:s22], s20  }
0xa2: {  	s7 =	ssub.s32 $0x0, s20;
	[sflag:s22] =	ssyncset.done $0x0  }
0xa3: {  	[sflag:s22] =	ssyncadd.s32 s7;
	_ =	sdelay $0x1  }
0xa4: {  	s23 =	simm.s32 $0x1B8B  }
0xa5: {  	_ =	swait.ge [sflag:s23], $0x1  }
0xa6: {  	[sflag:s23] =	ssyncset.done $0x0  }
0xa7: {  	s25 =	simm.s32 $0x1B8E;
	s24 =	sld [smem:$0x3FFE];
	[sflag:s23] =	ssyncadd.s32 $0xFFFFFFFF  }
0xa8: {  	s26 =	simm.s32 $execute0_lowered;
	[smem:$0x3FD2] =	sst s25  }
0xa9: {  	s8 =	sshll.u32 s26, $0x1;
	_ =	strace $0x80000046;
	[dreg:$0x1] =	wrdreg $0xFFFFFFFF  }
0xaa: {  	s28 =	simm.s32 $_size_execute0_lowered;
	s6 =	sadd.s32 s6, s8;
	[dreg:$0x0] =	wrdreg $0x0  }
0xab: {  	s8 =	sshll.u32 s28, $0x1;
	[dreg:$0x2] =	wrdreg s6  }
0xac: {  	[dreg:$0x3] =	wrdreg s8  }
0xad: {  	[dreg:$0x4] =	wrdreg $0xC0  }
0xae: {  	_ =	task [dreg:s10], $0x5FFFF  }
0xaf: {  	[dreg:$0x1] =	wrdreg $0xFFFFFFFF  }
0xb0: {  	[dreg:$0x0] =	wrdreg $0x60  }
0xb1: {  	[dreg:$0x2] =	wrdreg s2  }
0xb2: {  	[dreg:$0x3] =	wrdreg s24  }
0xb3: {  	[dreg:$0x4] =	wrdreg s18  }
0xb4: {  	[dreg:$0x5] =	wrdreg s4  }
0xb5: {  	[dreg:$0x6] =	wrdreg s5  }
0xb6: {  	[dreg:$0x7] =	wrdreg $0x9  }
0xb7: {  	_ =	task.clear_ibuf [dreg:s10], $0x8FFFF;
	_ =	strace $0x90000046  }
0xb8: {  	s29 =	simm.s32 $0x9;
	_ =	strace $0x80000048  }
0xb9: {  	_ =	swait.ge [sflag:s29], $0x1  }
0xba: {  	[sflag:s29] =	ssyncadd.s32 $0xFFFFFFFF  }
0xbb: {  	_ =	strace $0x90000048  }
0xbc: {  	_ =	sfence  }
0xbd: {  	s30 =	sld [smem:$0x0];
	_ =	sdelay $0x2  }
0xbe: {  	s31 =	sshll.u32 s1, $0xD;
	s1 =	sshrl.u32 s1, $0x2  }
0xbf: {  	s3 =	sand.u32 $0x4000, s31;
	s1 =	sadd.s32 s1, s30  }
0xc0: {  	s0 =	sor.u32 s3, s0;
	s1 =	sshll.u32 s1, $0x11  }
0xc1: {  	s0 =	sor.u32 s1, s0  }
0xc2: {  	s0 =	sadd.s32 $0x8F2B, s0  }
0xc3: {  	[sflag:s0] =	ssyncadd.remote.s32 $0x1  }
0xc4: {  	_ =	sfence.sel $0xFFFF  }
0xc5: {  	[dreg:$0x0] =	wrdreg $0xFFFFFFFF;
	(pc) =	sbr.abs _section_cstart, $3  }
0xc6: {  	[dreg:$0x1] =	wrdreg $0xFFFFFFFF  }
0xc7: {  	_ =	task.clear_ibuf [dreg:s10], $0x2FFFF;
	_ =	strace $0x9FFFFFFF  }
0xc8: {  	(tm) =	ssettm $0x7FFFFFFF  }
0xc9: {  	_ =	shalt  }
tec
execute0_lowered:
.L_overlay_start_1:
0x0: {  	(tag) =	ssettag $0x1  }
0x1: {  	s1 =	rddreg [dreg:$0x0]  }
0x2: {  	s0 =	rddreg [dreg:$0x1]  }
0x3: {  	s2 =	rddreg [dreg:$0x2]  }
0x4: {  	s4 =	rddreg [dreg:$0x3]  }
0x5: {  	s3 =	rddreg [dreg:$0x4];
	s6 =	srdreg.scid  }
0x6: {  	s7 =	stileid.u32;
	s5 =	simm.s32 $0x0;
	s17 =	simm.s32 $0x16000  }
0x7: {  	s18 =	simm.s32 $0x5;
	s21 =	simm.s32 $0x8000;
	s22 =	simm.s32 $0x11000  }
0x8: {  	s28 =	simm.s32 $0x15000;
	s29 =	simm.s32 $0x3;
	s30 =	simm.s32 $0x4  }
0x9: {  	s31 =	simm.s32 $0x0;
	s6 =	sand.u32 $0x1, s6;
	s7 =	sshll.u32 s7, $0x1  }
0xa: {  	[smem:$0x7FF] =	sst s5;
	s7 =	sor.u32 s6, s7;
	s6 =	ssub.s32 $0x2, s6  }
0xb: {  	_ =	strace $0x80000047;
	s8 =	sshll.u32 s7, $0xA;
	s9 =	sshrl.u32 s6, $0x1  }
0xc: {  	s23 =	sshll.u32 s7, $0x7;
	s24 =	sshll.u32 s7, $0x10;
	s7 =	sshll.u32 s7, $0xD  }
0xd: {  	s0 =	sadd.s32 s8, s0;
	s6 =	ssub.s32 s6, s9;
	s25 =	sadd.s32 s2, s7  }
0xe: {  	s26 =	sor.u32 $0x8, s23;
	s9 =	sadd.s32 s4, s7;
	s13 =	sadd.s32 s3, s7  }
0xf: {  	s14 =	sor.u32 $0x10, s23;
	s15 =	sor.u32 $0x18, s23;
	s23 =	simm.s32 $0x13000  }
.Ltmp0:
0x10: {  	s0 =	sadd.s32 $0x400, s0;
	[dreg:$0x8] =	wrdreg s25;
	(pc) =	sbr.rel .LBB2_1-.Ltmp0, $4  }
0x11: {  	s10 =	sshll.u32 s26, $0x9;
	s16 =	smax.u32 s6, $0x1;
	s25 =	simm.s32 $0x14000  }
0x12: {  	[dreg:$0x6] =	wrdreg s0;
	s0 =	sadd.s32 s1, s24;
	s10 =	sadd.s32 s1, s10  }
0x13: {  	s24 =	simm.s32 $0x1;
	[dreg:$0x7] =	wrdreg s0;
	s0 =	sshll.u32 s26, $0x6  }
0x14: {  	s26 =	simm.s32 $0x2;
	s11 =	sadd.s32 s2, s0;
	s12 =	sadd.s32 s4, s0  }
.LBB2_36:
0x15: {  	s31 =	sadd.s32 $0x1, s31  }
0x16: {  	_ =	swait.ge [sflag:s29], $0x1000;
	p0 =	sne.s32 s31, s16  }
.Ltmp1:
0x17: {  	[sflag:s29] =	ssyncset.done $0x0;
	(pc) =	sbr.rel @!p0 .LBB2_37-.Ltmp1, $4  }
0x18: {  	[sflag:s29] =	ssyncadd.s32 $0xFFFFF000  }
0x19: {  	_ =	swait.ge [sflag:s30], $0x1000  }
0x1a: {  	[sflag:s30] =	ssyncset.done $0x0  }
0x1b: {  	[sflag:s30] =	ssyncadd.s32 $0xFFFFF000  }
.LBB2_1:
0x1c: {  	s0 =	rddreg [dreg:$0x6]  }
0x1d: {  	[tilespmem:s17], [sflag:$0x5] =	stream.linear.gather [hbm4b:s0+s5], $0x2000, $0x38;
	[tilespmem:$0x18000] =	vst v63  }
0x1e: {  	_ =	swait.ge [sflag:s18], $0x2000  }
0x1f: {  	[sflag:s18] =	ssyncset.done $0x0  }
0x20: {  	s8 =	rddreg [dreg:$0x7];
	[sflag:s18] =	ssyncadd.s32 $0xFFFFE000  }
0x21: {  	[tilespmem:s5], [sflag:$0x1] =	stream.linear.gather [hbm4b:s8+s5], $0x8000, $0x38;
	[tilespmem:$0x18000] =	vst v63  }
0x22: {  	s3 =	simm.s32 $0x10000;
	s19 =	rddreg [dreg:$0x8]  }
0x23: {  	[tilespmem:s3], [sflag:$0x1] =	stream.linear.gather [hbm4b:s19+s5], $0x1000, $0x38;
	[tilespmem:$0x18000] =	vst v63  }
0x24: {  	s20 =	simm.s32 $0x12000  }
0x25: {  	[tilespmem:s20], [sflag:$0x1] =	stream.linear.gather [hbm4b:s9+s5], $0x1000, $0x38;
	[tilespmem:$0x18000] =	vst v63  }
0x26: {  	_ = 	snop  }
0x27: {  	[tilespmem:s21], [sflag:$0x2] =	stream.linear.gather [hbm4b:s10+s5], $0x8000, $0x38;
	[tilespmem:$0x18000] =	vst v63  }
0x28: {  	_ = 	snop  }
0x29: {  	[tilespmem:s22], [sflag:$0x2] =	stream.linear.gather [hbm4b:s11+s5], $0x1000, $0x38;
	[tilespmem:$0x18000] =	vst v63  }
0x2a: {  	s0 =	simm.s32 $0x0  }
0x2b: {  	[tilespmem:s23], [sflag:$0x2] =	stream.linear.gather [hbm4b:s12+s5], $0x1000, $0x38;
	[tilespmem:$0x18000] =	vst v63  }
.LBB2_2:
0x2c: {  	_ =	swait.ge [sflag:s24], $0x8000  }
0x2d: {  	[sflag:s24] =	ssyncset.done $0x0  }
0x2e: {  	[sflag:s24] =	ssyncadd.s32 $0xFFFF8000  }
0x2f: {  	_ =	swait.ge [sflag:s24], $0x1000  }
0x30: {  	[sflag:s24] =	ssyncset.done $0x0  }
0x31: {  	[sflag:s24] =	ssyncadd.s32 $0xFFFFF000  }
0x32: {  	_ =	swait.ge [sflag:s24], $0x1000  }
0x33: {  	p0 =	seq.s32 s0, $0x0;
	[sflag:s24] =	ssyncset.done $0x0  }
0x34: {  	s6 =	simm.s32 @!p0 $0x3;
	[sflag:s24] =	ssyncadd.s32 $0xFFFFF000  }
0x35: {  	s3 =	sshll.u32 s0, $0xA;
	_ =	swait.ge @!p0 [sflag:s6], $0x1000  }
0x36: {  	s7 =	simm.s32 $0x14020;
	s8 =	simm.s32 $0x12020;
	[sflag:s6] =	ssyncset.done @!p0 $0x0  }
0x37: {  	s19 =	simm.s32 $0x10020;
	v0 =	vmov s3;
	[sflag:s6] =	ssyncadd.s32 @!p0 $0xFFFFF000;
	s6 =	simm.s32 $0xFFFFFFFC  }
.LBB2_3:
0x38: {  	v1 =	vld [tilespmem:s19+$0xFFFFFFE0]  }
0x39: {  	v2 =	vld [tilespmem:s8+$0xFFFFFFE0];
	_ =	sdelay $0x3  }
0x3a: {  	v3 =	vshll.u32 v1, $0x6;
	v1 =	vadd.s32 v0, v1  }
0x3b: {  	v2 =	vadd.s32 v2, v3;
	_ =	sdelay $0x3  }
0x3c: {  	v1 =	vld.idx.msk [tilespmem:v1+s17+$0x0], $0xffff  }
0x3d: {  	v2 =	vld.idx.msk [tilespmem:v2+s5+$0x0], $0xffff;
	_ =	sdelay $0x4  }
0x3e: {  	v1 =	vadd.f32 v1, v2;
	_ =	sdelay $0x1  }
0x3f: {  	[tilespmem:s7+$0xFFFFFFE0] =	vst v1  }
0x40: {  	v1 =	vld [tilespmem:s19+$0xFFFFFFF0]  }
0x41: {  	v2 =	vld [tilespmem:s8+$0xFFFFFFF0];
	_ =	sdelay $0x3  }
0x42: {  	v3 =	vshll.u32 v1, $0x6;
	v1 =	vadd.s32 v0, v1  }
0x43: {  	v2 =	vadd.s32 v2, v3;
	_ =	sdelay $0x3  }
0x44: {  	v1 =	vld.idx.msk [tilespmem:v1+s17+$0x0], $0xffff  }
0x45: {  	v2 =	vld.idx.msk [tilespmem:v2+s5+$0x0], $0xffff;
	_ =	sdelay $0x4  }
0x46: {  	v1 =	vadd.f32 v1, v2;
	_ =	sdelay $0x1  }
0x47: {  	[tilespmem:s7+$0xFFFFFFF0] =	vst v1  }
0x48: {  	v1 =	vld [tilespmem:s19+$0x0]  }
0x49: {  	v2 =	vld [tilespmem:s8+$0x0];
	_ =	sdelay $0x3  }
0x4a: {  	v3 =	vshll.u32 v1, $0x6;
	v1 =	vadd.s32 v0, v1  }
0x4b: {  	v2 =	vadd.s32 v2, v3;
	_ =	sdelay $0x3  }
0x4c: {  	v1 =	vld.idx.msk [tilespmem:v1+s17+$0x0], $0xffff  }
0x4d: {  	v2 =	vld.idx.msk [tilespmem:v2+s5+$0x0], $0xffff;
	_ =	sdelay $0x4  }
0x4e: {  	v1 =	vadd.f32 v1, v2;
	_ =	sdelay $0x1  }
0x4f: {  	[tilespmem:s7+$0x0] =	vst v1  }
0x50: {  	v1 =	vld [tilespmem:s19+$0x10]  }
0x51: {  	v2 =	vld [tilespmem:s8+$0x10];
	_ =	sdelay $0x3  }
0x52: {  	v3 =	vshll.u32 v1, $0x6;
	v1 =	vadd.s32 v0, v1  }
0x53: {  	v2 =	vadd.s32 v2, v3;
	_ =	sdelay $0x3  }
0x54: {  	v1 =	vld.idx.msk [tilespmem:v1+s17+$0x0], $0xffff  }
0x55: {  	v2 =	vld.idx.msk [tilespmem:v2+s5+$0x0], $0xffff  }
0x56: {  	s6 =	sadd.s32 $0x4, s6  }
0x57: {  	p1 =	slt.u32 s6, $0x1C  }
.Ltmp2:
0x58: {  	_ = 	snop;
	(pc) =	sbr.rel @p1 .LBB2_3-.Ltmp2, $3  }
0x59: {  	_ = 	snop  }
0x5a: {  	v1 =	vadd.f32 v1, v2;
	_ =	sdelay $0x1  }
0x5b: {  	s8 =	sadd.s32 $0x40, s8;
	s19 =	sadd.s32 $0x40, s19;
	[tilespmem:s7+$0x10] =	vst v1;
	s7 =	sadd.s32 $0x40, s7  }
0x5c: {  	s6 =	sor.u32 $0x40, s3;
	s19 =	simm.s32 $0xFFFFFFFC  }
0x5d: {  	s20 =	simm.s32 $0x14230;
	s7 =	simm.s32 $0x10230;
	v0 =	vmov s6;
	s6 =	simm.s32 $0x12230  }
.LBB2_5:
0x5e: {  	v1 =	vld [tilespmem:s7+$0xFFFFFFD0]  }
0x5f: {  	v2 =	vld [tilespmem:s6+$0xFFFFFFD0];
	_ =	sdelay $0x3  }
0x60: {  	v3 =	vshll.u32 v1, $0x6  }
0x61: {  	v1 =	vadd.s32 v0, v1;
	v2 =	vadd.s32 v2, v3  }
0x62: {  	v2 =	vadd.s32 $0x1000, v2;
	_ =	sdelay $0x3  }
0x63: {  	v1 =	vld.idx.msk [tilespmem:v1+s17+$0x0], $0xffff  }
0x64: {  	v2 =	vld.idx.msk [tilespmem:v2+s5+$0x0], $0xffff;
	_ =	sdelay $0x4  }
0x65: {  	v1 =	vadd.f32 v1, v2;
	_ =	sdelay $0x1  }
0x66: {  	[tilespmem:s20+$0xFFFFFFD0] =	vst v1  }
0x67: {  	v1 =	vld [tilespmem:s7+$0xFFFFFFE0]  }
0x68: {  	v2 =	vld [tilespmem:s6+$0xFFFFFFE0];
	_ =	sdelay $0x3  }
0x69: {  	v3 =	vshll.u32 v1, $0x6  }
0x6a: {  	v1 =	vadd.s32 v0, v1;
	v2 =	vadd.s32 v2, v3  }
0x6b: {  	v2 =	vadd.s32 $0x1000, v2;
	_ =	sdelay $0x3  }
0x6c: {  	v1 =	vld.idx.msk [tilespmem:v1+s17+$0x0], $0xffff  }
0x6d: {  	v2 =	vld.idx.msk [tilespmem:v2+s5+$0x0], $0xffff;
	_ =	sdelay $0x4  }
0x6e: {  	v1 =	vadd.f32 v1, v2;
	_ =	sdelay $0x1  }
0x6f: {  	[tilespmem:s20+$0xFFFFFFE0] =	vst v1  }
0x70: {  	v1 =	vld [tilespmem:s7+$0xFFFFFFF0]  }
0x71: {  	v2 =	vld [tilespmem:s6+$0xFFFFFFF0];
	_ =	sdelay $0x3  }
0x72: {  	v3 =	vshll.u32 v1, $0x6  }
0x73: {  	v1 =	vadd.s32 v0, v1;
	v2 =	vadd.s32 v2, v3  }
0x74: {  	v2 =	vadd.s32 $0x1000, v2;
	_ =	sdelay $0x3  }
0x75: {  	v1 =	vld.idx.msk [tilespmem:v1+s17+$0x0], $0xffff  }
0x76: {  	v2 =	vld.idx.msk [tilespmem:v2+s5+$0x0], $0xffff;
	_ =	sdelay $0x4  }
0x77: {  	v1 =	vadd.f32 v1, v2;
	_ =	sdelay $0x1  }
0x78: {  	[tilespmem:s20+$0xFFFFFFF0] =	vst v1  }
0x79: {  	v1 =	vld [tilespmem:s7+$0x0]  }
0x7a: {  	v2 =	vld [tilespmem:s6+$0x0];
	_ =	sdelay $0x3  }
0x7b: {  	v3 =	vshll.u32 v1, $0x6  }
0x7c: {  	v1 =	vadd.s32 v0, v1;
	v2 =	vadd.s32 v2, v3  }
0x7d: {  	v2 =	vadd.s32 $0x1000, v2;
	_ =	sdelay $0x3  }
0x7e: {  	v1 =	vld.idx.msk [tilespmem:v1+s17+$0x0], $0xffff  }
0x7f: {  	v2 =	vld.idx.msk [tilespmem:v2+s5+$0x0], $0xffff  }
0x80: {  	s19 =	sadd.s32 $0x4, s19  }
0x81: {  	p1 =	slt.u32 s19, $0x1C  }
.Ltmp3:
0x82: {  	_ = 	snop;
	(pc) =	sbr.rel @p1 .LBB2_5-.Ltmp3, $3  }
0x83: {  	_ = 	snop  }
0x84: {  	v1 =	vadd.f32 v1, v2;
	_ =	sdelay $0x1  }
0x85: {  	s6 =	sadd.s32 $0x40, s6;
	s7 =	sadd.s32 $0x40, s7;
	[tilespmem:s20+$0x0] =	vst v1;
	s20 =	sadd.s32 $0x40, s20  }
0x86: {  	s6 =	sor.u32 $0x80, s3;
	s19 =	simm.s32 $0xFFFFFFFC  }
0x87: {  	s20 =	simm.s32 $0x14430;
	s7 =	simm.s32 $0x10430;
	v0 =	vmov s6;
	s6 =	simm.s32 $0x12430  }
.LBB2_7:
0x88: {  	v1 =	vld [tilespmem:s7+$0xFFFFFFD0]  }
0x89: {  	v2 =	vld [tilespmem:s6+$0xFFFFFFD0];
	_ =	sdelay $0x3  }
0x8a: {  	v3 =	vshll.u32 v1, $0x6  }
0x8b: {  	v1 =	vadd.s32 v0, v1;
	v2 =	vadd.s32 v2, v3  }
0x8c: {  	v2 =	vadd.s32 $0x2000, v2;
	_ =	sdelay $0x3  }
0x8d: {  	v1 =	vld.idx.msk [tilespmem:v1+s17+$0x0], $0xffff  }
0x8e: {  	v2 =	vld.idx.msk [tilespmem:v2+s5+$0x0], $0xffff;
	_ =	sdelay $0x4  }
0x8f: {  	v1 =	vadd.f32 v1, v2;
	_ =	sdelay $0x1  }
0x90: {  	[tilespmem:s20+$0xFFFFFFD0] =	vst v1  }
0x91: {  	v1 =	vld [tilespmem:s7+$0xFFFFFFE0]  }
0x92: {  	v2 =	vld [tilespmem:s6+$0xFFFFFFE0];
	_ =	sdelay $0x3  }
0x93: {  	v3 =	vshll.u32 v1, $0x6  }
0x94: {  	v1 =	vadd.s32 v0, v1;
	v2 =	vadd.s32 v2, v3  }
0x95: {  	v2 =	vadd.s32 $0x2000, v2;
	_ =	sdelay $0x3  }
0x96: {  	v1 =	vld.idx.msk [tilespmem:v1+s17+$0x0], $0xffff  }
0x97: {  	v2 =	vld.idx.msk [tilespmem:v2+s5+$0x0], $0xffff;
	_ =	sdelay $0x4  }
0x98: {  	v1 =	vadd.f32 v1, v2;
	_ =	sdelay $0x1  }
0x99: {  	[tilespmem:s20+$0xFFFFFFE0] =	vst v1  }
0x9a: {  	v1 =	vld [tilespmem:s7+$0xFFFFFFF0]  }
0x9b: {  	v2 =	vld [tilespmem:s6+$0xFFFFFFF0];
	_ =	sdelay $0x3  }
0x9c: {  	v3 =	vshll.u32 v1, $0x6  }
0x9d: {  	v1 =	vadd.s32 v0, v1;
	v2 =	vadd.s32 v2, v3  }
0x9e: {  	v2 =	vadd.s32 $0x2000, v2;
	_ =	sdelay $0x3  }
0x9f: {  	v1 =	vld.idx.msk [tilespmem:v1+s17+$0x0], $0xffff  }
0xa0: {  	v2 =	vld.idx.msk [tilespmem:v2+s5+$0x0], $0xffff;
	_ =	sdelay $0x4  }
0xa1: {  	v1 =	vadd.f32 v1, v2;
	_ =	sdelay $0x1  }
0xa2: {  	[tilespmem:s20+$0xFFFFFFF0] =	vst v1  }
0xa3: {  	v1 =	vld [tilespmem:s7+$0x0]  }
0xa4: {  	v2 =	vld [tilespmem:s6+$0x0];
	_ =	sdelay $0x3  }
0xa5: {  	v3 =	vshll.u32 v1, $0x6  }
0xa6: {  	v1 =	vadd.s32 v0, v1;
	v2 =	vadd.s32 v2, v3  }
0xa7: {  	v2 =	vadd.s32 $0x2000, v2;
	_ =	sdelay $0x3  }
0xa8: {  	v1 =	vld.idx.msk [tilespmem:v1+s17+$0x0], $0xffff  }
0xa9: {  	v2 =	vld.idx.msk [tilespmem:v2+s5+$0x0], $0xffff  }
0xaa: {  	s19 =	sadd.s32 $0x4, s19  }
0xab: {  	p1 =	slt.u32 s19, $0x1C  }
.Ltmp4:
0xac: {  	_ = 	snop;
	(pc) =	sbr.rel @p1 .LBB2_7-.Ltmp4, $3  }
0xad: {  	_ = 	snop  }
0xae: {  	v1 =	vadd.f32 v1, v2;
	_ =	sdelay $0x1  }
0xaf: {  	s6 =	sadd.s32 $0x40, s6;
	s7 =	sadd.s32 $0x40, s7;
	[tilespmem:s20+$0x0] =	vst v1;
	s20 =	sadd.s32 $0x40, s20  }
0xb0: {  	s6 =	sor.u32 $0xC0, s3;
	s19 =	simm.s32 $0xFFFFFFFC  }
0xb1: {  	s20 =	simm.s32 $0x14630;
	s7 =	simm.s32 $0x10630;
	v0 =	vmov s6;
	s6 =	simm.s32 $0x12630  }
.LBB2_9:
0xb2: {  	v1 =	vld [tilespmem:s7+$0xFFFFFFD0]  }
0xb3: {  	v2 =	vld [tilespmem:s6+$0xFFFFFFD0];
	_ =	sdelay $0x3  }
0xb4: {  	v3 =	vshll.u32 v1, $0x6  }
0xb5: {  	v1 =	vadd.s32 v0, v1;
	v2 =	vadd.s32 v2, v3  }
0xb6: {  	v2 =	vadd.s32 $0x3000, v2;
	_ =	sdelay $0x3  }
0xb7: {  	v1 =	vld.idx.msk [tilespmem:v1+s17+$0x0], $0xffff  }
0xb8: {  	v2 =	vld.idx.msk [tilespmem:v2+s5+$0x0], $0xffff;
	_ =	sdelay $0x4  }
0xb9: {  	v1 =	vadd.f32 v1, v2;
	_ =	sdelay $0x1  }
0xba: {  	[tilespmem:s20+$0xFFFFFFD0] =	vst v1  }
0xbb: {  	v1 =	vld [tilespmem:s7+$0xFFFFFFE0]  }
0xbc: {  	v2 =	vld [tilespmem:s6+$0xFFFFFFE0];
	_ =	sdelay $0x3  }
0xbd: {  	v3 =	vshll.u32 v1, $0x6  }
0xbe: {  	v1 =	vadd.s32 v0, v1;
	v2 =	vadd.s32 v2, v3  }
0xbf: {  	v2 =	vadd.s32 $0x3000, v2;
	_ =	sdelay $0x3  }
0xc0: {  	v1 =	vld.idx.msk [tilespmem:v1+s17+$0x0], $0xffff  }
0xc1: {  	v2 =	vld.idx.msk [tilespmem:v2+s5+$0x0], $0xffff;
	_ =	sdelay $0x4  }
0xc2: {  	v1 =	vadd.f32 v1, v2;
	_ =	sdelay $0x1  }
0xc3: {  	[tilespmem:s20+$0xFFFFFFE0] =	vst v1  }
0xc4: {  	v1 =	vld [tilespmem:s7+$0xFFFFFFF0]  }
0xc5: {  	v2 =	vld [tilespmem:s6+$0xFFFFFFF0];
	_ =	sdelay $0x3  }
0xc6: {  	v3 =	vshll.u32 v1, $0x6  }
0xc7: {  	v1 =	vadd.s32 v0, v1;
	v2 =	vadd.s32 v2, v3  }
0xc8: {  	v2 =	vadd.s32 $0x3000, v2;
	_ =	sdelay $0x3  }
0xc9: {  	v1 =	vld.idx.msk [tilespmem:v1+s17+$0x0], $0xffff  }
0xca: {  	v2 =	vld.idx.msk [tilespmem:v2+s5+$0x0], $0xffff;
	_ =	sdelay $0x4  }
0xcb: {  	v1 =	vadd.f32 v1, v2;
	_ =	sdelay $0x1  }
0xcc: {  	[tilespmem:s20+$0xFFFFFFF0] =	vst v1  }
0xcd: {  	v1 =	vld [tilespmem:s7+$0x0]  }
0xce: {  	v2 =	vld [tilespmem:s6+$0x0];
	_ =	sdelay $0x3  }
0xcf: {  	v3 =	vshll.u32 v1, $0x6  }
0xd0: {  	v1 =	vadd.s32 v0, v1;
	v2 =	vadd.s32 v2, v3  }
0xd1: {  	v2 =	vadd.s32 $0x3000, v2;
	_ =	sdelay $0x3  }
0xd2: {  	v1 =	vld.idx.msk [tilespmem:v1+s17+$0x0], $0xffff  }
0xd3: {  	v2 =	vld.idx.msk [tilespmem:v2+s5+$0x0], $0xffff  }
0xd4: {  	s19 =	sadd.s32 $0x4, s19  }
0xd5: {  	p1 =	slt.u32 s19, $0x1C  }
.Ltmp5:
0xd6: {  	_ = 	snop;
	(pc) =	sbr.rel @p1 .LBB2_9-.Ltmp5, $3  }
0xd7: {  	_ = 	snop  }
0xd8: {  	v1 =	vadd.f32 v1, v2;
	_ =	sdelay $0x1  }
0xd9: {  	s6 =	sadd.s32 $0x40, s6;
	s7 =	sadd.s32 $0x40, s7;
	[tilespmem:s20+$0x0] =	vst v1;
	s20 =	sadd.s32 $0x40, s20  }
0xda: {  	s6 =	sor.u32 $0x100, s3;
	s19 =	simm.s32 $0xFFFFFFFC  }
0xdb: {  	s20 =	simm.s32 $0x14830;
	s7 =	simm.s32 $0x10830;
	v0 =	vmov s6;
	s6 =	simm.s32 $0x12830  }
.LBB2_11:
0xdc: {  	v1 =	vld [tilespmem:s7+$0xFFFFFFD0]  }
0xdd: {  	v2 =	vld [tilespmem:s6+$0xFFFFFFD0];
	_ =	sdelay $0x3  }
0xde: {  	v3 =	vshll.u32 v1, $0x6  }
0xdf: {  	v1 =	vadd.s32 v0, v1;
	v2 =	vadd.s32 v2, v3  }
0xe0: {  	v2 =	vadd.s32 $0x4000, v2;
	_ =	sdelay $0x3  }
0xe1: {  	v1 =	vld.idx.msk [tilespmem:v1+s17+$0x0], $0xffff  }
0xe2: {  	v2 =	vld.idx.msk [tilespmem:v2+s5+$0x0], $0xffff;
	_ =	sdelay $0x4  }
0xe3: {  	v1 =	vadd.f32 v1, v2;
	_ =	sdelay $0x1  }
0xe4: {  	[tilespmem:s20+$0xFFFFFFD0] =	vst v1  }
0xe5: {  	v1 =	vld [tilespmem:s7+$0xFFFFFFE0]  }
0xe6: {  	v2 =	vld [tilespmem:s6+$0xFFFFFFE0];
	_ =	sdelay $0x3  }
0xe7: {  	v3 =	vshll.u32 v1, $0x6  }
0xe8: {  	v1 =	vadd.s32 v0, v1;
	v2 =	vadd.s32 v2, v3  }
0xe9: {  	v2 =	vadd.s32 $0x4000, v2;
	_ =	sdelay $0x3  }
0xea: {  	v1 =	vld.idx.msk [tilespmem:v1+s17+$0x0], $0xffff  }
0xeb: {  	v2 =	vld.idx.msk [tilespmem:v2+s5+$0x0], $0xffff;
	_ =	sdelay $0x4  }
0xec: {  	v1 =	vadd.f32 v1, v2;
	_ =	sdelay $0x1  }
0xed: {  	[tilespmem:s20+$0xFFFFFFE0] =	vst v1  }
0xee: {  	v1 =	vld [tilespmem:s7+$0xFFFFFFF0]  }
0xef: {  	v2 =	vld [tilespmem:s6+$0xFFFFFFF0];
	_ =	sdelay $0x3  }
0xf0: {  	v3 =	vshll.u32 v1, $0x6  }
0xf1: {  	v1 =	vadd.s32 v0, v1;
	v2 =	vadd.s32 v2, v3  }
0xf2: {  	v2 =	vadd.s32 $0x4000, v2;
	_ =	sdelay $0x3  }
0xf3: {  	v1 =	vld.idx.msk [tilespmem:v1+s17+$0x0], $0xffff  }
0xf4: {  	v2 =	vld.idx.msk [tilespmem:v2+s5+$0x0], $0xffff;
	_ =	sdelay $0x4  }
0xf5: {  	v1 =	vadd.f32 v1, v2;
	_ =	sdelay $0x1  }
0xf6: {  	[tilespmem:s20+$0xFFFFFFF0] =	vst v1  }
0xf7: {  	v1 =	vld [tilespmem:s7+$0x0]  }
0xf8: {  	v2 =	vld [tilespmem:s6+$0x0];
	_ =	sdelay $0x3  }
0xf9: {  	v3 =	vshll.u32 v1, $0x6  }
0xfa: {  	v1 =	vadd.s32 v0, v1;
	v2 =	vadd.s32 v2, v3  }
0xfb: {  	v2 =	vadd.s32 $0x4000, v2;
	_ =	sdelay $0x3  }
0xfc: {  	v1 =	vld.idx.msk [tilespmem:v1+s17+$0x0], $0xffff  }
0xfd: {  	v2 =	vld.idx.msk [tilespmem:v2+s5+$0x0], $0xffff  }
0xfe: {  	s19 =	sadd.s32 $0x4, s19  }
0xff: {  	p1 =	slt.u32 s19, $0x1C  }
.Ltmp6:
0x100: {  	_ = 	snop;
	(pc) =	sbr.rel @p1 .LBB2_11-.Ltmp6, $3  }
0x101: {  	_ = 	snop  }
0x102: {  	v1 =	vadd.f32 v1, v2;
	_ =	sdelay $0x1  }
0x103: {  	s6 =	sadd.s32 $0x40, s6;
	s7 =	sadd.s32 $0x40, s7;
	[tilespmem:s20+$0x0] =	vst v1;
	s20 =	sadd.s32 $0x40, s20  }
0x104: {  	s6 =	sor.u32 $0x140, s3;
	s19 =	simm.s32 $0xFFFFFFFC  }
0x105: {  	s20 =	simm.s32 $0x14A30;
	s7 =	simm.s32 $0x10A30;
	v0 =	vmov s6;
	s6 =	simm.s32 $0x12A30  }
.LBB2_13:
0x106: {  	v1 =	vld [tilespmem:s7+$0xFFFFFFD0]  }
0x107: {  	v2 =	vld [tilespmem:s6+$0xFFFFFFD0];
	_ =	sdelay $0x3  }
0x108: {  	v3 =	vshll.u32 v1, $0x6  }
0x109: {  	v1 =	vadd.s32 v0, v1;
	v2 =	vadd.s32 v2, v3  }
0x10a: {  	v2 =	vadd.s32 $0x5000, v2;
	_ =	sdelay $0x3  }
0x10b: {  	v1 =	vld.idx.msk [tilespmem:v1+s17+$0x0], $0xffff  }
0x10c: {  	v2 =	vld.idx.msk [tilespmem:v2+s5+$0x0], $0xffff;
	_ =	sdelay $0x4  }
0x10d: {  	v1 =	vadd.f32 v1, v2;
	_ =	sdelay $0x1  }
0x10e: {  	[tilespmem:s20+$0xFFFFFFD0] =	vst v1  }
0x10f: {  	v1 =	vld [tilespmem:s7+$0xFFFFFFE0]  }
0x110: {  	v2 =	vld [tilespmem:s6+$0xFFFFFFE0];
	_ =	sdelay $0x3  }
0x111: {  	v3 =	vshll.u32 v1, $0x6  }
0x112: {  	v1 =	vadd.s32 v0, v1;
	v2 =	vadd.s32 v2, v3  }
0x113: {  	v2 =	vadd.s32 $0x5000, v2;
	_ =	sdelay $0x3  }
0x114: {  	v1 =	vld.idx.msk [tilespmem:v1+s17+$0x0], $0xffff  }
0x115: {  	v2 =	vld.idx.msk [tilespmem:v2+s5+$0x0], $0xffff;
	_ =	sdelay $0x4  }
0x116: {  	v1 =	vadd.f32 v1, v2;
	_ =	sdelay $0x1  }
0x117: {  	[tilespmem:s20+$0xFFFFFFE0] =	vst v1  }
0x118: {  	v1 =	vld [tilespmem:s7+$0xFFFFFFF0]  }
0x119: {  	v2 =	vld [tilespmem:s6+$0xFFFFFFF0];
	_ =	sdelay $0x3  }
0x11a: {  	v3 =	vshll.u32 v1, $0x6  }
0x11b: {  	v1 =	vadd.s32 v0, v1;
	v2 =	vadd.s32 v2, v3  }
0x11c: {  	v2 =	vadd.s32 $0x5000, v2;
	_ =	sdelay $0x3  }
0x11d: {  	v1 =	vld.idx.msk [tilespmem:v1+s17+$0x0], $0xffff  }
0x11e: {  	v2 =	vld.idx.msk [tilespmem:v2+s5+$0x0], $0xffff;
	_ =	sdelay $0x4  }
0x11f: {  	v1 =	vadd.f32 v1, v2;
	_ =	sdelay $0x1  }
0x120: {  	[tilespmem:s20+$0xFFFFFFF0] =	vst v1  }
0x121: {  	v1 =	vld [tilespmem:s7+$0x0]  }
0x122: {  	v2 =	vld [tilespmem:s6+$0x0];
	_ =	sdelay $0x3  }
0x123: {  	v3 =	vshll.u32 v1, $0x6  }
0x124: {  	v1 =	vadd.s32 v0, v1;
	v2 =	vadd.s32 v2, v3  }
0x125: {  	v2 =	vadd.s32 $0x5000, v2;
	_ =	sdelay $0x3  }
0x126: {  	v1 =	vld.idx.msk [tilespmem:v1+s17+$0x0], $0xffff  }
0x127: {  	v2 =	vld.idx.msk [tilespmem:v2+s5+$0x0], $0xffff  }
0x128: {  	s19 =	sadd.s32 $0x4, s19  }
0x129: {  	p1 =	slt.u32 s19, $0x1C  }
.Ltmp7:
0x12a: {  	_ = 	snop;
	(pc) =	sbr.rel @p1 .LBB2_13-.Ltmp7, $3  }
0x12b: {  	_ = 	snop  }
0x12c: {  	v1 =	vadd.f32 v1, v2;
	_ =	sdelay $0x1  }
0x12d: {  	s6 =	sadd.s32 $0x40, s6;
	s7 =	sadd.s32 $0x40, s7;
	[tilespmem:s20+$0x0] =	vst v1;
	s20 =	sadd.s32 $0x40, s20  }
0x12e: {  	s6 =	sor.u32 $0x180, s3;
	s19 =	simm.s32 $0xFFFFFFFC  }
0x12f: {  	s20 =	simm.s32 $0x14C30;
	s7 =	simm.s32 $0x10C30;
	v0 =	vmov s6;
	s6 =	simm.s32 $0x12C30  }
.LBB2_15:
0x130: {  	v1 =	vld [tilespmem:s7+$0xFFFFFFD0]  }
0x131: {  	v2 =	vld [tilespmem:s6+$0xFFFFFFD0];
	_ =	sdelay $0x3  }
0x132: {  	v3 =	vshll.u32 v1, $0x6  }
0x133: {  	v1 =	vadd.s32 v0, v1;
	v2 =	vadd.s32 v2, v3  }
0x134: {  	v2 =	vadd.s32 $0x6000, v2;
	_ =	sdelay $0x3  }
0x135: {  	v1 =	vld.idx.msk [tilespmem:v1+s17+$0x0], $0xffff  }
0x136: {  	v2 =	vld.idx.msk [tilespmem:v2+s5+$0x0], $0xffff;
	_ =	sdelay $0x4  }
0x137: {  	v1 =	vadd.f32 v1, v2;
	_ =	sdelay $0x1  }
0x138: {  	[tilespmem:s20+$0xFFFFFFD0] =	vst v1  }
0x139: {  	v1 =	vld [tilespmem:s7+$0xFFFFFFE0]  }
0x13a: {  	v2 =	vld [tilespmem:s6+$0xFFFFFFE0];
	_ =	sdelay $0x3  }
0x13b: {  	v3 =	vshll.u32 v1, $0x6  }
0x13c: {  	v1 =	vadd.s32 v0, v1;
	v2 =	vadd.s32 v2, v3  }
0x13d: {  	v2 =	vadd.s32 $0x6000, v2;
	_ =	sdelay $0x3  }
0x13e: {  	v1 =	vld.idx.msk [tilespmem:v1+s17+$0x0], $0xffff  }
0x13f: {  	v2 =	vld.idx.msk [tilespmem:v2+s5+$0x0], $0xffff;
	_ =	sdelay $0x4  }
0x140: {  	v1 =	vadd.f32 v1, v2;
	_ =	sdelay $0x1  }
0x141: {  	[tilespmem:s20+$0xFFFFFFE0] =	vst v1  }
0x142: {  	v1 =	vld [tilespmem:s7+$0xFFFFFFF0]  }
0x143: {  	v2 =	vld [tilespmem:s6+$0xFFFFFFF0];
	_ =	sdelay $0x3  }
0x144: {  	v3 =	vshll.u32 v1, $0x6  }
0x145: {  	v1 =	vadd.s32 v0, v1;
	v2 =	vadd.s32 v2, v3  }
0x146: {  	v2 =	vadd.s32 $0x6000, v2;
	_ =	sdelay $0x3  }
0x147: {  	v1 =	vld.idx.msk [tilespmem:v1+s17+$0x0], $0xffff  }
0x148: {  	v2 =	vld.idx.msk [tilespmem:v2+s5+$0x0], $0xffff;
	_ =	sdelay $0x4  }
0x149: {  	v1 =	vadd.f32 v1, v2;
	_ =	sdelay $0x1  }
0x14a: {  	[tilespmem:s20+$0xFFFFFFF0] =	vst v1  }
0x14b: {  	v1 =	vld [tilespmem:s7+$0x0]  }
0x14c: {  	v2 =	vld [tilespmem:s6+$0x0];
	_ =	sdelay $0x3  }
0x14d: {  	v3 =	vshll.u32 v1, $0x6  }
0x14e: {  	v1 =	vadd.s32 v0, v1;
	v2 =	vadd.s32 v2, v3  }
0x14f: {  	v2 =	vadd.s32 $0x6000, v2;
	_ =	sdelay $0x3  }
0x150: {  	v1 =	vld.idx.msk [tilespmem:v1+s17+$0x0], $0xffff  }
0x151: {  	v2 =	vld.idx.msk [tilespmem:v2+s5+$0x0], $0xffff  }
0x152: {  	s19 =	sadd.s32 $0x4, s19  }
0x153: {  	p1 =	slt.u32 s19, $0x1C  }
.Ltmp8:
0x154: {  	_ = 	snop;
	(pc) =	sbr.rel @p1 .LBB2_15-.Ltmp8, $3  }
0x155: {  	_ = 	snop  }
0x156: {  	v1 =	vadd.f32 v1, v2;
	_ =	sdelay $0x1  }
0x157: {  	s6 =	sadd.s32 $0x40, s6;
	s7 =	sadd.s32 $0x40, s7;
	[tilespmem:s20+$0x0] =	vst v1;
	s20 =	sadd.s32 $0x40, s20  }
0x158: {  	s6 =	sor.u32 $0x1C0, s3;
	s19 =	simm.s32 $0xFFFFFFFC  }
0x159: {  	s20 =	simm.s32 $0x14E30;
	s7 =	simm.s32 $0x10E30;
	v0 =	vmov s6;
	s6 =	simm.s32 $0x12E30  }
.LBB2_17:
0x15a: {  	v1 =	vld [tilespmem:s7+$0xFFFFFFD0]  }
0x15b: {  	v2 =	vld [tilespmem:s6+$0xFFFFFFD0];
	_ =	sdelay $0x3  }
0x15c: {  	v3 =	vshll.u32 v1, $0x6  }
0x15d: {  	v1 =	vadd.s32 v0, v1;
	v2 =	vadd.s32 v2, v3  }
0x15e: {  	v2 =	vadd.s32 $0x7000, v2;
	_ =	sdelay $0x3  }
0x15f: {  	v1 =	vld.idx.msk [tilespmem:v1+s17+$0x0], $0xffff  }
0x160: {  	v2 =	vld.idx.msk [tilespmem:v2+s5+$0x0], $0xffff;
	_ =	sdelay $0x4  }
0x161: {  	v1 =	vadd.f32 v1, v2;
	_ =	sdelay $0x1  }
0x162: {  	[tilespmem:s20+$0xFFFFFFD0] =	vst v1  }
0x163: {  	v1 =	vld [tilespmem:s7+$0xFFFFFFE0]  }
0x164: {  	v2 =	vld [tilespmem:s6+$0xFFFFFFE0];
	_ =	sdelay $0x3  }
0x165: {  	v3 =	vshll.u32 v1, $0x6  }
0x166: {  	v1 =	vadd.s32 v0, v1;
	v2 =	vadd.s32 v2, v3  }
0x167: {  	v2 =	vadd.s32 $0x7000, v2;
	_ =	sdelay $0x3  }
0x168: {  	v1 =	vld.idx.msk [tilespmem:v1+s17+$0x0], $0xffff  }
0x169: {  	v2 =	vld.idx.msk [tilespmem:v2+s5+$0x0], $0xffff;
	_ =	sdelay $0x4  }
0x16a: {  	v1 =	vadd.f32 v1, v2;
	_ =	sdelay $0x1  }
0x16b: {  	[tilespmem:s20+$0xFFFFFFE0] =	vst v1  }
0x16c: {  	v1 =	vld [tilespmem:s7+$0xFFFFFFF0]  }
0x16d: {  	v2 =	vld [tilespmem:s6+$0xFFFFFFF0];
	_ =	sdelay $0x3  }
0x16e: {  	v3 =	vshll.u32 v1, $0x6  }
0x16f: {  	v1 =	vadd.s32 v0, v1;
	v2 =	vadd.s32 v2, v3  }
0x170: {  	v2 =	vadd.s32 $0x7000, v2;
	_ =	sdelay $0x3  }
0x171: {  	v1 =	vld.idx.msk [tilespmem:v1+s17+$0x0], $0xffff  }
0x172: {  	v2 =	vld.idx.msk [tilespmem:v2+s5+$0x0], $0xffff;
	_ =	sdelay $0x4  }
0x173: {  	v1 =	vadd.f32 v1, v2;
	_ =	sdelay $0x1  }
0x174: {  	[tilespmem:s20+$0xFFFFFFF0] =	vst v1  }
0x175: {  	v1 =	vld [tilespmem:s7+$0x0]  }
0x176: {  	v2 =	vld [tilespmem:s6+$0x0];
	_ =	sdelay $0x3  }
0x177: {  	v3 =	vshll.u32 v1, $0x6  }
0x178: {  	v1 =	vadd.s32 v0, v1;
	v2 =	vadd.s32 v2, v3  }
0x179: {  	v2 =	vadd.s32 $0x7000, v2;
	_ =	sdelay $0x3  }
0x17a: {  	v1 =	vld.idx.msk [tilespmem:v1+s17+$0x0], $0xffff  }
0x17b: {  	v2 =	vld.idx.msk [tilespmem:v2+s5+$0x0], $0xffff  }
0x17c: {  	s19 =	sadd.s32 $0x4, s19  }
0x17d: {  	p1 =	slt.u32 s19, $0x1C  }
.Ltmp9:
0x17e: {  	_ = 	snop;
	(pc) =	sbr.rel @p1 .LBB2_17-.Ltmp9, $3  }
0x17f: {  	_ = 	snop  }
0x180: {  	v1 =	vadd.f32 v1, v2;
	_ =	sdelay $0x1  }
0x181: {  	s6 =	sadd.s32 $0x40, s6;
	s7 =	sadd.s32 $0x40, s7;
	[tilespmem:s20+$0x0] =	vst v1;
	s20 =	sadd.s32 $0x40, s20  }
0x182: {  	s6 =	sadd.s32 s3, s13;
	p1 =	seq.s32 s0, $0x7  }
0x183: {  	[hbm4b:s6+s5] =	stream.linear.scatter [tilespmem:s25], [sflag:$0x3], $0x1000, $0x38;
	[tilespmem:$0x18000] =	vst v63  }
0x184: {  	s6 =	sshll.u32 @!p1 s0, $0x4  }
0x185: {  	s6 =	sadd.s32 @!p1 s6, s14  }
0x186: {  	s7 =	sshll.u32 @!p1 s6, $0x9  }
0x187: {  	s6 =	sshll.u32 @!p1 s6, $0x6;
	s7 =	sand.u32 @!p1 $0x1FFFE000, s7  }
0x188: {  	s8 =	simm.s32 @!p1 $0x0;
	s6 =	sand.u32 @!p1 $0x1FFFFC00, s6;
	s7 =	sadd.s32 @!p1 s1, s7  }
0x189: {  	[tilespmem:s8], [sflag:$0x1] =	stream.linear.gather @!p1 [hbm4b:s7+s8], $0x8000, $0x38;
	[tilespmem:$0x18000] =	vst v63  }
0x18a: {  	s19 =	simm.s32 @!p1 $0x10000;
	s7 =	sadd.s32 @!p1 s2, s6  }
0x18b: {  	[tilespmem:s19], [sflag:$0x1] =	stream.linear.gather @!p1 [hbm4b:s7+s8], $0x1000, $0x38;
	[tilespmem:$0x18000] =	vst v63  }
0x18c: {  	s6 =	sadd.s32 @!p1 s4, s6;
	s7 =	simm.s32 @!p1 $0x12000  }
0x18d: {  	[tilespmem:s7], [sflag:$0x1] =	stream.linear.gather @!p1 [hbm4b:s6+s8], $0x1000, $0x38;
	[tilespmem:$0x18000] =	vst v63  }
0x18e: {  	_ =	swait.ge [sflag:s26], $0x8000  }
0x18f: {  	[sflag:s26] =	ssyncset.done $0x0  }
0x190: {  	[sflag:s26] =	ssyncadd.s32 $0xFFFF8000  }
0x191: {  	_ =	swait.ge [sflag:s26], $0x1000  }
0x192: {  	[sflag:s26] =	ssyncset.done $0x0  }
0x193: {  	[sflag:s26] =	ssyncadd.s32 $0xFFFFF000  }
0x194: {  	_ =	swait.ge [sflag:s26], $0x1000  }
0x195: {  	[sflag:s26] =	ssyncset.done $0x0  }
0x196: {  	s6 =	simm.s32 @!p0 $0x4;
	[sflag:s26] =	ssyncadd.s32 $0xFFFFF000  }
0x197: {  	s20 =	simm.s32 $0x11020;
	_ =	swait.ge @!p0 [sflag:s6], $0x1000  }
0x198: {  	s19 =	sor.u32 $0x200, s3;
	s7 =	simm.s32 $0x15020;
	[sflag:s6] =	ssyncset.done @!p0 $0x0  }
0x199: {  	v0 =	vmov s19;
	s8 =	simm.s32 $0x13020;
	[sflag:s6] =	ssyncadd.s32 @!p0 $0xFFFFF000;
	s6 =	simm.s32 $0xFFFFFFFC  }
.LBB2_19:
0x19a: {  	v1 =	vld [tilespmem:s20+$0xFFFFFFE0]  }
0x19b: {  	v2 =	vld [tilespmem:s8+$0xFFFFFFE0];
	_ =	sdelay $0x3  }
0x19c: {  	v3 =	vshll.u32 v1, $0x6;
	v1 =	vadd.s32 v0, v1  }
0x19d: {  	v2 =	vadd.s32 v2, v3;
	_ =	sdelay $0x3  }
0x19e: {  	v1 =	vld.idx.msk [tilespmem:v1+s17+$0x0], $0xffff  }
0x19f: {  	v2 =	vld.idx.msk [tilespmem:v2+s21+$0x0], $0xffff;
	_ =	sdelay $0x4  }
0x1a0: {  	v1 =	vadd.f32 v1, v2;
	_ =	sdelay $0x1  }
0x1a1: {  	[tilespmem:s7+$0xFFFFFFE0] =	vst v1  }
0x1a2: {  	v1 =	vld [tilespmem:s20+$0xFFFFFFF0]  }
0x1a3: {  	v2 =	vld [tilespmem:s8+$0xFFFFFFF0];
	_ =	sdelay $0x3  }
0x1a4: {  	v3 =	vshll.u32 v1, $0x6;
	v1 =	vadd.s32 v0, v1  }
0x1a5: {  	v2 =	vadd.s32 v2, v3;
	_ =	sdelay $0x3  }
0x1a6: {  	v1 =	vld.idx.msk [tilespmem:v1+s17+$0x0], $0xffff  }
0x1a7: {  	v2 =	vld.idx.msk [tilespmem:v2+s21+$0x0], $0xffff;
	_ =	sdelay $0x4  }
0x1a8: {  	v1 =	vadd.f32 v1, v2;
	_ =	sdelay $0x1  }
0x1a9: {  	[tilespmem:s7+$0xFFFFFFF0] =	vst v1  }
0x1aa: {  	v1 =	vld [tilespmem:s20+$0x0]  }
0x1ab: {  	v2 =	vld [tilespmem:s8+$0x0];
	_ =	sdelay $0x3  }
0x1ac: {  	v3 =	vshll.u32 v1, $0x6;
	v1 =	vadd.s32 v0, v1  }
0x1ad: {  	v2 =	vadd.s32 v2, v3;
	_ =	sdelay $0x3  }
0x1ae: {  	v1 =	vld.idx.msk [tilespmem:v1+s17+$0x0], $0xffff  }
0x1af: {  	v2 =	vld.idx.msk [tilespmem:v2+s21+$0x0], $0xffff;
	_ =	sdelay $0x4  }
0x1b0: {  	v1 =	vadd.f32 v1, v2;
	_ =	sdelay $0x1  }
0x1b1: {  	[tilespmem:s7+$0x0] =	vst v1  }
0x1b2: {  	v1 =	vld [tilespmem:s20+$0x10]  }
0x1b3: {  	v2 =	vld [tilespmem:s8+$0x10];
	_ =	sdelay $0x3  }
0x1b4: {  	v3 =	vshll.u32 v1, $0x6;
	v1 =	vadd.s32 v0, v1  }
0x1b5: {  	v2 =	vadd.s32 v2, v3;
	_ =	sdelay $0x3  }
0x1b6: {  	v1 =	vld.idx.msk [tilespmem:v1+s17+$0x0], $0xffff  }
0x1b7: {  	v2 =	vld.idx.msk [tilespmem:v2+s21+$0x0], $0xffff  }
0x1b8: {  	s6 =	sadd.s32 $0x4, s6  }
0x1b9: {  	p0 =	slt.u32 s6, $0x1C  }
.Ltmp10:
0x1ba: {  	_ = 	snop;
	(pc) =	sbr.rel @p0 .LBB2_19-.Ltmp10, $3  }
0x1bb: {  	_ = 	snop  }
0x1bc: {  	v1 =	vadd.f32 v1, v2;
	_ =	sdelay $0x1  }
0x1bd: {  	s8 =	sadd.s32 $0x40, s8;
	s20 =	sadd.s32 $0x40, s20;
	[tilespmem:s7+$0x10] =	vst v1;
	s7 =	sadd.s32 $0x40, s7  }
0x1be: {  	s6 =	sor.u32 $0x240, s3;
	s20 =	simm.s32 $0xFFFFFFFC  }
0x1bf: {  	s7 =	simm.s32 $0x13230;
	s8 =	simm.s32 $0x11230;
	v0 =	vmov s6;
	s6 =	simm.s32 $0x15230  }
.LBB2_21:
0x1c0: {  	v1 =	vld [tilespmem:s8+$0xFFFFFFD0]  }
0x1c1: {  	v2 =	vld [tilespmem:s7+$0xFFFFFFD0];
	_ =	sdelay $0x3  }
0x1c2: {  	v3 =	vshll.u32 v1, $0x6  }
0x1c3: {  	v1 =	vadd.s32 v0, v1;
	v2 =	vadd.s32 v2, v3  }
0x1c4: {  	v2 =	vadd.s32 $0x1000, v2;
	_ =	sdelay $0x3  }
0x1c5: {  	v1 =	vld.idx.msk [tilespmem:v1+s17+$0x0], $0xffff  }
0x1c6: {  	v2 =	vld.idx.msk [tilespmem:v2+s21+$0x0], $0xffff;
	_ =	sdelay $0x4  }
0x1c7: {  	v1 =	vadd.f32 v1, v2;
	_ =	sdelay $0x1  }
0x1c8: {  	[tilespmem:s6+$0xFFFFFFD0] =	vst v1  }
0x1c9: {  	v1 =	vld [tilespmem:s8+$0xFFFFFFE0]  }
0x1ca: {  	v2 =	vld [tilespmem:s7+$0xFFFFFFE0];
	_ =	sdelay $0x3  }
0x1cb: {  	v3 =	vshll.u32 v1, $0x6  }
0x1cc: {  	v1 =	vadd.s32 v0, v1;
	v2 =	vadd.s32 v2, v3  }
0x1cd: {  	v2 =	vadd.s32 $0x1000, v2;
	_ =	sdelay $0x3  }
0x1ce: {  	v1 =	vld.idx.msk [tilespmem:v1+s17+$0x0], $0xffff  }
0x1cf: {  	v2 =	vld.idx.msk [tilespmem:v2+s21+$0x0], $0xffff;
	_ =	sdelay $0x4  }
0x1d0: {  	v1 =	vadd.f32 v1, v2;
	_ =	sdelay $0x1  }
0x1d1: {  	[tilespmem:s6+$0xFFFFFFE0] =	vst v1  }
0x1d2: {  	v1 =	vld [tilespmem:s8+$0xFFFFFFF0]  }
0x1d3: {  	v2 =	vld [tilespmem:s7+$0xFFFFFFF0];
	_ =	sdelay $0x3  }
0x1d4: {  	v3 =	vshll.u32 v1, $0x6  }
0x1d5: {  	v1 =	vadd.s32 v0, v1;
	v2 =	vadd.s32 v2, v3  }
0x1d6: {  	v2 =	vadd.s32 $0x1000, v2;
	_ =	sdelay $0x3  }
0x1d7: {  	v1 =	vld.idx.msk [tilespmem:v1+s17+$0x0], $0xffff  }
0x1d8: {  	v2 =	vld.idx.msk [tilespmem:v2+s21+$0x0], $0xffff;
	_ =	sdelay $0x4  }
0x1d9: {  	v1 =	vadd.f32 v1, v2;
	_ =	sdelay $0x1  }
0x1da: {  	[tilespmem:s6+$0xFFFFFFF0] =	vst v1  }
0x1db: {  	v1 =	vld [tilespmem:s8+$0x0]  }
0x1dc: {  	v2 =	vld [tilespmem:s7+$0x0];
	_ =	sdelay $0x3  }
0x1dd: {  	v3 =	vshll.u32 v1, $0x6  }
0x1de: {  	v1 =	vadd.s32 v0, v1;
	v2 =	vadd.s32 v2, v3  }
0x1df: {  	v2 =	vadd.s32 $0x1000, v2;
	_ =	sdelay $0x3  }
0x1e0: {  	v1 =	vld.idx.msk [tilespmem:v1+s17+$0x0], $0xffff  }
0x1e1: {  	v2 =	vld.idx.msk [tilespmem:v2+s21+$0x0], $0xffff  }
0x1e2: {  	s20 =	sadd.s32 $0x4, s20  }
0x1e3: {  	p0 =	slt.u32 s20, $0x1C  }
.Ltmp11:
0x1e4: {  	_ = 	snop;
	(pc) =	sbr.rel @p0 .LBB2_21-.Ltmp11, $3  }
0x1e5: {  	_ = 	snop  }
0x1e6: {  	v1 =	vadd.f32 v1, v2;
	_ =	sdelay $0x1  }
0x1e7: {  	s7 =	sadd.s32 $0x40, s7;
	s8 =	sadd.s32 $0x40, s8;
	[tilespmem:s6+$0x0] =	vst v1;
	s6 =	sadd.s32 $0x40, s6  }
0x1e8: {  	s6 =	sor.u32 $0x280, s3;
	s20 =	simm.s32 $0xFFFFFFFC  }
0x1e9: {  	s7 =	simm.s32 $0x13430;
	s8 =	simm.s32 $0x11430;
	v0 =	vmov s6;
	s6 =	simm.s32 $0x15430  }
.LBB2_23:
0x1ea: {  	v1 =	vld [tilespmem:s8+$0xFFFFFFD0]  }
0x1eb: {  	v2 =	vld [tilespmem:s7+$0xFFFFFFD0];
	_ =	sdelay $0x3  }
0x1ec: {  	v3 =	vshll.u32 v1, $0x6  }
0x1ed: {  	v1 =	vadd.s32 v0, v1;
	v2 =	vadd.s32 v2, v3  }
0x1ee: {  	v2 =	vadd.s32 $0x2000, v2;
	_ =	sdelay $0x3  }
0x1ef: {  	v1 =	vld.idx.msk [tilespmem:v1+s17+$0x0], $0xffff  }
0x1f0: {  	v2 =	vld.idx.msk [tilespmem:v2+s21+$0x0], $0xffff;
	_ =	sdelay $0x4  }
0x1f1: {  	v1 =	vadd.f32 v1, v2;
	_ =	sdelay $0x1  }
0x1f2: {  	[tilespmem:s6+$0xFFFFFFD0] =	vst v1  }
0x1f3: {  	v1 =	vld [tilespmem:s8+$0xFFFFFFE0]  }
0x1f4: {  	v2 =	vld [tilespmem:s7+$0xFFFFFFE0];
	_ =	sdelay $0x3  }
0x1f5: {  	v3 =	vshll.u32 v1, $0x6  }
0x1f6: {  	v1 =	vadd.s32 v0, v1;
	v2 =	vadd.s32 v2, v3  }
0x1f7: {  	v2 =	vadd.s32 $0x2000, v2;
	_ =	sdelay $0x3  }
0x1f8: {  	v1 =	vld.idx.msk [tilespmem:v1+s17+$0x0], $0xffff  }
0x1f9: {  	v2 =	vld.idx.msk [tilespmem:v2+s21+$0x0], $0xffff;
	_ =	sdelay $0x4  }
0x1fa: {  	v1 =	vadd.f32 v1, v2;
	_ =	sdelay $0x1  }
0x1fb: {  	[tilespmem:s6+$0xFFFFFFE0] =	vst v1  }
0x1fc: {  	v1 =	vld [tilespmem:s8+$0xFFFFFFF0]  }
0x1fd: {  	v2 =	vld [tilespmem:s7+$0xFFFFFFF0];
	_ =	sdelay $0x3  }
0x1fe: {  	v3 =	vshll.u32 v1, $0x6  }
0x1ff: {  	v1 =	vadd.s32 v0, v1;
	v2 =	vadd.s32 v2, v3  }
0x200: {  	v2 =	vadd.s32 $0x2000, v2;
	_ =	sdelay $0x3  }
0x201: {  	v1 =	vld.idx.msk [tilespmem:v1+s17+$0x0], $0xffff  }
0x202: {  	v2 =	vld.idx.msk [tilespmem:v2+s21+$0x0], $0xffff;
	_ =	sdelay $0x4  }
0x203: {  	v1 =	vadd.f32 v1, v2;
	_ =	sdelay $0x1  }
0x204: {  	[tilespmem:s6+$0xFFFFFFF0] =	vst v1  }
0x205: {  	v1 =	vld [tilespmem:s8+$0x0]  }
0x206: {  	v2 =	vld [tilespmem:s7+$0x0];
	_ =	sdelay $0x3  }
0x207: {  	v3 =	vshll.u32 v1, $0x6  }
0x208: {  	v1 =	vadd.s32 v0, v1;
	v2 =	vadd.s32 v2, v3  }
0x209: {  	v2 =	vadd.s32 $0x2000, v2;
	_ =	sdelay $0x3  }
0x20a: {  	v1 =	vld.idx.msk [tilespmem:v1+s17+$0x0], $0xffff  }
0x20b: {  	v2 =	vld.idx.msk [tilespmem:v2+s21+$0x0], $0xffff  }
0x20c: {  	s20 =	sadd.s32 $0x4, s20  }
0x20d: {  	p0 =	slt.u32 s20, $0x1C  }
.Ltmp12:
0x20e: {  	_ = 	snop;
	(pc) =	sbr.rel @p0 .LBB2_23-.Ltmp12, $3  }
0x20f: {  	_ = 	snop  }
0x210: {  	v1 =	vadd.f32 v1, v2;
	_ =	sdelay $0x1  }
0x211: {  	s7 =	sadd.s32 $0x40, s7;
	s8 =	sadd.s32 $0x40, s8;
	[tilespmem:s6+$0x0] =	vst v1;
	s6 =	sadd.s32 $0x40, s6  }
0x212: {  	s6 =	sor.u32 $0x2C0, s3;
	s20 =	simm.s32 $0xFFFFFFFC  }
0x213: {  	s7 =	simm.s32 $0x13630;
	s8 =	simm.s32 $0x11630;
	v0 =	vmov s6;
	s6 =	simm.s32 $0x15630  }
.LBB2_25:
0x214: {  	v1 =	vld [tilespmem:s8+$0xFFFFFFD0]  }
0x215: {  	v2 =	vld [tilespmem:s7+$0xFFFFFFD0];
	_ =	sdelay $0x3  }
0x216: {  	v3 =	vshll.u32 v1, $0x6  }
0x217: {  	v1 =	vadd.s32 v0, v1;
	v2 =	vadd.s32 v2, v3  }
0x218: {  	v2 =	vadd.s32 $0x3000, v2;
	_ =	sdelay $0x3  }
0x219: {  	v1 =	vld.idx.msk [tilespmem:v1+s17+$0x0], $0xffff  }
0x21a: {  	v2 =	vld.idx.msk [tilespmem:v2+s21+$0x0], $0xffff;
	_ =	sdelay $0x4  }
0x21b: {  	v1 =	vadd.f32 v1, v2;
	_ =	sdelay $0x1  }
0x21c: {  	[tilespmem:s6+$0xFFFFFFD0] =	vst v1  }
0x21d: {  	v1 =	vld [tilespmem:s8+$0xFFFFFFE0]  }
0x21e: {  	v2 =	vld [tilespmem:s7+$0xFFFFFFE0];
	_ =	sdelay $0x3  }
0x21f: {  	v3 =	vshll.u32 v1, $0x6  }
0x220: {  	v1 =	vadd.s32 v0, v1;
	v2 =	vadd.s32 v2, v3  }
0x221: {  	v2 =	vadd.s32 $0x3000, v2;
	_ =	sdelay $0x3  }
0x222: {  	v1 =	vld.idx.msk [tilespmem:v1+s17+$0x0], $0xffff  }
0x223: {  	v2 =	vld.idx.msk [tilespmem:v2+s21+$0x0], $0xffff;
	_ =	sdelay $0x4  }
0x224: {  	v1 =	vadd.f32 v1, v2;
	_ =	sdelay $0x1  }
0x225: {  	[tilespmem:s6+$0xFFFFFFE0] =	vst v1  }
0x226: {  	v1 =	vld [tilespmem:s8+$0xFFFFFFF0]  }
0x227: {  	v2 =	vld [tilespmem:s7+$0xFFFFFFF0];
	_ =	sdelay $0x3  }
0x228: {  	v3 =	vshll.u32 v1, $0x6  }
0x229: {  	v1 =	vadd.s32 v0, v1;
	v2 =	vadd.s32 v2, v3  }
0x22a: {  	v2 =	vadd.s32 $0x3000, v2;
	_ =	sdelay $0x3  }
0x22b: {  	v1 =	vld.idx.msk [tilespmem:v1+s17+$0x0], $0xffff  }
0x22c: {  	v2 =	vld.idx.msk [tilespmem:v2+s21+$0x0], $0xffff;
	_ =	sdelay $0x4  }
0x22d: {  	v1 =	vadd.f32 v1, v2;
	_ =	sdelay $0x1  }
0x22e: {  	[tilespmem:s6+$0xFFFFFFF0] =	vst v1  }
0x22f: {  	v1 =	vld [tilespmem:s8+$0x0]  }
0x230: {  	v2 =	vld [tilespmem:s7+$0x0];
	_ =	sdelay $0x3  }
0x231: {  	v3 =	vshll.u32 v1, $0x6  }
0x232: {  	v1 =	vadd.s32 v0, v1;
	v2 =	vadd.s32 v2, v3  }
0x233: {  	v2 =	vadd.s32 $0x3000, v2;
	_ =	sdelay $0x3  }
0x234: {  	v1 =	vld.idx.msk [tilespmem:v1+s17+$0x0], $0xffff  }
0x235: {  	v2 =	vld.idx.msk [tilespmem:v2+s21+$0x0], $0xffff  }
0x236: {  	s20 =	sadd.s32 $0x4, s20  }
0x237: {  	p0 =	slt.u32 s20, $0x1C  }
.Ltmp13:
0x238: {  	_ = 	snop;
	(pc) =	sbr.rel @p0 .LBB2_25-.Ltmp13, $3  }
0x239: {  	_ = 	snop  }
0x23a: {  	v1 =	vadd.f32 v1, v2;
	_ =	sdelay $0x1  }
0x23b: {  	s7 =	sadd.s32 $0x40, s7;
	s8 =	sadd.s32 $0x40, s8;
	[tilespmem:s6+$0x0] =	vst v1;
	s6 =	sadd.s32 $0x40, s6  }
0x23c: {  	s6 =	sor.u32 $0x300, s3;
	s20 =	simm.s32 $0xFFFFFFFC  }
0x23d: {  	s7 =	simm.s32 $0x13830;
	s8 =	simm.s32 $0x11830;
	v0 =	vmov s6;
	s6 =	simm.s32 $0x15830  }
.LBB2_27:
0x23e: {  	v1 =	vld [tilespmem:s8+$0xFFFFFFD0]  }
0x23f: {  	v2 =	vld [tilespmem:s7+$0xFFFFFFD0];
	_ =	sdelay $0x3  }
0x240: {  	v3 =	vshll.u32 v1, $0x6  }
0x241: {  	v1 =	vadd.s32 v0, v1;
	v2 =	vadd.s32 v2, v3  }
0x242: {  	v2 =	vadd.s32 $0x4000, v2;
	_ =	sdelay $0x3  }
0x243: {  	v1 =	vld.idx.msk [tilespmem:v1+s17+$0x0], $0xffff  }
0x244: {  	v2 =	vld.idx.msk [tilespmem:v2+s21+$0x0], $0xffff;
	_ =	sdelay $0x4  }
0x245: {  	v1 =	vadd.f32 v1, v2;
	_ =	sdelay $0x1  }
0x246: {  	[tilespmem:s6+$0xFFFFFFD0] =	vst v1  }
0x247: {  	v1 =	vld [tilespmem:s8+$0xFFFFFFE0]  }
0x248: {  	v2 =	vld [tilespmem:s7+$0xFFFFFFE0];
	_ =	sdelay $0x3  }
0x249: {  	v3 =	vshll.u32 v1, $0x6  }
0x24a: {  	v1 =	vadd.s32 v0, v1;
	v2 =	vadd.s32 v2, v3  }
0x24b: {  	v2 =	vadd.s32 $0x4000, v2;
	_ =	sdelay $0x3  }
0x24c: {  	v1 =	vld.idx.msk [tilespmem:v1+s17+$0x0], $0xffff  }
0x24d: {  	v2 =	vld.idx.msk [tilespmem:v2+s21+$0x0], $0xffff;
	_ =	sdelay $0x4  }
0x24e: {  	v1 =	vadd.f32 v1, v2;
	_ =	sdelay $0x1  }
0x24f: {  	[tilespmem:s6+$0xFFFFFFE0] =	vst v1  }
0x250: {  	v1 =	vld [tilespmem:s8+$0xFFFFFFF0]  }
0x251: {  	v2 =	vld [tilespmem:s7+$0xFFFFFFF0];
	_ =	sdelay $0x3  }
0x252: {  	v3 =	vshll.u32 v1, $0x6  }
0x253: {  	v1 =	vadd.s32 v0, v1;
	v2 =	vadd.s32 v2, v3  }
0x254: {  	v2 =	vadd.s32 $0x4000, v2;
	_ =	sdelay $0x3  }
0x255: {  	v1 =	vld.idx.msk [tilespmem:v1+s17+$0x0], $0xffff  }
0x256: {  	v2 =	vld.idx.msk [tilespmem:v2+s21+$0x0], $0xffff;
	_ =	sdelay $0x4  }
0x257: {  	v1 =	vadd.f32 v1, v2;
	_ =	sdelay $0x1  }
0x258: {  	[tilespmem:s6+$0xFFFFFFF0] =	vst v1  }
0x259: {  	v1 =	vld [tilespmem:s8+$0x0]  }
0x25a: {  	v2 =	vld [tilespmem:s7+$0x0];
	_ =	sdelay $0x3  }
0x25b: {  	v3 =	vshll.u32 v1, $0x6  }
0x25c: {  	v1 =	vadd.s32 v0, v1;
	v2 =	vadd.s32 v2, v3  }
0x25d: {  	v2 =	vadd.s32 $0x4000, v2;
	_ =	sdelay $0x3  }
0x25e: {  	v1 =	vld.idx.msk [tilespmem:v1+s17+$0x0], $0xffff  }
0x25f: {  	v2 =	vld.idx.msk [tilespmem:v2+s21+$0x0], $0xffff  }
0x260: {  	s20 =	sadd.s32 $0x4, s20  }
0x261: {  	p0 =	slt.u32 s20, $0x1C  }
.Ltmp14:
0x262: {  	_ = 	snop;
	(pc) =	sbr.rel @p0 .LBB2_27-.Ltmp14, $3  }
0x263: {  	_ = 	snop  }
0x264: {  	v1 =	vadd.f32 v1, v2;
	_ =	sdelay $0x1  }
0x265: {  	s7 =	sadd.s32 $0x40, s7;
	s8 =	sadd.s32 $0x40, s8;
	[tilespmem:s6+$0x0] =	vst v1;
	s6 =	sadd.s32 $0x40, s6  }
0x266: {  	s6 =	sor.u32 $0x340, s3;
	s20 =	simm.s32 $0xFFFFFFFC  }
0x267: {  	s7 =	simm.s32 $0x13A30;
	s8 =	simm.s32 $0x11A30;
	v0 =	vmov s6;
	s6 =	simm.s32 $0x15A30  }
.LBB2_29:
0x268: {  	v1 =	vld [tilespmem:s8+$0xFFFFFFD0]  }
0x269: {  	v2 =	vld [tilespmem:s7+$0xFFFFFFD0];
	_ =	sdelay $0x3  }
0x26a: {  	v3 =	vshll.u32 v1, $0x6  }
0x26b: {  	v1 =	vadd.s32 v0, v1;
	v2 =	vadd.s32 v2, v3  }
0x26c: {  	v2 =	vadd.s32 $0x5000, v2;
	_ =	sdelay $0x3  }
0x26d: {  	v1 =	vld.idx.msk [tilespmem:v1+s17+$0x0], $0xffff  }
0x26e: {  	v2 =	vld.idx.msk [tilespmem:v2+s21+$0x0], $0xffff;
	_ =	sdelay $0x4  }
0x26f: {  	v1 =	vadd.f32 v1, v2;
	_ =	sdelay $0x1  }
0x270: {  	[tilespmem:s6+$0xFFFFFFD0] =	vst v1  }
0x271: {  	v1 =	vld [tilespmem:s8+$0xFFFFFFE0]  }
0x272: {  	v2 =	vld [tilespmem:s7+$0xFFFFFFE0];
	_ =	sdelay $0x3  }
0x273: {  	v3 =	vshll.u32 v1, $0x6  }
0x274: {  	v1 =	vadd.s32 v0, v1;
	v2 =	vadd.s32 v2, v3  }
0x275: {  	v2 =	vadd.s32 $0x5000, v2;
	_ =	sdelay $0x3  }
0x276: {  	v1 =	vld.idx.msk [tilespmem:v1+s17+$0x0], $0xffff  }
0x277: {  	v2 =	vld.idx.msk [tilespmem:v2+s21+$0x0], $0xffff;
	_ =	sdelay $0x4  }
0x278: {  	v1 =	vadd.f32 v1, v2;
	_ =	sdelay $0x1  }
0x279: {  	[tilespmem:s6+$0xFFFFFFE0] =	vst v1  }
0x27a: {  	v1 =	vld [tilespmem:s8+$0xFFFFFFF0]  }
0x27b: {  	v2 =	vld [tilespmem:s7+$0xFFFFFFF0];
	_ =	sdelay $0x3  }
0x27c: {  	v3 =	vshll.u32 v1, $0x6  }
0x27d: {  	v1 =	vadd.s32 v0, v1;
	v2 =	vadd.s32 v2, v3  }
0x27e: {  	v2 =	vadd.s32 $0x5000, v2;
	_ =	sdelay $0x3  }
0x27f: {  	v1 =	vld.idx.msk [tilespmem:v1+s17+$0x0], $0xffff  }
0x280: {  	v2 =	vld.idx.msk [tilespmem:v2+s21+$0x0], $0xffff;
	_ =	sdelay $0x4  }
0x281: {  	v1 =	vadd.f32 v1, v2;
	_ =	sdelay $0x1  }
0x282: {  	[tilespmem:s6+$0xFFFFFFF0] =	vst v1  }
0x283: {  	v1 =	vld [tilespmem:s8+$0x0]  }
0x284: {  	v2 =	vld [tilespmem:s7+$0x0];
	_ =	sdelay $0x3  }
0x285: {  	v3 =	vshll.u32 v1, $0x6  }
0x286: {  	v1 =	vadd.s32 v0, v1;
	v2 =	vadd.s32 v2, v3  }
0x287: {  	v2 =	vadd.s32 $0x5000, v2;
	_ =	sdelay $0x3  }
0x288: {  	v1 =	vld.idx.msk [tilespmem:v1+s17+$0x0], $0xffff  }
0x289: {  	v2 =	vld.idx.msk [tilespmem:v2+s21+$0x0], $0xffff  }
0x28a: {  	s20 =	sadd.s32 $0x4, s20  }
0x28b: {  	p0 =	slt.u32 s20, $0x1C  }
.Ltmp15:
0x28c: {  	_ = 	snop;
	(pc) =	sbr.rel @p0 .LBB2_29-.Ltmp15, $3  }
0x28d: {  	_ = 	snop  }
0x28e: {  	v1 =	vadd.f32 v1, v2;
	_ =	sdelay $0x1  }
0x28f: {  	s7 =	sadd.s32 $0x40, s7;
	s8 =	sadd.s32 $0x40, s8;
	[tilespmem:s6+$0x0] =	vst v1;
	s6 =	sadd.s32 $0x40, s6  }
0x290: {  	s6 =	sor.u32 $0x380, s3;
	s20 =	simm.s32 $0xFFFFFFFC  }
0x291: {  	s7 =	simm.s32 $0x13C30;
	s8 =	simm.s32 $0x11C30;
	v0 =	vmov s6;
	s6 =	simm.s32 $0x15C30  }
.LBB2_31:
0x292: {  	v1 =	vld [tilespmem:s8+$0xFFFFFFD0]  }
0x293: {  	v2 =	vld [tilespmem:s7+$0xFFFFFFD0];
	_ =	sdelay $0x3  }
0x294: {  	v3 =	vshll.u32 v1, $0x6  }
0x295: {  	v1 =	vadd.s32 v0, v1;
	v2 =	vadd.s32 v2, v3  }
0x296: {  	v2 =	vadd.s32 $0x6000, v2;
	_ =	sdelay $0x3  }
0x297: {  	v1 =	vld.idx.msk [tilespmem:v1+s17+$0x0], $0xffff  }
0x298: {  	v2 =	vld.idx.msk [tilespmem:v2+s21+$0x0], $0xffff;
	_ =	sdelay $0x4  }
0x299: {  	v1 =	vadd.f32 v1, v2;
	_ =	sdelay $0x1  }
0x29a: {  	[tilespmem:s6+$0xFFFFFFD0] =	vst v1  }
0x29b: {  	v1 =	vld [tilespmem:s8+$0xFFFFFFE0]  }
0x29c: {  	v2 =	vld [tilespmem:s7+$0xFFFFFFE0];
	_ =	sdelay $0x3  }
0x29d: {  	v3 =	vshll.u32 v1, $0x6  }
0x29e: {  	v1 =	vadd.s32 v0, v1;
	v2 =	vadd.s32 v2, v3  }
0x29f: {  	v2 =	vadd.s32 $0x6000, v2;
	_ =	sdelay $0x3  }
0x2a0: {  	v1 =	vld.idx.msk [tilespmem:v1+s17+$0x0], $0xffff  }
0x2a1: {  	v2 =	vld.idx.msk [tilespmem:v2+s21+$0x0], $0xffff;
	_ =	sdelay $0x4  }
0x2a2: {  	v1 =	vadd.f32 v1, v2;
	_ =	sdelay $0x1  }
0x2a3: {  	[tilespmem:s6+$0xFFFFFFE0] =	vst v1  }
0x2a4: {  	v1 =	vld [tilespmem:s8+$0xFFFFFFF0]  }
0x2a5: {  	v2 =	vld [tilespmem:s7+$0xFFFFFFF0];
	_ =	sdelay $0x3  }
0x2a6: {  	v3 =	vshll.u32 v1, $0x6  }
0x2a7: {  	v1 =	vadd.s32 v0, v1;
	v2 =	vadd.s32 v2, v3  }
0x2a8: {  	v2 =	vadd.s32 $0x6000, v2;
	_ =	sdelay $0x3  }
0x2a9: {  	v1 =	vld.idx.msk [tilespmem:v1+s17+$0x0], $0xffff  }
0x2aa: {  	v2 =	vld.idx.msk [tilespmem:v2+s21+$0x0], $0xffff;
	_ =	sdelay $0x4  }
0x2ab: {  	v1 =	vadd.f32 v1, v2;
	_ =	sdelay $0x1  }
0x2ac: {  	[tilespmem:s6+$0xFFFFFFF0] =	vst v1  }
0x2ad: {  	v1 =	vld [tilespmem:s8+$0x0]  }
0x2ae: {  	v2 =	vld [tilespmem:s7+$0x0];
	_ =	sdelay $0x3  }
0x2af: {  	v3 =	vshll.u32 v1, $0x6  }
0x2b0: {  	v1 =	vadd.s32 v0, v1;
	v2 =	vadd.s32 v2, v3  }
0x2b1: {  	v2 =	vadd.s32 $0x6000, v2;
	_ =	sdelay $0x3  }
0x2b2: {  	v1 =	vld.idx.msk [tilespmem:v1+s17+$0x0], $0xffff  }
0x2b3: {  	v2 =	vld.idx.msk [tilespmem:v2+s21+$0x0], $0xffff  }
0x2b4: {  	s20 =	sadd.s32 $0x4, s20  }
0x2b5: {  	p0 =	slt.u32 s20, $0x1C  }
.Ltmp16:
0x2b6: {  	_ = 	snop;
	(pc) =	sbr.rel @p0 .LBB2_31-.Ltmp16, $3  }
0x2b7: {  	_ = 	snop  }
0x2b8: {  	v1 =	vadd.f32 v1, v2;
	_ =	sdelay $0x1  }
0x2b9: {  	s7 =	sadd.s32 $0x40, s7;
	s8 =	sadd.s32 $0x40, s8;
	[tilespmem:s6+$0x0] =	vst v1;
	s6 =	sadd.s32 $0x40, s6  }
0x2ba: {  	s6 =	sor.u32 $0x3C0, s3;
	s3 =	simm.s32 $0xFFFFFFFC  }
0x2bb: {  	s7 =	simm.s32 $0x13E30;
	s8 =	simm.s32 $0x11E30;
	v0 =	vmov s6;
	s6 =	simm.s32 $0x15E30  }
.LBB2_33:
0x2bc: {  	v1 =	vld [tilespmem:s8+$0xFFFFFFD0]  }
0x2bd: {  	v2 =	vld [tilespmem:s7+$0xFFFFFFD0];
	_ =	sdelay $0x3  }
0x2be: {  	v3 =	vshll.u32 v1, $0x6  }
0x2bf: {  	v1 =	vadd.s32 v0, v1;
	v2 =	vadd.s32 v2, v3  }
0x2c0: {  	v2 =	vadd.s32 $0x7000, v2;
	_ =	sdelay $0x3  }
0x2c1: {  	v1 =	vld.idx.msk [tilespmem:v1+s17+$0x0], $0xffff  }
0x2c2: {  	v2 =	vld.idx.msk [tilespmem:v2+s21+$0x0], $0xffff;
	_ =	sdelay $0x4  }
0x2c3: {  	v1 =	vadd.f32 v1, v2;
	_ =	sdelay $0x1  }
0x2c4: {  	[tilespmem:s6+$0xFFFFFFD0] =	vst v1  }
0x2c5: {  	v1 =	vld [tilespmem:s8+$0xFFFFFFE0]  }
0x2c6: {  	v2 =	vld [tilespmem:s7+$0xFFFFFFE0];
	_ =	sdelay $0x3  }
0x2c7: {  	v3 =	vshll.u32 v1, $0x6  }
0x2c8: {  	v1 =	vadd.s32 v0, v1;
	v2 =	vadd.s32 v2, v3  }
0x2c9: {  	v2 =	vadd.s32 $0x7000, v2;
	_ =	sdelay $0x3  }
0x2ca: {  	v1 =	vld.idx.msk [tilespmem:v1+s17+$0x0], $0xffff  }
0x2cb: {  	v2 =	vld.idx.msk [tilespmem:v2+s21+$0x0], $0xffff;
	_ =	sdelay $0x4  }
0x2cc: {  	v1 =	vadd.f32 v1, v2;
	_ =	sdelay $0x1  }
0x2cd: {  	[tilespmem:s6+$0xFFFFFFE0] =	vst v1  }
0x2ce: {  	v1 =	vld [tilespmem:s8+$0xFFFFFFF0]  }
0x2cf: {  	v2 =	vld [tilespmem:s7+$0xFFFFFFF0];
	_ =	sdelay $0x3  }
0x2d0: {  	v3 =	vshll.u32 v1, $0x6  }
0x2d1: {  	v1 =	vadd.s32 v0, v1;
	v2 =	vadd.s32 v2, v3  }
0x2d2: {  	v2 =	vadd.s32 $0x7000, v2;
	_ =	sdelay $0x3  }
0x2d3: {  	v1 =	vld.idx.msk [tilespmem:v1+s17+$0x0], $0xffff  }
0x2d4: {  	v2 =	vld.idx.msk [tilespmem:v2+s21+$0x0], $0xffff;
	_ =	sdelay $0x4  }
0x2d5: {  	v1 =	vadd.f32 v1, v2;
	_ =	sdelay $0x1  }
0x2d6: {  	[tilespmem:s6+$0xFFFFFFF0] =	vst v1  }
0x2d7: {  	v1 =	vld [tilespmem:s8+$0x0]  }
0x2d8: {  	v2 =	vld [tilespmem:s7+$0x0];
	_ =	sdelay $0x3  }
0x2d9: {  	v3 =	vshll.u32 v1, $0x6  }
0x2da: {  	v1 =	vadd.s32 v0, v1;
	v2 =	vadd.s32 v2, v3  }
0x2db: {  	v2 =	vadd.s32 $0x7000, v2;
	_ =	sdelay $0x3  }
0x2dc: {  	v1 =	vld.idx.msk [tilespmem:v1+s17+$0x0], $0xffff  }
0x2dd: {  	v2 =	vld.idx.msk [tilespmem:v2+s21+$0x0], $0xffff  }
0x2de: {  	s3 =	sadd.s32 $0x4, s3  }
0x2df: {  	p0 =	slt.u32 s3, $0x1C  }
.Ltmp17:
0x2e0: {  	_ = 	snop;
	(pc) =	sbr.rel @p0 .LBB2_33-.Ltmp17, $3  }
0x2e1: {  	_ = 	snop  }
0x2e2: {  	v1 =	vadd.f32 v1, v2;
	_ =	sdelay $0x1  }
0x2e3: {  	s7 =	sadd.s32 $0x40, s7;
	s8 =	sadd.s32 $0x40, s8;
	[tilespmem:s6+$0x0] =	vst v1;
	s6 =	sadd.s32 $0x40, s6  }
.Ltmp18:
0x2e4: {  	(pc) =	sbr.rel @p1 .LBB2_36-.Ltmp18, $3  }
0x2e5: {  	_ =	sdelay $0x1  }
0x2e6: {  	s3 =	sadd.s32 s19, s13  }
0x2e7: {  	[hbm4b:s3+s5] =	stream.linear.scatter [tilespmem:s28], [sflag:$0x4], $0x1000, $0x38;
	[tilespmem:$0x18000] =	vst v63  }
0x2e8: {  	s3 =	sshll.u32 s0, $0x4  }
0x2e9: {  	s3 =	sadd.s32 s3, s15  }
0x2ea: {  	s6 =	sshll.u32 s3, $0x9  }
0x2eb: {  	s6 =	sand.u32 $0x1FFFF000, s6  }
0x2ec: {  	s3 =	sshll.u32 s3, $0x6;
	s6 =	sadd.s32 s1, s6  }
0x2ed: {  	[tilespmem:s21], [sflag:$0x2] =	stream.linear.gather [hbm4b:s6+s5], $0x8000, $0x38;
	[tilespmem:$0x18000] =	vst v63  }
.Ltmp19:
0x2ee: {  	s3 =	sand.u32 $0x1FFFFE00, s3;
	(pc) =	sbr.rel .LBB2_2-.Ltmp19, $4  }
0x2ef: {  	s20 =	sadd.s32 s2, s3  }
0x2f0: {  	[tilespmem:s22], [sflag:$0x2] =	stream.linear.gather [hbm4b:s20+s5], $0x1000, $0x38;
	[tilespmem:$0x18000] =	vst v63  }
0x2f1: {  	s0 =	sadd.s32 $0x1, s0;
	s3 =	sadd.s32 s4, s3  }
0x2f2: {  	[tilespmem:s23], [sflag:$0x2] =	stream.linear.gather [hbm4b:s3+s5], $0x1000, $0x38;
	[tilespmem:$0x18000] =	vst v63  }
.LBB2_37:
0x2f3: {  	_ =	sfence.sel $0x180000  }
0x2f4: {  	[bflag:$0x0] =	sbarrier.arrive $0xFFFF  }
0x2f5: {  	_ =	strace $0x90000047  }
0x2f6: {  	s0 =	stileid.u32;
	[bflag:$0x2] =	sbarrier.arrive $0xFFFF  }
0x2f7: {  	p0 =	sne.s32 s0, $0x0;
	s0 =	rddreg [dreg:$0x5]  }
0x2f8: {  	s0 =	sadd.s32 @!p0 $0x100000, s0  }
0x2f9: {  	[sflag:s0] =	ssyncadd.tile.s32 @!p0 $0x1;
	_ =	shalt  }
.Lfunc_end2:
_tile_overlayer_lowered:
.L_overlay_start_2:
0x2fa: {  	(tag) =	ssettag $0x2  }
0x2fb: {  	s0 =	rddreg [dreg:$0x0];
	s2 =	stileid.u32  }
0x2fc: {  	s1 =	rddreg [dreg:$0x1];
	p0 =	sne.s32 s2, $0x0  }
0x2fd: {  	s3 =	rddreg [dreg:$0x2];
	[bflag:$0x3] =	sbarrier.arrive $0xFFFF;
	s2 =	simm.s32 @!p0 $0x1C05  }
0x2fe: {  	[timem:s3], [sflag:s2] =	dma.local @!p0 [hbm:s0], s1  }
0x2ff: {  	s0 =	simm.s32 @!p0 $0x5  }
0x300: {  	_ =	swait.ge @!p0 [sflag:s0], s1  }
0x301: {  	s1 =	ssub.s32 @!p0 $0x0, s1;
	[sflag:s0] =	ssyncset.done @!p0 $0x0  }
0x302: {  	[sflag:s0] =	ssyncadd.s32 @!p0 s1  }
0x303: {  	[bflag:$0x3] =	sbarrier.arrive $0xFFFF  }
0x304: {  	_ =	shalt  }

</sc_bundles>
